<compile_context>
chip_gen: v7x
topology: tpu7x:2x2x1
jax: 0.10.2.dev20260603
libtpu: 0.0.44.dev20260713+nightly
codegen_flags: <defaults>
</compile_context>

<pallas_src>
import jax
import jax.numpy as jnp
from jax import lax
from jax.experimental import pallas as pl
from jax.experimental.pallas import tpu as pltpu
from jax.experimental.pallas import tpu_sc as plsc

T = 32
D = 1024
E = 64
K = 8
F_MOE = 512
F_SH = 2816
L = 16


def _logits_body(x_ref, gate_ref, logits_ref):
    logits_ref[...] = jnp.dot(x_ref[...], gate_ref[...],
                              preferred_element_type=jnp.float32)


def _logits_call(x, gate_w):
    return pl.pallas_call(
        _logits_body,
        out_shape=jax.ShapeDtypeStruct((T, E), jnp.float32),
    )(x, gate_w)


_GATHER_DN = lax.GatherDimensionNumbers(
    offset_dims=(), collapsed_slice_dims=(0,), start_index_map=(0,))


def _lane_permute(v, idx):
    return lax.gather(v, idx[:, None], _GATHER_DN, slice_sizes=(1,),
                      mode=lax.GatherScatterMode.PROMISE_IN_BOUNDS)


def _lane_reduce(v, op):
    for sh in (8, 4, 2, 1):
        idx = lax.iota(jnp.int32, L) ^ sh
        v = op(v, _lane_permute(v, idx))
    return v


def _routing_body(logits_hbm, out_hbm, row_v, wrow_v):
    wid = lax.axis_index("s") * 2 + lax.axis_index("c")
    pltpu.sync_copy(logits_hbm.at[wid], row_v)
    nchunk = E // L
    lorig = [row_v[pl.ds(j * L, L)] for j in range(nchunk)]
    lcur = list(lorig)
    msel = [jnp.zeros((L,), jnp.float32) for _ in range(nchunk)]
    neg = jnp.float32(-3.0e38)
    big = jnp.int32(2 ** 30)
    m0 = None
    for k in range(K):
        m = lcur[0]
        for j in range(1, nchunk):
            m = jnp.maximum(m, lcur[j])
        mmax = _lane_reduce(m, jnp.maximum)
        if k == 0:
            m0 = mmax
        cmin = None
        for j in range(nchunk):
            ij = lax.iota(jnp.int32, L) + j * L
            cand = jnp.where(lcur[j] == mmax, ij, big)
            cmin = cand if cmin is None else jnp.minimum(cmin, cand)
        sel = _lane_reduce(cmin, jnp.minimum)
        for j in range(nchunk):
            ij = lax.iota(jnp.int32, L) + j * L
            hit = ij == sel
            lcur[j] = jnp.where(hit, neg, lcur[j])
            msel[j] = jnp.where(hit, jnp.float32(1.0), msel[j])
    esum = None
    ej = []
    for j in range(nchunk):
        v = jnp.exp(lorig[j] - m0) * msel[j]
        ej.append(v)
        esum = v if esum is None else esum + v
    esum = _lane_reduce(esum, jnp.add)
    for j in range(nchunk):
        wrow_v[pl.ds(j * L, L)] = ej[j] / esum
    pltpu.sync_copy(wrow_v, out_hbm.at[wid])


def _routing_call(logits):
    mesh = plsc.VectorSubcoreMesh(core_axis_name="c", subcore_axis_name="s")
    f = pl.kernel(
        _routing_body,
        mesh=mesh,
        out_type=jax.ShapeDtypeStruct((T, E), jnp.float32),
        scratch_types=[
            pltpu.VMEM((E,), jnp.float32),
            pltpu.VMEM((E,), jnp.float32),
        ],
    )
    return f(logits)


KCH = D // 256
JCH = F_SH // 256


def _big_body(x_ref, wfull_ref, seg_ref, shg_hbm, shu_hbm, shd_hbm,
              wg_ref, wu_ref, wd_ref, out_ref,
              gbuf, ubuf, dbuf, ga, ua, shacc, gsem, usem, dsem):
    e = pl.program_id(0)
    x = x_ref[...]

    @pl.when(e == 0)
    def _():
        out_ref[...] = jnp.zeros_like(out_ref)

    def g_cp(k, slot):
        return pltpu.make_async_copy(
            shg_hbm.at[pl.ds(k * 256, 256), :], gbuf.at[slot], gsem.at[slot])

    def u_cp(k, slot):
        return pltpu.make_async_copy(
            shu_hbm.at[pl.ds(k * 256, 256), :], ubuf.at[slot], usem.at[slot])

    def d_cp(j, slot):
        return pltpu.make_async_copy(
            shd_hbm.at[pl.ds(j * 256, 256), :], dbuf.at[slot], dsem.at[slot])

    @pl.when(e == 0)
    def _():
        g_cp(0, 0).start()
        u_cp(0, 0).start()

    for k in range(KCH):
        @pl.when(e == k + 1)
        def _(k=k):
            slot = k % 2
            if k + 1 < KCH:
                g_cp(k + 1, 1 - slot).start()
                u_cp(k + 1, 1 - slot).start()
            g_cp(k, slot).wait()
            u_cp(k, slot).wait()
            xk = x[:, k * 256:(k + 1) * 256]
            gk = jnp.dot(xk, gbuf[slot], preferred_element_type=jnp.float32)
            uk = jnp.dot(xk, ubuf[slot], preferred_element_type=jnp.float32)
            if k == 0:
                ga[...] = gk
                ua[...] = uk
            else:
                ga[...] += gk
                ua[...] += uk
            if k == KCH - 1:
                d_cp(0, 0).start()

    for j in range(JCH):
        @pl.when(e == j + KCH + 1)
        def _(j=j):
            slot = j % 2
            if j + 1 < JCH:
                d_cp(j + 1, 1 - slot).start()
            d_cp(j, slot).wait()
            gj = ga[:, j * 256:(j + 1) * 256]
            uj = ua[:, j * 256:(j + 1) * 256]
            act = gj * jax.nn.sigmoid(gj) * uj
            yj = jnp.dot(act, dbuf[slot], preferred_element_type=jnp.float32)
            if j == 0:
                shacc[...] = yj
            else:
                shacc[...] += yj

    @pl.when(e == JCH + KCH + 2)
    def _():
        sg = jax.nn.sigmoid(jnp.dot(x, seg_ref[...],
                                    preferred_element_type=jnp.float32))
        out_ref[...] += shacc[...] * sg

    g = jnp.dot(x, wg_ref[0], preferred_element_type=jnp.float32)
    u = jnp.dot(x, wu_ref[0], preferred_element_type=jnp.float32)
    act = g * jax.nn.sigmoid(g) * u
    onehot = (lax.broadcasted_iota(jnp.int32, (E, 1), 0) == e).astype(jnp.float32)
    wcol = jnp.dot(wfull_ref[...], onehot, preferred_element_type=jnp.float32)
    act = act * wcol
    out_ref[...] += jnp.dot(act, wd_ref[0], preferred_element_type=jnp.float32)


def _big_call(x, w_full, seg_w, shg, shu, shd,
              expert_gate, expert_up, expert_down):
    return pl.pallas_call(
        _big_body,
        grid=(E,),
        in_specs=[
            pl.BlockSpec((T, D), lambda e: (0, 0)),
            pl.BlockSpec((T, E), lambda e: (0, 0)),
            pl.BlockSpec((D, 1), lambda e: (0, 0)),
            pl.BlockSpec(memory_space=pl.ANY),
            pl.BlockSpec(memory_space=pl.ANY),
            pl.BlockSpec(memory_space=pl.ANY),
            pl.BlockSpec((1, D, F_MOE), lambda e: (e, 0, 0)),
            pl.BlockSpec((1, D, F_MOE), lambda e: (e, 0, 0)),
            pl.BlockSpec((1, F_MOE, D), lambda e: (e, 0, 0)),
        ],
        out_specs=pl.BlockSpec((T, D), lambda e: (0, 0)),
        out_shape=jax.ShapeDtypeStruct((T, D), jnp.float32),
        scratch_shapes=[
            pltpu.VMEM((2, 256, F_SH), jnp.float32),
            pltpu.VMEM((2, 256, F_SH), jnp.float32),
            pltpu.VMEM((2, 256, D), jnp.float32),
            pltpu.VMEM((T, F_SH), jnp.float32),
            pltpu.VMEM((T, F_SH), jnp.float32),
            pltpu.VMEM((T, D), jnp.float32),
            pltpu.SemaphoreType.DMA((2,)),
            pltpu.SemaphoreType.DMA((2,)),
            pltpu.SemaphoreType.DMA((2,)),
        ],
    )(x, w_full, seg_w, shg, shu, shd, expert_gate, expert_up, expert_down)


def kernel(hidden_states, gate_w, expert_gate, expert_up, expert_down,
           shared_gate_w, shared_up_w, shared_down_w, shared_expert_gate_w):
    b, s, d = hidden_states.shape
    x = hidden_states.reshape(-1, d)
    logits = _logits_call(x, gate_w)
    w_full = _routing_call(logits)
    out = _big_call(x, w_full, shared_expert_gate_w,
                    shared_gate_w, shared_up_w, shared_down_w,
                    expert_gate, expert_up, expert_down)
    return out.reshape(b, s, d), logits

# --- scband reference (transcript-rebuilt; emitter-appended) ---
"""Pipeline reference for scband-qwen2-moe-sparse-moe-block-65429531788003 (READ-ONLY COPY).

The authoritative reference and input builder live on the scoring server;
editing this copy changes nothing except your own understanding.
"""

import jax, jax.numpy as jnp
import numpy as np

B, S, D = 32, 1, 1024
E, K = 64, 8
F_MOE = 512
F_SH = 2816

def setup_inputs(seed: int = 0) -> dict:
    key = jax.random.key(seed)
    ks = jax.random.split(key, 9)
    sc = 0.02
    return {
        "hidden_states": jax.random.normal(ks[0], (B, S, D), dtype=jnp.float32),
        "gate_w": jax.random.normal(ks[1], (D, E), dtype=jnp.float32) * sc,
        "expert_gate": jax.random.normal(ks[2], (E, D, F_MOE), dtype=jnp.float32) * sc,
        "expert_up": jax.random.normal(ks[3], (E, D, F_MOE), dtype=jnp.float32) * sc,
        "expert_down": jax.random.normal(ks[4], (E, F_MOE, D), dtype=jnp.float32) * sc,
        "shared_gate_w": jax.random.normal(ks[5], (D, F_SH), dtype=jnp.float32) * sc,
        "shared_up_w": jax.random.normal(ks[6], (D, F_SH), dtype=jnp.float32) * sc,
        "shared_down_w": jax.random.normal(ks[7], (F_SH, D), dtype=jnp.float32) * sc,
        "shared_expert_gate_w": jax.random.normal(ks[8], (D, 1), dtype=jnp.float32) * sc,
    }

def reference(hidden_states, gate_w, expert_gate, expert_up, expert_down,
              shared_gate_w, shared_up_w, shared_down_w, shared_expert_gate_w):
    b, s, d = hidden_states.shape
    x = hidden_states.reshape(-1, d)
    # router
    router_logits = x @ gate_w
    routing_weights = jax.nn.softmax(router_logits.astype(jnp.float32), axis=1)
    topw, selected_experts = jax.lax.top_k(routing_weights, K)
    # norm_topk_prob = True
    topw = topw / jnp.sum(topw, axis=-1, keepdims=True)
    topw = topw.astype(x.dtype)
    # dense dispatch weights [T, E]; zero for non-selected experts (math-equivalent to index_add loop)
    w_full = jnp.sum(jax.nn.one_hot(selected_experts, E, dtype=x.dtype) * topw[..., None], axis=1)
    # expert MLPs (SwiGLU): silu(x Wg) * (x Wu) then Wd
    g = jax.nn.silu(jnp.einsum('td,edf->etf', x, expert_gate))
    u = jnp.einsum('td,edf->etf', x, expert_up)
    y = jnp.einsum('etf,efd->etd', g * u, expert_down)
    moe_out = jnp.einsum('te,etd->td', w_full, y)
    # shared expert with sigmoid gate
    sh = jax.nn.silu(x @ shared_gate_w) * (x @ shared_up_w)
    sh = sh @ shared_down_w
    sh = jax.nn.sigmoid(x @ shared_expert_gate_w) * sh
    final = (moe_out + sh).reshape(b, s, d)
    return final, router_logits

if __name__ == "__main__":
    import jax
    _d = setup_inputs()
    print(jax.jit(kernel)(*tuple(_d.values())))

</pallas_src>

<mosaic_0001>
#map = affine_map<(d0, d1) -> (0, 0)>
module attributes {stable_mosaic.version = 14 : i64} {
  func.func @_routing_body(%arg0: i32, %arg1: i32, %arg2: memref<32x64xf32, #tpu.memory_space<hbm>>, %arg3: memref<32x64xf32, #tpu.memory_space<hbm>>, %arg4: memref<64xf32, #tpu.memory_space<vmem>>, %arg5: memref<64xf32, #tpu.memory_space<vmem>>) attributes {dimension_semantics = [#tpu.dimension_semantics<core_parallel>, #tpu.dimension_semantics<subcore_parallel>], iteration_bounds = array<i64: 2, 16>, scalar_prefetch = 0 : i64, scratch_operands = 2 : i64, tpu.core_type = #tpu.core_type<sc_vector_subcore>, window_params = [{transform_indices = #map}, {transform_indices = #map}]} {
    %mul3A = arith.constant 2 : i32
    %mul3A_0 = arith.muli %arg1, %mul3A : i32
    %add3A = arith.addi %mul3A_0, %arg0 : i32
    "tpu.region"() ({
      %run_scoped3A = tpu.sem_alloc : memref<!tpu.dma_semaphore, #tpu.memory_space<semaphore_mem>>
      %dma_start3A = arith.constant 0 : i32
      %dma_start3A_1242 = tpu.memref_slice %arg2[%add3A, %dma_start3A] : memref<32x64xf32, #tpu.memory_space<hbm>> -> memref<1x64xf32, #tpu.memory_space<hbm>>
      %dma_start3A_1243 = tpu.memref_squeeze %dma_start3A_1242 : memref<1x64xf32, #tpu.memory_space<hbm>> -> memref<64xf32, #tpu.memory_space<hbm>>
      %dma_start3A_1244 = arith.constant 0 : i32
      %dma_start3A_1245 = tpu.memref_slice %arg2[%add3A, %dma_start3A_1244] : memref<32x64xf32, #tpu.memory_space<hbm>> -> memref<1x64xf32, #tpu.memory_space<hbm>>
      %dma_start3A_1246 = tpu.memref_squeeze %dma_start3A_1245 : memref<1x64xf32, #tpu.memory_space<hbm>> -> memref<64xf32, #tpu.memory_space<hbm>>
      tpu.enqueue_dma source(%dma_start3A_1246 : memref<64xf32, #tpu.memory_space<hbm>>) target(%arg4 : memref<64xf32, #tpu.memory_space<vmem>>) target_semaphore(%run_scoped3A : memref<!tpu.dma_semaphore, #tpu.memory_space<semaphore_mem>>)
      %dma_wait3A = arith.constant 0 : i32
      %dma_wait3A_1247 = tpu.memref_slice %arg2[%add3A, %dma_wait3A] : memref<32x64xf32, #tpu.memory_space<hbm>> -> memref<1x64xf32, #tpu.memory_space<hbm>>
      %dma_wait3A_1248 = tpu.memref_squeeze %dma_wait3A_1247 : memref<1x64xf32, #tpu.memory_space<hbm>> -> memref<64xf32, #tpu.memory_space<hbm>>
      %dma_wait3A_1249 = arith.constant 0 : i32
      %dma_wait3A_1250 = tpu.memref_slice %arg2[%add3A, %dma_wait3A_1249] : memref<32x64xf32, #tpu.memory_space<hbm>> -> memref<1x64xf32, #tpu.memory_space<hbm>>
      %dma_wait3A_1251 = tpu.memref_squeeze %dma_wait3A_1250 : memref<1x64xf32, #tpu.memory_space<hbm>> -> memref<64xf32, #tpu.memory_space<hbm>>
      tpu.wait_dma2 semaphore(%run_scoped3A : memref<!tpu.dma_semaphore, #tpu.memory_space<semaphore_mem>>) src(%dma_wait3A_1251 : memref<64xf32, #tpu.memory_space<hbm>>) dst(%arg4 : memref<64xf32, #tpu.memory_space<vmem>>)
      tpu.yield
    }) : () -> ()
    %get3A = arith.constant 0 : index
    %get3A_1 = tpu.vector_load %arg4[%get3A] {strides = array<i32>} : memref<64xf32, #tpu.memory_space<vmem>>, vector<16xf32>,
    %get3A_2 = vector.shape_cast %get3A_1 : vector<16xf32> to vector<16xf32>
    %get3A_3 = arith.constant 16 : index
    %get3A_4 = tpu.vector_load %arg4[%get3A_3] {strides = array<i32>} : memref<64xf32, #tpu.memory_space<vmem>>, vector<16xf32>,
    %get3A_5 = vector.shape_cast %get3A_4 : vector<16xf32> to vector<16xf32>
    %get3A_6 = arith.constant 32 : index
    %get3A_7 = tpu.vector_load %arg4[%get3A_6] {strides = array<i32>} : memref<64xf32, #tpu.memory_space<vmem>>, vector<16xf32>,
    %get3A_8 = vector.shape_cast %get3A_7 : vector<16xf32> to vector<16xf32>
    %get3A_9 = arith.constant 48 : index
    %get3A_10 = tpu.vector_load %arg4[%get3A_9] {strides = array<i32>} : memref<64xf32, #tpu.memory_space<vmem>>, vector<16xf32>,
    %get3A_11 = vector.shape_cast %get3A_10 : vector<16xf32> to vector<16xf32>
    %broadcast_in_dim3A = arith.constant 0.000000e+00 : f32
    %broadcast_in_dim3A_12 = vector.broadcast %broadcast_in_dim3A : f32 to vector<16xf32>
    %broadcast_in_dim3A_13 = arith.constant 0.000000e+00 : f32
    %broadcast_in_dim3A_14 = vector.broadcast %broadcast_in_dim3A_13 : f32 to vector<16xf32>
    %broadcast_in_dim3A_15 = arith.constant 0.000000e+00 : f32
    %broadcast_in_dim3A_16 = vector.broadcast %broadcast_in_dim3A_15 : f32 to vector<16xf32>
    %broadcast_in_dim3A_17 = arith.constant 0.000000e+00 : f32
    %broadcast_in_dim3A_18 = vector.broadcast %broadcast_in_dim3A_17 : f32 to vector<16xf32>
    %max3A = arith.maximumf %get3A_2, %get3A_5 : vector<16xf32>
    %max3A_19 = arith.maximumf %max3A, %get3A_8 : vector<16xf32>
    %max3A_20 = arith.maximumf %max3A_19, %get3A_11 : vector<16xf32>
    %iota3A = tpu.iota {dimensions = array<i32: 0>} : vector<16xi32>
    %xor3A = arith.constant 8 : i32
    %xor3A_21 = vector.broadcast %xor3A : i32 to vector<16xi32>
    %xor3A_22 = arith.xori %iota3A, %xor3A_21 : vector<16xi32>
    %broadcast_in_dim3A_23 = vector.shape_cast %xor3A_22 : vector<16xi32> to vector<16x1xi32>
    %gather3A = vector.shape_cast %broadcast_in_dim3A_23 : vector<16x1xi32> to vector<16xi32>
    %gather3A_24 = tpu.dynamic_gather %max3A_20[%gather3A] in [0] : vector<16xf32>, vector<16xi32> -> vector<16xf32>
    %max3A_25 = arith.maximumf %max3A_20, %gather3A_24 : vector<16xf32>
    %iota3A_26 = tpu.iota {dimensions = array<i32: 0>} : vector<16xi32>
    %xor3A_27 = arith.constant 4 : i32
    %xor3A_28 = vector.broadcast %xor3A_27 : i32 to vector<16xi32>
    %xor3A_29 = arith.xori %iota3A_26, %xor3A_28 : vector<16xi32>
    %broadcast_in_dim3A_30 = vector.shape_cast %xor3A_29 : vector<16xi32> to vector<16x1xi32>
    %gather3A_31 = vector.shape_cast %broadcast_in_dim3A_30 : vector<16x1xi32> to vector<16xi32>
    %gather3A_32 = tpu.dynamic_gather %max3A_25[%gather3A_31] in [0] : vector<16xf32>, vector<16xi32> -> vector<16xf32>
    %max3A_33 = arith.maximumf %max3A_25, %gather3A_32 : vector<16xf32>
    %iota3A_34 = tpu.iota {dimensions = array<i32: 0>} : vector<16xi32>
    %xor3A_35 = arith.constant 2 : i32
    %xor3A_36 = vector.broadcast %xor3A_35 : i32 to vector<16xi32>
    %xor3A_37 = arith.xori %iota3A_34, %xor3A_36 : vector<16xi32>
    %broadcast_in_dim3A_38 = vector.shape_cast %xor3A_37 : vector<16xi32> to vector<16x1xi32>
    %gather3A_39 = vector.shape_cast %broadcast_in_dim3A_38 : vector<16x1xi32> to vector<16xi32>
    %gather3A_40 = tpu.dynamic_gather %max3A_33[%gather3A_39] in [0] : vector<16xf32>, vector<16xi32> -> vector<16xf32>
    %max3A_41 = arith.maximumf %max3A_33, %gather3A_40 : vector<16xf32>
    %iota3A_42 = tpu.iota {dimensions = array<i32: 0>} : vector<16xi32>
    %xor3A_43 = arith.constant 1 : i32
    %xor3A_44 = vector.broadcast %xor3A_43 : i32 to vector<16xi32>
    %xor3A_45 = arith.xori %iota3A_42, %xor3A_44 : vector<16xi32>
    %broadcast_in_dim3A_46 = vector.shape_cast %xor3A_45 : vector<16xi32> to vector<16x1xi32>
    %gather3A_47 = vector.shape_cast %broadcast_in_dim3A_46 : vector<16x1xi32> to vector<16xi32>
    %gather3A_48 = tpu.dynamic_gather %max3A_41[%gather3A_47] in [0] : vector<16xf32>, vector<16xi32> -> vector<16xf32>
    %max3A_49 = arith.maximumf %max3A_41, %gather3A_48 : vector<16xf32>
    %iota3A_50 = tpu.iota {dimensions = array<i32: 0>} : vector<16xi32>
    %add3A_51 = arith.constant 0 : i32
    %add3A_52 = vector.broadcast %add3A_51 : i32 to vector<16xi32>
    %add3A_53 = arith.addi %iota3A_50, %add3A_52 : vector<16xi32>
    %eq3A = arith.cmpf oeq, %get3A_2, %max3A_49 : vector<16xf32>
    %jit3A = arith.constant 1073741824 : i32
    %broadcast_in_dim3A_54 = vector.broadcast %jit3A : i32 to vector<16xi32>
    %select_n3A = arith.select %eq3A, %add3A_53, %broadcast_in_dim3A_54 : vector<16xi1>, vector<16xi32>
    %iota3A_55 = tpu.iota {dimensions = array<i32: 0>} : vector<16xi32>
    %add3A_56 = arith.constant 16 : i32
    %add3A_57 = vector.broadcast %add3A_56 : i32 to vector<16xi32>
    %add3A_58 = arith.addi %iota3A_55, %add3A_57 : vector<16xi32>
    %eq3A_59 = arith.cmpf oeq, %get3A_5, %max3A_49 : vector<16xf32>
    %jit3A_60 = arith.constant 1073741824 : i32
    %broadcast_in_dim3A_61 = vector.broadcast %jit3A_60 : i32 to vector<16xi32>
    %select_n3A_62 = arith.select %eq3A_59, %add3A_58, %broadcast_in_dim3A_61 : vector<16xi1>, vector<16xi32>
    %min3A = arith.minsi %select_n3A, %select_n3A_62 : vector<16xi32>
    %iota3A_63 = tpu.iota {dimensions = array<i32: 0>} : vector<16xi32>
    %add3A_64 = arith.constant 32 : i32
    %add3A_65 = vector.broadcast %add3A_64 : i32 to vector<16xi32>
    %add3A_66 = arith.addi %iota3A_63, %add3A_65 : vector<16xi32>
    %eq3A_67 = arith.cmpf oeq, %get3A_8, %max3A_49 : vector<16xf32>
    %jit3A_68 = arith.constant 1073741824 : i32
    %broadcast_in_dim3A_69 = vector.broadcast %jit3A_68 : i32 to vector<16xi32>
    %select_n3A_70 = arith.select %eq3A_67, %add3A_66, %broadcast_in_dim3A_69 : vector<16xi1>, vector<16xi32>
    %min3A_71 = arith.minsi %min3A, %select_n3A_70 : vector<16xi32>
    %iota3A_72 = tpu.iota {dimensions = array<i32: 0>} : vector<16xi32>
    %add3A_73 = arith.constant 48 : i32
    %add3A_74 = vector.broadcast %add3A_73 : i32 to vector<16xi32>
    %add3A_75 = arith.addi %iota3A_72, %add3A_74 : vector<16xi32>
    %eq3A_76 = arith.cmpf oeq, %get3A_11, %max3A_49 : vector<16xf32>
    %jit3A_77 = arith.constant 1073741824 : i32
    %broadcast_in_dim3A_78 = vector.broadcast %jit3A_77 : i32 to vector<16xi32>
    %select_n3A_79 = arith.select %eq3A_76, %add3A_75, %broadcast_in_dim3A_78 : vector<16xi1>, vector<16xi32>
    %min3A_80 = arith.minsi %min3A_71, %select_n3A_79 : vector<16xi32>
    %iota3A_81 = tpu.iota {dimensions = array<i32: 0>} : vector<16xi32>
    %xor3A_82 = arith.constant 8 : i32
    %xor3A_83 = vector.broadcast %xor3A_82 : i32 to vector<16xi32>
    %xor3A_84 = arith.xori %iota3A_81, %xor3A_83 : vector<16xi32>
    %broadcast_in_dim3A_85 = vector.shape_cast %xor3A_84 : vector<16xi32> to vector<16x1xi32>
    %gather3A_86 = vector.shape_cast %broadcast_in_dim3A_85 : vector<16x1xi32> to vector<16xi32>
    %gather3A_87 = tpu.dynamic_gather %min3A_80[%gather3A_86] in [0] : vector<16xi32>, vector<16xi32> -> vector<16xi32>
    %min3A_88 = arith.minsi %min3A_80, %gather3A_87 : vector<16xi32>
    %iota3A_89 = tpu.iota {dimensions = array<i32: 0>} : vector<16xi32>
    %xor3A_90 = arith.constant 4 : i32
    %xor3A_91 = vector.broadcast %xor3A_90 : i32 to vector<16xi32>
    %xor3A_92 = arith.xori %iota3A_89, %xor3A_91 : vector<16xi32>
    %broadcast_in_dim3A_93 = vector.shape_cast %xor3A_92 : vector<16xi32> to vector<16x1xi32>
    %gather3A_94 = vector.shape_cast %broadcast_in_dim3A_93 : vector<16x1xi32> to vector<16xi32>
    %gather3A_95 = tpu.dynamic_gather %min3A_88[%gather3A_94] in [0] : vector<16xi32>, vector<16xi32> -> vector<16xi32>
    %min3A_96 = arith.minsi %min3A_88, %gather3A_95 : vector<16xi32>
    %iota3A_97 = tpu.iota {dimensions = array<i32: 0>} : vector<16xi32>
    %xor3A_98 = arith.constant 2 : i32
    %xor3A_99 = vector.broadcast %xor3A_98 : i32 to vector<16xi32>
    %xor3A_100 = arith.xori %iota3A_97, %xor3A_99 : vector<16xi32>
    %broadcast_in_dim3A_101 = vector.shape_cast %xor3A_100 : vector<16xi32> to vector<16x1xi32>
    %gather3A_102 = vector.shape_cast %broadcast_in_dim3A_101 : vector<16x1xi32> to vector<16xi32>
    %gather3A_103 = tpu.dynamic_gather %min3A_96[%gather3A_102] in [0] : vector<16xi32>, vector<16xi32> -> vector<16xi32>
    %min3A_104 = arith.minsi %min3A_96, %gather3A_103 : vector<16xi32>
    %iota3A_105 = tpu.iota {dimensions = array<i32: 0>} : vector<16xi32>
    %xor3A_106 = arith.constant 1 : i32
    %xor3A_107 = vector.broadcast %xor3A_106 : i32 to vector<16xi32>
    %xor3A_108 = arith.xori %iota3A_105, %xor3A_107 : vector<16xi32>
    %broadcast_in_dim3A_109 = vector.shape_cast %xor3A_108 : vector<16xi32> to vector<16x1xi32>
    %gather3A_110 = vector.shape_cast %broadcast_in_dim3A_109 : vector<16x1xi32> to vector<16xi32>
    %gather3A_111 = tpu.dynamic_gather %min3A_104[%gather3A_110] in [0] : vector<16xi32>, vector<16xi32> -> vector<16xi32>
    %min3A_112 = arith.minsi %min3A_104, %gather3A_111 : vector<16xi32>
    %iota3A_113 = tpu.iota {dimensions = array<i32: 0>} : vector<16xi32>
    %add3A_114 = arith.constant 0 : i32
    %add3A_115 = vector.broadcast %add3A_114 : i32 to vector<16xi32>
    %add3A_116 = arith.addi %iota3A_113, %add3A_115 : vector<16xi32>
    %eq3A_117 = arith.cmpi eq, %add3A_116, %min3A_112 : vector<16xi32>
    %jit3A_118 = arith.constant -3.000000e+38 : f32
    %broadcast_in_dim3A_119 = vector.broadcast %jit3A_118 : f32 to vector<16xf32>
    %select_n3A_120 = arith.select %eq3A_117, %broadcast_in_dim3A_119, %get3A_2 : vector<16xi1>, vector<16xf32>
    %jit3A_121 = arith.constant 1.000000e+00 : f32
    %broadcast_in_dim3A_122 = vector.broadcast %jit3A_121 : f32 to vector<16xf32>
    %select_n3A_123 = arith.select %eq3A_117, %broadcast_in_dim3A_122, %broadcast_in_dim3A_12 : vector<16xi1>, vector<16xf32>
    %iota3A_124 = tpu.iota {dimensions = array<i32: 0>} : vector<16xi32>
    %add3A_125 = arith.constant 16 : i32
    %add3A_126 = vector.broadcast %add3A_125 : i32 to vector<16xi32>
    %add3A_127 = arith.addi %iota3A_124, %add3A_126 : vector<16xi32>
    %eq3A_128 = arith.cmpi eq, %add3A_127, %min3A_112 : vector<16xi32>
    %jit3A_129 = arith.constant -3.000000e+38 : f32
    %broadcast_in_dim3A_130 = vector.broadcast %jit3A_129 : f32 to vector<16xf32>
    %select_n3A_131 = arith.select %eq3A_128, %broadcast_in_dim3A_130, %get3A_5 : vector<16xi1>, vector<16xf32>
    %jit3A_132 = arith.constant 1.000000e+00 : f32
    %broadcast_in_dim3A_133 = vector.broadcast %jit3A_132 : f32 to vector<16xf32>
    %select_n3A_134 = arith.select %eq3A_128, %broadcast_in_dim3A_133, %broadcast_in_dim3A_14 : vector<16xi1>, vector<16xf32>
    %iota3A_135 = tpu.iota {dimensions = array<i32: 0>} : vector<16xi32>
    %add3A_136 = arith.constant 32 : i32
    %add3A_137 = vector.broadcast %add3A_136 : i32 to vector<16xi32>
    %add3A_138 = arith.addi %iota3A_135, %add3A_137 : vector<16xi32>
    %eq3A_139 = arith.cmpi eq, %add3A_138, %min3A_112 : vector<16xi32>
    %jit3A_140 = arith.constant -3.000000e+38 : f32
    %broadcast_in_dim3A_141 = vector.broadcast %jit3A_140 : f32 to vector<16xf32>
    %select_n3A_142 = arith.select %eq3A_139, %broadcast_in_dim3A_141, %get3A_8 : vector<16xi1>, vector<16xf32>
    %jit3A_143 = arith.constant 1.000000e+00 : f32
    %broadcast_in_dim3A_144 = vector.broadcast %jit3A_143 : f32 to vector<16xf32>
    %select_n3A_145 = arith.select %eq3A_139, %broadcast_in_dim3A_144, %broadcast_in_dim3A_16 : vector<16xi1>, vector<16xf32>
    %iota3A_146 = tpu.iota {dimensions = array<i32: 0>} : vector<16xi32>
    %add3A_147 = arith.constant 48 : i32
    %add3A_148 = vector.broadcast %add3A_147 : i32 to vector<16xi32>
    %add3A_149 = arith.addi %iota3A_146, %add3A_148 : vector<16xi32>
    %eq3A_150 = arith.cmpi eq, %add3A_149, %min3A_112 : vector<16xi32>
    %jit3A_151 = arith.constant -3.000000e+38 : f32
    %broadcast_in_dim3A_152 = vector.broadcast %jit3A_151 : f32 to vector<16xf32>
    %select_n3A_153 = arith.select %eq3A_150, %broadcast_in_dim3A_152, %get3A_11 : vector<16xi1>, vector<16xf32>
    %jit3A_154 = arith.constant 1.000000e+00 : f32
    %broadcast_in_dim3A_155 = vector.broadcast %jit3A_154 : f32 to vector<16xf32>
    %select_n3A_156 = arith.select %eq3A_150, %broadcast_in_dim3A_155, %broadcast_in_dim3A_18 : vector<16xi1>, vector<16xf32>
    %max3A_157 = arith.maximumf %select_n3A_120, %select_n3A_131 : vector<16xf32>
    %max3A_158 = arith.maximumf %max3A_157, %select_n3A_142 : vector<16xf32>
    %max3A_159 = arith.maximumf %max3A_158, %select_n3A_153 : vector<16xf32>
    %iota3A_160 = tpu.iota {dimensions = array<i32: 0>} : vector<16xi32>
    %xor3A_161 = arith.constant 8 : i32
    %xor3A_162 = vector.broadcast %xor3A_161 : i32 to vector<16xi32>
    %xor3A_163 = arith.xori %iota3A_160, %xor3A_162 : vector<16xi32>
    %broadcast_in_dim3A_164 = vector.shape_cast %xor3A_163 : vector<16xi32> to vector<16x1xi32>
    %gather3A_165 = vector.shape_cast %broadcast_in_dim3A_164 : vector<16x1xi32> to vector<16xi32>
    %gather3A_166 = tpu.dynamic_gather %max3A_159[%gather3A_165] in [0] : vector<16xf32>, vector<16xi32> -> vector<16xf32>
    %max3A_167 = arith.maximumf %max3A_159, %gather3A_166 : vector<16xf32>
    %iota3A_168 = tpu.iota {dimensions = array<i32: 0>} : vector<16xi32>
    %xor3A_169 = arith.constant 4 : i32
    %xor3A_170 = vector.broadcast %xor3A_169 : i32 to vector<16xi32>
    %xor3A_171 = arith.xori %iota3A_168, %xor3A_170 : vector<16xi32>
    %broadcast_in_dim3A_172 = vector.shape_cast %xor3A_171 : vector<16xi32> to vector<16x1xi32>
    %gather3A_173 = vector.shape_cast %broadcast_in_dim3A_172 : vector<16x1xi32> to vector<16xi32>
    %gather3A_174 = tpu.dynamic_gather %max3A_167[%gather3A_173] in [0] : vector<16xf32>, vector<16xi32> -> vector<16xf32>
    %max3A_175 = arith.maximumf %max3A_167, %gather3A_174 : vector<16xf32>
    %iota3A_176 = tpu.iota {dimensions = array<i32: 0>} : vector<16xi32>
    %xor3A_177 = arith.constant 2 : i32
    %xor3A_178 = vector.broadcast %xor3A_177 : i32 to vector<16xi32>
    %xor3A_179 = arith.xori %iota3A_176, %xor3A_178 : vector<16xi32>
    %broadcast_in_dim3A_180 = vector.shape_cast %xor3A_179 : vector<16xi32> to vector<16x1xi32>
    %gather3A_181 = vector.shape_cast %broadcast_in_dim3A_180 : vector<16x1xi32> to vector<16xi32>
    %gather3A_182 = tpu.dynamic_gather %max3A_175[%gather3A_181] in [0] : vector<16xf32>, vector<16xi32> -> vector<16xf32>
    %max3A_183 = arith.maximumf %max3A_175, %gather3A_182 : vector<16xf32>
    %iota3A_184 = tpu.iota {dimensions = array<i32: 0>} : vector<16xi32>
    %xor3A_185 = arith.constant 1 : i32
    %xor3A_186 = vector.broadcast %xor3A_185 : i32 to vector<16xi32>
    %xor3A_187 = arith.xori %iota3A_184, %xor3A_186 : vector<16xi32>
    %broadcast_in_dim3A_188 = vector.shape_cast %xor3A_187 : vector<16xi32> to vector<16x1xi32>
    %gather3A_189 = vector.shape_cast %broadcast_in_dim3A_188 : vector<16x1xi32> to vector<16xi32>
    %gather3A_190 = tpu.dynamic_gather %max3A_183[%gather3A_189] in [0] : vector<16xf32>, vector<16xi32> -> vector<16xf32>
    %max3A_191 = arith.maximumf %max3A_183, %gather3A_190 : vector<16xf32>
    %iota3A_192 = tpu.iota {dimensions = array<i32: 0>} : vector<16xi32>
    %add3A_193 = arith.constant 0 : i32
    %add3A_194 = vector.broadcast %add3A_193 : i32 to vector<16xi32>
    %add3A_195 = arith.addi %iota3A_192, %add3A_194 : vector<16xi32>
    %eq3A_196 = arith.cmpf oeq, %select_n3A_120, %max3A_191 : vector<16xf32>
    %jit3A_197 = arith.constant 1073741824 : i32
    %broadcast_in_dim3A_198 = vector.broadcast %jit3A_197 : i32 to vector<16xi32>
    %select_n3A_199 = arith.select %eq3A_196, %add3A_195, %broadcast_in_dim3A_198 : vector<16xi1>, vector<16xi32>
    %iota3A_200 = tpu.iota {dimensions = array<i32: 0>} : vector<16xi32>
    %add3A_201 = arith.constant 16 : i32
    %add3A_202 = vector.broadcast %add3A_201 : i32 to vector<16xi32>
    %add3A_203 = arith.addi %iota3A_200, %add3A_202 : vector<16xi32>
    %eq3A_204 = arith.cmpf oeq, %select_n3A_131, %max3A_191 : vector<16xf32>
    %jit3A_205 = arith.constant 1073741824 : i32
    %broadcast_in_dim3A_206 = vector.broadcast %jit3A_205 : i32 to vector<16xi32>
    %select_n3A_207 = arith.select %eq3A_204, %add3A_203, %broadcast_in_dim3A_206 : vector<16xi1>, vector<16xi32>
    %min3A_208 = arith.minsi %select_n3A_199, %select_n3A_207 : vector<16xi32>
    %iota3A_209 = tpu.iota {dimensions = array<i32: 0>} : vector<16xi32>
    %add3A_210 = arith.constant 32 : i32
    %add3A_211 = vector.broadcast %add3A_210 : i32 to vector<16xi32>
    %add3A_212 = arith.addi %iota3A_209, %add3A_211 : vector<16xi32>
    %eq3A_213 = arith.cmpf oeq, %select_n3A_142, %max3A_191 : vector<16xf32>
    %jit3A_214 = arith.constant 1073741824 : i32
    %broadcast_in_dim3A_215 = vector.broadcast %jit3A_214 : i32 to vector<16xi32>
    %select_n3A_216 = arith.select %eq3A_213, %add3A_212, %broadcast_in_dim3A_215 : vector<16xi1>, vector<16xi32>
    %min3A_217 = arith.minsi %min3A_208, %select_n3A_216 : vector<16xi32>
    %iota3A_218 = tpu.iota {dimensions = array<i32: 0>} : vector<16xi32>
    %add3A_219 = arith.constant 48 : i32
    %add3A_220 = vector.broadcast %add3A_219 : i32 to vector<16xi32>
    %add3A_221 = arith.addi %iota3A_218, %add3A_220 : vector<16xi32>
    %eq3A_222 = arith.cmpf oeq, %select_n3A_153, %max3A_191 : vector<16xf32>
    %jit3A_223 = arith.constant 1073741824 : i32
    %broadcast_in_dim3A_224 = vector.broadcast %jit3A_223 : i32 to vector<16xi32>
    %select_n3A_225 = arith.select %eq3A_222, %add3A_221, %broadcast_in_dim3A_224 : vector<16xi1>, vector<16xi32>
    %min3A_226 = arith.minsi %min3A_217, %select_n3A_225 : vector<16xi32>
    %iota3A_227 = tpu.iota {dimensions = array<i32: 0>} : vector<16xi32>
    %xor3A_228 = arith.constant 8 : i32
    %xor3A_229 = vector.broadcast %xor3A_228 : i32 to vector<16xi32>
    %xor3A_230 = arith.xori %iota3A_227, %xor3A_229 : vector<16xi32>
    %broadcast_in_dim3A_231 = vector.shape_cast %xor3A_230 : vector<16xi32> to vector<16x1xi32>
    %gather3A_232 = vector.shape_cast %broadcast_in_dim3A_231 : vector<16x1xi32> to vector<16xi32>
    %gather3A_233 = tpu.dynamic_gather %min3A_226[%gather3A_232] in [0] : vector<16xi32>, vector<16xi32> -> vector<16xi32>
    %min3A_234 = arith.minsi %min3A_226, %gather3A_233 : vector<16xi32>
    %iota3A_235 = tpu.iota {dimensions = array<i32: 0>} : vector<16xi32>
    %xor3A_236 = arith.constant 4 : i32
    %xor3A_237 = vector.broadcast %xor3A_236 : i32 to vector<16xi32>
    %xor3A_238 = arith.xori %iota3A_235, %xor3A_237 : vector<16xi32>
    %broadcast_in_dim3A_239 = vector.shape_cast %xor3A_238 : vector<16xi32> to vector<16x1xi32>
    %gather3A_240 = vector.shape_cast %broadcast_in_dim3A_239 : vector<16x1xi32> to vector<16xi32>
    %gather3A_241 = tpu.dynamic_gather %min3A_234[%gather3A_240] in [0] : vector<16xi32>, vector<16xi32> -> vector<16xi32>
    %min3A_242 = arith.minsi %min3A_234, %gather3A_241 : vector<16xi32>
    %iota3A_243 = tpu.iota {dimensions = array<i32: 0>} : vector<16xi32>
    %xor3A_244 = arith.constant 2 : i32
    %xor3A_245 = vector.broadcast %xor3A_244 : i32 to vector<16xi32>
    %xor3A_246 = arith.xori %iota3A_243, %xor3A_245 : vector<16xi32>
    %broadcast_in_dim3A_247 = vector.shape_cast %xor3A_246 : vector<16xi32> to vector<16x1xi32>
    %gather3A_248 = vector.shape_cast %broadcast_in_dim3A_247 : vector<16x1xi32> to vector<16xi32>
    %gather3A_249 = tpu.dynamic_gather %min3A_242[%gather3A_248] in [0] : vector<16xi32>, vector<16xi32> -> vector<16xi32>
    %min3A_250 = arith.minsi %min3A_242, %gather3A_249 : vector<16xi32>
    %iota3A_251 = tpu.iota {dimensions = array<i32: 0>} : vector<16xi32>
    %xor3A_252 = arith.constant 1 : i32
    %xor3A_253 = vector.broadcast %xor3A_252 : i32 to vector<16xi32>
    %xor3A_254 = arith.xori %iota3A_251, %xor3A_253 : vector<16xi32>
    %broadcast_in_dim3A_255 = vector.shape_cast %xor3A_254 : vector<16xi32> to vector<16x1xi32>
    %gather3A_256 = vector.shape_cast %broadcast_in_dim3A_255 : vector<16x1xi32> to vector<16xi32>
    %gather3A_257 = tpu.dynamic_gather %min3A_250[%gather3A_256] in [0] : vector<16xi32>, vector<16xi32> -> vector<16xi32>
    %min3A_258 = arith.minsi %min3A_250, %gather3A_257 : vector<16xi32>
    %iota3A_259 = tpu.iota {dimensions = array<i32: 0>} : vector<16xi32>
    %add3A_260 = arith.constant 0 : i32
    %add3A_261 = vector.broadcast %add3A_260 : i32 to vector<16xi32>
    %add3A_262 = arith.addi %iota3A_259, %add3A_261 : vector<16xi32>
    %eq3A_263 = arith.cmpi eq, %add3A_262, %min3A_258 : vector<16xi32>
    %jit3A_264 = arith.constant -3.000000e+38 : f32
    %broadcast_in_dim3A_265 = vector.broadcast %jit3A_264 : f32 to vector<16xf32>
    %select_n3A_266 = arith.select %eq3A_263, %broadcast_in_dim3A_265, %select_n3A_120 : vector<16xi1>, vector<16xf32>
    %jit3A_267 = arith.constant 1.000000e+00 : f32
    %broadcast_in_dim3A_268 = vector.broadcast %jit3A_267 : f32 to vector<16xf32>
    %select_n3A_269 = arith.select %eq3A_263, %broadcast_in_dim3A_268, %select_n3A_123 : vector<16xi1>, vector<16xf32>
    %iota3A_270 = tpu.iota {dimensions = array<i32: 0>} : vector<16xi32>
    %add3A_271 = arith.constant 16 : i32
    %add3A_272 = vector.broadcast %add3A_271 : i32 to vector<16xi32>
    %add3A_273 = arith.addi %iota3A_270, %add3A_272 : vector<16xi32>
    %eq3A_274 = arith.cmpi eq, %add3A_273, %min3A_258 : vector<16xi32>
    %jit3A_275 = arith.constant -3.000000e+38 : f32
    %broadcast_in_dim3A_276 = vector.broadcast %jit3A_275 : f32 to vector<16xf32>
    %select_n3A_277 = arith.select %eq3A_274, %broadcast_in_dim3A_276, %select_n3A_131 : vector<16xi1>, vector<16xf32>
    %jit3A_278 = arith.constant 1.000000e+00 : f32
    %broadcast_in_dim3A_279 = vector.broadcast %jit3A_278 : f32 to vector<16xf32>
    %select_n3A_280 = arith.select %eq3A_274, %broadcast_in_dim3A_279, %select_n3A_134 : vector<16xi1>, vector<16xf32>
    %iota3A_281 = tpu.iota {dimensions = array<i32: 0>} : vector<16xi32>
    %add3A_282 = arith.constant 32 : i32
    %add3A_283 = vector.broadcast %add3A_282 : i32 to vector<16xi32>
    %add3A_284 = arith.addi %iota3A_281, %add3A_283 : vector<16xi32>
    %eq3A_285 = arith.cmpi eq, %add3A_284, %min3A_258 : vector<16xi32>
    %jit3A_286 = arith.constant -3.000000e+38 : f32
    %broadcast_in_dim3A_287 = vector.broadcast %jit3A_286 : f32 to vector<16xf32>
    %select_n3A_288 = arith.select %eq3A_285, %broadcast_in_dim3A_287, %select_n3A_142 : vector<16xi1>, vector<16xf32>
    %jit3A_289 = arith.constant 1.000000e+00 : f32
    %broadcast_in_dim3A_290 = vector.broadcast %jit3A_289 : f32 to vector<16xf32>
    %select_n3A_291 = arith.select %eq3A_285, %broadcast_in_dim3A_290, %select_n3A_145 : vector<16xi1>, vector<16xf32>
    %iota3A_292 = tpu.iota {dimensions = array<i32: 0>} : vector<16xi32>
    %add3A_293 = arith.constant 48 : i32
    %add3A_294 = vector.broadcast %add3A_293 : i32 to vector<16xi32>
    %add3A_295 = arith.addi %iota3A_292, %add3A_294 : vector<16xi32>
    %eq3A_296 = arith.cmpi eq, %add3A_295, %min3A_258 : vector<16xi32>
    %jit3A_297 = arith.constant -3.000000e+38 : f32
    %broadcast_in_dim3A_298 = vector.broadcast %jit3A_297 : f32 to vector<16xf32>
    %select_n3A_299 = arith.select %eq3A_296, %broadcast_in_dim3A_298, %select_n3A_153 : vector<16xi1>, vector<16xf32>
    %jit3A_300 = arith.constant 1.000000e+00 : f32
    %broadcast_in_dim3A_301 = vector.broadcast %jit3A_300 : f32 to vector<16xf32>
    %select_n3A_302 = arith.select %eq3A_296, %broadcast_in_dim3A_301, %select_n3A_156 : vector<16xi1>, vector<16xf32>
    %max3A_303 = arith.maximumf %select_n3A_266, %select_n3A_277 : vector<16xf32>
    %max3A_304 = arith.maximumf %max3A_303, %select_n3A_288 : vector<16xf32>
    %max3A_305 = arith.maximumf %max3A_304, %select_n3A_299 : vector<16xf32>
    %iota3A_306 = tpu.iota {dimensions = array<i32: 0>} : vector<16xi32>
    %xor3A_307 = arith.constant 8 : i32
    %xor3A_308 = vector.broadcast %xor3A_307 : i32 to vector<16xi32>
    %xor3A_309 = arith.xori %iota3A_306, %xor3A_308 : vector<16xi32>
    %broadcast_in_dim3A_310 = vector.shape_cast %xor3A_309 : vector<16xi32> to vector<16x1xi32>
    %gather3A_311 = vector.shape_cast %broadcast_in_dim3A_310 : vector<16x1xi32> to vector<16xi32>
    %gather3A_312 = tpu.dynamic_gather %max3A_305[%gather3A_311] in [0] : vector<16xf32>, vector<16xi32> -> vector<16xf32>
    %max3A_313 = arith.maximumf %max3A_305, %gather3A_312 : vector<16xf32>
    %iota3A_314 = tpu.iota {dimensions = array<i32: 0>} : vector<16xi32>
    %xor3A_315 = arith.constant 4 : i32
    %xor3A_316 = vector.broadcast %xor3A_315 : i32 to vector<16xi32>
    %xor3A_317 = arith.xori %iota3A_314, %xor3A_316 : vector<16xi32>
    %broadcast_in_dim3A_318 = vector.shape_cast %xor3A_317 : vector<16xi32> to vector<16x1xi32>
    %gather3A_319 = vector.shape_cast %broadcast_in_dim3A_318 : vector<16x1xi32> to vector<16xi32>
    %gather3A_320 = tpu.dynamic_gather %max3A_313[%gather3A_319] in [0] : vector<16xf32>, vector<16xi32> -> vector<16xf32>
    %max3A_321 = arith.maximumf %max3A_313, %gather3A_320 : vector<16xf32>
    %iota3A_322 = tpu.iota {dimensions = array<i32: 0>} : vector<16xi32>
    %xor3A_323 = arith.constant 2 : i32
    %xor3A_324 = vector.broadcast %xor3A_323 : i32 to vector<16xi32>
    %xor3A_325 = arith.xori %iota3A_322, %xor3A_324 : vector<16xi32>
    %broadcast_in_dim3A_326 = vector.shape_cast %xor3A_325 : vector<16xi32> to vector<16x1xi32>
    %gather3A_327 = vector.shape_cast %broadcast_in_dim3A_326 : vector<16x1xi32> to vector<16xi32>
    %gather3A_328 = tpu.dynamic_gather %max3A_321[%gather3A_327] in [0] : vector<16xf32>, vector<16xi32> -> vector<16xf32>
    %max3A_329 = arith.maximumf %max3A_321, %gather3A_328 : vector<16xf32>
    %iota3A_330 = tpu.iota {dimensions = array<i32: 0>} : vector<16xi32>
    %xor3A_331 = arith.constant 1 : i32
    %xor3A_332 = vector.broadcast %xor3A_331 : i32 to vector<16xi32>
    %xor3A_333 = arith.xori %iota3A_330, %xor3A_332 : vector<16xi32>
    %broadcast_in_dim3A_334 = vector.shape_cast %xor3A_333 : vector<16xi32> to vector<16x1xi32>
    %gather3A_335 = vector.shape_cast %broadcast_in_dim3A_334 : vector<16x1xi32> to vector<16xi32>
    %gather3A_336 = tpu.dynamic_gather %max3A_329[%gather3A_335] in [0] : vector<16xf32>, vector<16xi32> -> vector<16xf32>
    %max3A_337 = arith.maximumf %max3A_329, %gather3A_336 : vector<16xf32>
    %iota3A_338 = tpu.iota {dimensions = array<i32: 0>} : vector<16xi32>
    %add3A_339 = arith.constant 0 : i32
    %add3A_340 = vector.broadcast %add3A_339 : i32 to vector<16xi32>
    %add3A_341 = arith.addi %iota3A_338, %add3A_340 : vector<16xi32>
    %eq3A_342 = arith.cmpf oeq, %select_n3A_266, %max3A_337 : vector<16xf32>
    %jit3A_343 = arith.constant 1073741824 : i32
    %broadcast_in_dim3A_344 = vector.broadcast %jit3A_343 : i32 to vector<16xi32>
    %select_n3A_345 = arith.select %eq3A_342, %add3A_341, %broadcast_in_dim3A_344 : vector<16xi1>, vector<16xi32>
    %iota3A_346 = tpu.iota {dimensions = array<i32: 0>} : vector<16xi32>
    %add3A_347 = arith.constant 16 : i32
    %add3A_348 = vector.broadcast %add3A_347 : i32 to vector<16xi32>
    %add3A_349 = arith.addi %iota3A_346, %add3A_348 : vector<16xi32>
    %eq3A_350 = arith.cmpf oeq, %select_n3A_277, %max3A_337 : vector<16xf32>
    %jit3A_351 = arith.constant 1073741824 : i32
    %broadcast_in_dim3A_352 = vector.broadcast %jit3A_351 : i32 to vector<16xi32>
    %select_n3A_353 = arith.select %eq3A_350, %add3A_349, %broadcast_in_dim3A_352 : vector<16xi1>, vector<16xi32>
    %min3A_354 = arith.minsi %select_n3A_345, %select_n3A_353 : vector<16xi32>
    %iota3A_355 = tpu.iota {dimensions = array<i32: 0>} : vector<16xi32>
    %add3A_356 = arith.constant 32 : i32
    %add3A_357 = vector.broadcast %add3A_356 : i32 to vector<16xi32>
    %add3A_358 = arith.addi %iota3A_355, %add3A_357 : vector<16xi32>
    %eq3A_359 = arith.cmpf oeq, %select_n3A_288, %max3A_337 : vector<16xf32>
    %jit3A_360 = arith.constant 1073741824 : i32
    %broadcast_in_dim3A_361 = vector.broadcast %jit3A_360 : i32 to vector<16xi32>
    %select_n3A_362 = arith.select %eq3A_359, %add3A_358, %broadcast_in_dim3A_361 : vector<16xi1>, vector<16xi32>
    %min3A_363 = arith.minsi %min3A_354, %select_n3A_362 : vector<16xi32>
    %iota3A_364 = tpu.iota {dimensions = array<i32: 0>} : vector<16xi32>
    %add3A_365 = arith.constant 48 : i32
    %add3A_366 = vector.broadcast %add3A_365 : i32 to vector<16xi32>
    %add3A_367 = arith.addi %iota3A_364, %add3A_366 : vector<16xi32>
    %eq3A_368 = arith.cmpf oeq, %select_n3A_299, %max3A_337 : vector<16xf32>
    %jit3A_369 = arith.constant 1073741824 : i32
    %broadcast_in_dim3A_370 = vector.broadcast %jit3A_369 : i32 to vector<16xi32>
    %select_n3A_371 = arith.select %eq3A_368, %add3A_367, %broadcast_in_dim3A_370 : vector<16xi1>, vector<16xi32>
    %min3A_372 = arith.minsi %min3A_363, %select_n3A_371 : vector<16xi32>
    %iota3A_373 = tpu.iota {dimensions = array<i32: 0>} : vector<16xi32>
    %xor3A_374 = arith.constant 8 : i32
    %xor3A_375 = vector.broadcast %xor3A_374 : i32 to vector<16xi32>
    %xor3A_376 = arith.xori %iota3A_373, %xor3A_375 : vector<16xi32>
    %broadcast_in_dim3A_377 = vector.shape_cast %xor3A_376 : vector<16xi32> to vector<16x1xi32>
    %gather3A_378 = vector.shape_cast %broadcast_in_dim3A_377 : vector<16x1xi32> to vector<16xi32>
    %gather3A_379 = tpu.dynamic_gather %min3A_372[%gather3A_378] in [0] : vector<16xi32>, vector<16xi32> -> vector<16xi32>
    %min3A_380 = arith.minsi %min3A_372, %gather3A_379 : vector<16xi32>
    %iota3A_381 = tpu.iota {dimensions = array<i32: 0>} : vector<16xi32>
    %xor3A_382 = arith.constant 4 : i32
    %xor3A_383 = vector.broadcast %xor3A_382 : i32 to vector<16xi32>
    %xor3A_384 = arith.xori %iota3A_381, %xor3A_383 : vector<16xi32>
    %broadcast_in_dim3A_385 = vector.shape_cast %xor3A_384 : vector<16xi32> to vector<16x1xi32>
    %gather3A_386 = vector.shape_cast %broadcast_in_dim3A_385 : vector<16x1xi32> to vector<16xi32>
    %gather3A_387 = tpu.dynamic_gather %min3A_380[%gather3A_386] in [0] : vector<16xi32>, vector<16xi32> -> vector<16xi32>
    %min3A_388 = arith.minsi %min3A_380, %gather3A_387 : vector<16xi32>
    %iota3A_389 = tpu.iota {dimensions = array<i32: 0>} : vector<16xi32>
    %xor3A_390 = arith.constant 2 : i32
    %xor3A_391 = vector.broadcast %xor3A_390 : i32 to vector<16xi32>
    %xor3A_392 = arith.xori %iota3A_389, %xor3A_391 : vector<16xi32>
    %broadcast_in_dim3A_393 = vector.shape_cast %xor3A_392 : vector<16xi32> to vector<16x1xi32>
    %gather3A_394 = vector.shape_cast %broadcast_in_dim3A_393 : vector<16x1xi32> to vector<16xi32>
    %gather3A_395 = tpu.dynamic_gather %min3A_388[%gather3A_394] in [0] : vector<16xi32>, vector<16xi32> -> vector<16xi32>
    %min3A_396 = arith.minsi %min3A_388, %gather3A_395 : vector<16xi32>
    %iota3A_397 = tpu.iota {dimensions = array<i32: 0>} : vector<16xi32>
    %xor3A_398 = arith.constant 1 : i32
    %xor3A_399 = vector.broadcast %xor3A_398 : i32 to vector<16xi32>
    %xor3A_400 = arith.xori %iota3A_397, %xor3A_399 : vector<16xi32>
    %broadcast_in_dim3A_401 = vector.shape_cast %xor3A_400 : vector<16xi32> to vector<16x1xi32>
    %gather3A_402 = vector.shape_cast %broadcast_in_dim3A_401 : vector<16x1xi32> to vector<16xi32>
    %gather3A_403 = tpu.dynamic_gather %min3A_396[%gather3A_402] in [0] : vector<16xi32>, vector<16xi32> -> vector<16xi32>
    %min3A_404 = arith.minsi %min3A_396, %gather3A_403 : vector<16xi32>
    %iota3A_405 = tpu.iota {dimensions = array<i32: 0>} : vector<16xi32>
    %add3A_406 = arith.constant 0 : i32
    %add3A_407 = vector.broadcast %add3A_406 : i32 to vector<16xi32>
    %add3A_408 = arith.addi %iota3A_405, %add3A_407 : vector<16xi32>
    %eq3A_409 = arith.cmpi eq, %add3A_408, %min3A_404 : vector<16xi32>
    %jit3A_410 = arith.constant -3.000000e+38 : f32
    %broadcast_in_dim3A_411 = vector.broadcast %jit3A_410 : f32 to vector<16xf32>
    %select_n3A_412 = arith.select %eq3A_409, %broadcast_in_dim3A_411, %select_n3A_266 : vector<16xi1>, vector<16xf32>
    %jit3A_413 = arith.constant 1.000000e+00 : f32
    %broadcast_in_dim3A_414 = vector.broadcast %jit3A_413 : f32 to vector<16xf32>
    %select_n3A_415 = arith.select %eq3A_409, %broadcast_in_dim3A_414, %select_n3A_269 : vector<16xi1>, vector<16xf32>
    %iota3A_416 = tpu.iota {dimensions = array<i32: 0>} : vector<16xi32>
    %add3A_417 = arith.constant 16 : i32
    %add3A_418 = vector.broadcast %add3A_417 : i32 to vector<16xi32>
    %add3A_419 = arith.addi %iota3A_416, %add3A_418 : vector<16xi32>
    %eq3A_420 = arith.cmpi eq, %add3A_419, %min3A_404 : vector<16xi32>
    %jit3A_421 = arith.constant -3.000000e+38 : f32
    %broadcast_in_dim3A_422 = vector.broadcast %jit3A_421 : f32 to vector<16xf32>
    %select_n3A_423 = arith.select %eq3A_420, %broadcast_in_dim3A_422, %select_n3A_277 : vector<16xi1>, vector<16xf32>
    %jit3A_424 = arith.constant 1.000000e+00 : f32
    %broadcast_in_dim3A_425 = vector.broadcast %jit3A_424 : f32 to vector<16xf32>
    %select_n3A_426 = arith.select %eq3A_420, %broadcast_in_dim3A_425, %select_n3A_280 : vector<16xi1>, vector<16xf32>
    %iota3A_427 = tpu.iota {dimensions = array<i32: 0>} : vector<16xi32>
    %add3A_428 = arith.constant 32 : i32
    %add3A_429 = vector.broadcast %add3A_428 : i32 to vector<16xi32>
    %add3A_430 = arith.addi %iota3A_427, %add3A_429 : vector<16xi32>
    %eq3A_431 = arith.cmpi eq, %add3A_430, %min3A_404 : vector<16xi32>
    %jit3A_432 = arith.constant -3.000000e+38 : f32
    %broadcast_in_dim3A_433 = vector.broadcast %jit3A_432 : f32 to vector<16xf32>
    %select_n3A_434 = arith.select %eq3A_431, %broadcast_in_dim3A_433, %select_n3A_288 : vector<16xi1>, vector<16xf32>
    %jit3A_435 = arith.constant 1.000000e+00 : f32
    %broadcast_in_dim3A_436 = vector.broadcast %jit3A_435 : f32 to vector<16xf32>
    %select_n3A_437 = arith.select %eq3A_431, %broadcast_in_dim3A_436, %select_n3A_291 : vector<16xi1>, vector<16xf32>
    %iota3A_438 = tpu.iota {dimensions = array<i32: 0>} : vector<16xi32>
    %add3A_439 = arith.constant 48 : i32
    %add3A_440 = vector.broadcast %add3A_439 : i32 to vector<16xi32>
    %add3A_441 = arith.addi %iota3A_438, %add3A_440 : vector<16xi32>
    %eq3A_442 = arith.cmpi eq, %add3A_441, %min3A_404 : vector<16xi32>
    %jit3A_443 = arith.constant -3.000000e+38 : f32
    %broadcast_in_dim3A_444 = vector.broadcast %jit3A_443 : f32 to vector<16xf32>
    %select_n3A_445 = arith.select %eq3A_442, %broadcast_in_dim3A_444, %select_n3A_299 : vector<16xi1>, vector<16xf32>
    %jit3A_446 = arith.constant 1.000000e+00 : f32
    %broadcast_in_dim3A_447 = vector.broadcast %jit3A_446 : f32 to vector<16xf32>
    %select_n3A_448 = arith.select %eq3A_442, %broadcast_in_dim3A_447, %select_n3A_302 : vector<16xi1>, vector<16xf32>
    %max3A_449 = arith.maximumf %select_n3A_412, %select_n3A_423 : vector<16xf32>
    %max3A_450 = arith.maximumf %max3A_449, %select_n3A_434 : vector<16xf32>
    %max3A_451 = arith.maximumf %max3A_450, %select_n3A_445 : vector<16xf32>
    %iota3A_452 = tpu.iota {dimensions = array<i32: 0>} : vector<16xi32>
    %xor3A_453 = arith.constant 8 : i32
    %xor3A_454 = vector.broadcast %xor3A_453 : i32 to vector<16xi32>
    %xor3A_455 = arith.xori %iota3A_452, %xor3A_454 : vector<16xi32>
    %broadcast_in_dim3A_456 = vector.shape_cast %xor3A_455 : vector<16xi32> to vector<16x1xi32>
    %gather3A_457 = vector.shape_cast %broadcast_in_dim3A_456 : vector<16x1xi32> to vector<16xi32>
    %gather3A_458 = tpu.dynamic_gather %max3A_451[%gather3A_457] in [0] : vector<16xf32>, vector<16xi32> -> vector<16xf32>
    %max3A_459 = arith.maximumf %max3A_451, %gather3A_458 : vector<16xf32>
    %iota3A_460 = tpu.iota {dimensions = array<i32: 0>} : vector<16xi32>
    %xor3A_461 = arith.constant 4 : i32
    %xor3A_462 = vector.broadcast %xor3A_461 : i32 to vector<16xi32>
    %xor3A_463 = arith.xori %iota3A_460, %xor3A_462 : vector<16xi32>
    %broadcast_in_dim3A_464 = vector.shape_cast %xor3A_463 : vector<16xi32> to vector<16x1xi32>
    %gather3A_465 = vector.shape_cast %broadcast_in_dim3A_464 : vector<16x1xi32> to vector<16xi32>
    %gather3A_466 = tpu.dynamic_gather %max3A_459[%gather3A_465] in [0] : vector<16xf32>, vector<16xi32> -> vector<16xf32>
    %max3A_467 = arith.maximumf %max3A_459, %gather3A_466 : vector<16xf32>
    %iota3A_468 = tpu.iota {dimensions = array<i32: 0>} : vector<16xi32>
    %xor3A_469 = arith.constant 2 : i32
    %xor3A_470 = vector.broadcast %xor3A_469 : i32 to vector<16xi32>
    %xor3A_471 = arith.xori %iota3A_468, %xor3A_470 : vector<16xi32>
    %broadcast_in_dim3A_472 = vector.shape_cast %xor3A_471 : vector<16xi32> to vector<16x1xi32>
    %gather3A_473 = vector.shape_cast %broadcast_in_dim3A_472 : vector<16x1xi32> to vector<16xi32>
    %gather3A_474 = tpu.dynamic_gather %max3A_467[%gather3A_473] in [0] : vector<16xf32>, vector<16xi32> -> vector<16xf32>
    %max3A_475 = arith.maximumf %max3A_467, %gather3A_474 : vector<16xf32>
    %iota3A_476 = tpu.iota {dimensions = array<i32: 0>} : vector<16xi32>
    %xor3A_477 = arith.constant 1 : i32
    %xor3A_478 = vector.broadcast %xor3A_477 : i32 to vector<16xi32>
    %xor3A_479 = arith.xori %iota3A_476, %xor3A_478 : vector<16xi32>
    %broadcast_in_dim3A_480 = vector.shape_cast %xor3A_479 : vector<16xi32> to vector<16x1xi32>
    %gather3A_481 = vector.shape_cast %broadcast_in_dim3A_480 : vector<16x1xi32> to vector<16xi32>
    %gather3A_482 = tpu.dynamic_gather %max3A_475[%gather3A_481] in [0] : vector<16xf32>, vector<16xi32> -> vector<16xf32>
    %max3A_483 = arith.maximumf %max3A_475, %gather3A_482 : vector<16xf32>
    %iota3A_484 = tpu.iota {dimensions = array<i32: 0>} : vector<16xi32>
    %add3A_485 = arith.constant 0 : i32
    %add3A_486 = vector.broadcast %add3A_485 : i32 to vector<16xi32>
    %add3A_487 = arith.addi %iota3A_484, %add3A_486 : vector<16xi32>
    %eq3A_488 = arith.cmpf oeq, %select_n3A_412, %max3A_483 : vector<16xf32>
    %jit3A_489 = arith.constant 1073741824 : i32
    %broadcast_in_dim3A_490 = vector.broadcast %jit3A_489 : i32 to vector<16xi32>
    %select_n3A_491 = arith.select %eq3A_488, %add3A_487, %broadcast_in_dim3A_490 : vector<16xi1>, vector<16xi32>
    %iota3A_492 = tpu.iota {dimensions = array<i32: 0>} : vector<16xi32>
    %add3A_493 = arith.constant 16 : i32
    %add3A_494 = vector.broadcast %add3A_493 : i32 to vector<16xi32>
    %add3A_495 = arith.addi %iota3A_492, %add3A_494 : vector<16xi32>
    %eq3A_496 = arith.cmpf oeq, %select_n3A_423, %max3A_483 : vector<16xf32>
    %jit3A_497 = arith.constant 1073741824 : i32
    %broadcast_in_dim3A_498 = vector.broadcast %jit3A_497 : i32 to vector<16xi32>
    %select_n3A_499 = arith.select %eq3A_496, %add3A_495, %broadcast_in_dim3A_498 : vector<16xi1>, vector<16xi32>
    %min3A_500 = arith.minsi %select_n3A_491, %select_n3A_499 : vector<16xi32>
    %iota3A_501 = tpu.iota {dimensions = array<i32: 0>} : vector<16xi32>
    %add3A_502 = arith.constant 32 : i32
    %add3A_503 = vector.broadcast %add3A_502 : i32 to vector<16xi32>
    %add3A_504 = arith.addi %iota3A_501, %add3A_503 : vector<16xi32>
    %eq3A_505 = arith.cmpf oeq, %select_n3A_434, %max3A_483 : vector<16xf32>
    %jit3A_506 = arith.constant 1073741824 : i32
    %broadcast_in_dim3A_507 = vector.broadcast %jit3A_506 : i32 to vector<16xi32>
    %select_n3A_508 = arith.select %eq3A_505, %add3A_504, %broadcast_in_dim3A_507 : vector<16xi1>, vector<16xi32>
    %min3A_509 = arith.minsi %min3A_500, %select_n3A_508 : vector<16xi32>
    %iota3A_510 = tpu.iota {dimensions = array<i32: 0>} : vector<16xi32>
    %add3A_511 = arith.constant 48 : i32
    %add3A_512 = vector.broadcast %add3A_511 : i32 to vector<16xi32>
    %add3A_513 = arith.addi %iota3A_510, %add3A_512 : vector<16xi32>
    %eq3A_514 = arith.cmpf oeq, %select_n3A_445, %max3A_483 : vector<16xf32>
    %jit3A_515 = arith.constant 1073741824 : i32
    %broadcast_in_dim3A_516 = vector.broadcast %jit3A_515 : i32 to vector<16xi32>
    %select_n3A_517 = arith.select %eq3A_514, %add3A_513, %broadcast_in_dim3A_516 : vector<16xi1>, vector<16xi32>
    %min3A_518 = arith.minsi %min3A_509, %select_n3A_517 : vector<16xi32>
    %iota3A_519 = tpu.iota {dimensions = array<i32: 0>} : vector<16xi32>
    %xor3A_520 = arith.constant 8 : i32
    %xor3A_521 = vector.broadcast %xor3A_520 : i32 to vector<16xi32>
    %xor3A_522 = arith.xori %iota3A_519, %xor3A_521 : vector<16xi32>
    %broadcast_in_dim3A_523 = vector.shape_cast %xor3A_522 : vector<16xi32> to vector<16x1xi32>
    %gather3A_524 = vector.shape_cast %broadcast_in_dim3A_523 : vector<16x1xi32> to vector<16xi32>
    %gather3A_525 = tpu.dynamic_gather %min3A_518[%gather3A_524] in [0] : vector<16xi32>, vector<16xi32> -> vector<16xi32>
    %min3A_526 = arith.minsi %min3A_518, %gather3A_525 : vector<16xi32>
    %iota3A_527 = tpu.iota {dimensions = array<i32: 0>} : vector<16xi32>
    %xor3A_528 = arith.constant 4 : i32
    %xor3A_529 = vector.broadcast %xor3A_528 : i32 to vector<16xi32>
    %xor3A_530 = arith.xori %iota3A_527, %xor3A_529 : vector<16xi32>
    %broadcast_in_dim3A_531 = vector.shape_cast %xor3A_530 : vector<16xi32> to vector<16x1xi32>
    %gather3A_532 = vector.shape_cast %broadcast_in_dim3A_531 : vector<16x1xi32> to vector<16xi32>
    %gather3A_533 = tpu.dynamic_gather %min3A_526[%gather3A_532] in [0] : vector<16xi32>, vector<16xi32> -> vector<16xi32>
    %min3A_534 = arith.minsi %min3A_526, %gather3A_533 : vector<16xi32>
    %iota3A_535 = tpu.iota {dimensions = array<i32: 0>} : vector<16xi32>
    %xor3A_536 = arith.constant 2 : i32
    %xor3A_537 = vector.broadcast %xor3A_536 : i32 to vector<16xi32>
    %xor3A_538 = arith.xori %iota3A_535, %xor3A_537 : vector<16xi32>
    %broadcast_in_dim3A_539 = vector.shape_cast %xor3A_538 : vector<16xi32> to vector<16x1xi32>
    %gather3A_540 = vector.shape_cast %broadcast_in_dim3A_539 : vector<16x1xi32> to vector<16xi32>
    %gather3A_541 = tpu.dynamic_gather %min3A_534[%gather3A_540] in [0] : vector<16xi32>, vector<16xi32> -> vector<16xi32>
    %min3A_542 = arith.minsi %min3A_534, %gather3A_541 : vector<16xi32>
    %iota3A_543 = tpu.iota {dimensions = array<i32: 0>} : vector<16xi32>
    %xor3A_544 = arith.constant 1 : i32
    %xor3A_545 = vector.broadcast %xor3A_544 : i32 to vector<16xi32>
    %xor3A_546 = arith.xori %iota3A_543, %xor3A_545 : vector<16xi32>
    %broadcast_in_dim3A_547 = vector.shape_cast %xor3A_546 : vector<16xi32> to vector<16x1xi32>
    %gather3A_548 = vector.shape_cast %broadcast_in_dim3A_547 : vector<16x1xi32> to vector<16xi32>
    %gather3A_549 = tpu.dynamic_gather %min3A_542[%gather3A_548] in [0] : vector<16xi32>, vector<16xi32> -> vector<16xi32>
    %min3A_550 = arith.minsi %min3A_542, %gather3A_549 : vector<16xi32>
    %iota3A_551 = tpu.iota {dimensions = array<i32: 0>} : vector<16xi32>
    %add3A_552 = arith.constant 0 : i32
    %add3A_553 = vector.broadcast %add3A_552 : i32 to vector<16xi32>
    %add3A_554 = arith.addi %iota3A_551, %add3A_553 : vector<16xi32>
    %eq3A_555 = arith.cmpi eq, %add3A_554, %min3A_550 : vector<16xi32>
    %jit3A_556 = arith.constant -3.000000e+38 : f32
    %broadcast_in_dim3A_557 = vector.broadcast %jit3A_556 : f32 to vector<16xf32>
    %select_n3A_558 = arith.select %eq3A_555, %broadcast_in_dim3A_557, %select_n3A_412 : vector<16xi1>, vector<16xf32>
    %jit3A_559 = arith.constant 1.000000e+00 : f32
    %broadcast_in_dim3A_560 = vector.broadcast %jit3A_559 : f32 to vector<16xf32>
    %select_n3A_561 = arith.select %eq3A_555, %broadcast_in_dim3A_560, %select_n3A_415 : vector<16xi1>, vector<16xf32>
    %iota3A_562 = tpu.iota {dimensions = array<i32: 0>} : vector<16xi32>
    %add3A_563 = arith.constant 16 : i32
    %add3A_564 = vector.broadcast %add3A_563 : i32 to vector<16xi32>
    %add3A_565 = arith.addi %iota3A_562, %add3A_564 : vector<16xi32>
    %eq3A_566 = arith.cmpi eq, %add3A_565, %min3A_550 : vector<16xi32>
    %jit3A_567 = arith.constant -3.000000e+38 : f32
    %broadcast_in_dim3A_568 = vector.broadcast %jit3A_567 : f32 to vector<16xf32>
    %select_n3A_569 = arith.select %eq3A_566, %broadcast_in_dim3A_568, %select_n3A_423 : vector<16xi1>, vector<16xf32>
    %jit3A_570 = arith.constant 1.000000e+00 : f32
    %broadcast_in_dim3A_571 = vector.broadcast %jit3A_570 : f32 to vector<16xf32>
    %select_n3A_572 = arith.select %eq3A_566, %broadcast_in_dim3A_571, %select_n3A_426 : vector<16xi1>, vector<16xf32>
    %iota3A_573 = tpu.iota {dimensions = array<i32: 0>} : vector<16xi32>
    %add3A_574 = arith.constant 32 : i32
    %add3A_575 = vector.broadcast %add3A_574 : i32 to vector<16xi32>
    %add3A_576 = arith.addi %iota3A_573, %add3A_575 : vector<16xi32>
    %eq3A_577 = arith.cmpi eq, %add3A_576, %min3A_550 : vector<16xi32>
    %jit3A_578 = arith.constant -3.000000e+38 : f32
    %broadcast_in_dim3A_579 = vector.broadcast %jit3A_578 : f32 to vector<16xf32>
    %select_n3A_580 = arith.select %eq3A_577, %broadcast_in_dim3A_579, %select_n3A_434 : vector<16xi1>, vector<16xf32>
    %jit3A_581 = arith.constant 1.000000e+00 : f32
    %broadcast_in_dim3A_582 = vector.broadcast %jit3A_581 : f32 to vector<16xf32>
    %select_n3A_583 = arith.select %eq3A_577, %broadcast_in_dim3A_582, %select_n3A_437 : vector<16xi1>, vector<16xf32>
    %iota3A_584 = tpu.iota {dimensions = array<i32: 0>} : vector<16xi32>
    %add3A_585 = arith.constant 48 : i32
    %add3A_586 = vector.broadcast %add3A_585 : i32 to vector<16xi32>
    %add3A_587 = arith.addi %iota3A_584, %add3A_586 : vector<16xi32>
    %eq3A_588 = arith.cmpi eq, %add3A_587, %min3A_550 : vector<16xi32>
    %jit3A_589 = arith.constant -3.000000e+38 : f32
    %broadcast_in_dim3A_590 = vector.broadcast %jit3A_589 : f32 to vector<16xf32>
    %select_n3A_591 = arith.select %eq3A_588, %broadcast_in_dim3A_590, %select_n3A_445 : vector<16xi1>, vector<16xf32>
    %jit3A_592 = arith.constant 1.000000e+00 : f32
    %broadcast_in_dim3A_593 = vector.broadcast %jit3A_592 : f32 to vector<16xf32>
    %select_n3A_594 = arith.select %eq3A_588, %broadcast_in_dim3A_593, %select_n3A_448 : vector<16xi1>, vector<16xf32>
    %max3A_595 = arith.maximumf %select_n3A_558, %select_n3A_569 : vector<16xf32>
    %max3A_596 = arith.maximumf %max3A_595, %select_n3A_580 : vector<16xf32>
    %max3A_597 = arith.maximumf %max3A_596, %select_n3A_591 : vector<16xf32>
    %iota3A_598 = tpu.iota {dimensions = array<i32: 0>} : vector<16xi32>
    %xor3A_599 = arith.constant 8 : i32
    %xor3A_600 = vector.broadcast %xor3A_599 : i32 to vector<16xi32>
    %xor3A_601 = arith.xori %iota3A_598, %xor3A_600 : vector<16xi32>
    %broadcast_in_dim3A_602 = vector.shape_cast %xor3A_601 : vector<16xi32> to vector<16x1xi32>
    %gather3A_603 = vector.shape_cast %broadcast_in_dim3A_602 : vector<16x1xi32> to vector<16xi32>
    %gather3A_604 = tpu.dynamic_gather %max3A_597[%gather3A_603] in [0] : vector<16xf32>, vector<16xi32> -> vector<16xf32>
    %max3A_605 = arith.maximumf %max3A_597, %gather3A_604 : vector<16xf32>
    %iota3A_606 = tpu.iota {dimensions = array<i32: 0>} : vector<16xi32>
    %xor3A_607 = arith.constant 4 : i32
    %xor3A_608 = vector.broadcast %xor3A_607 : i32 to vector<16xi32>
    %xor3A_609 = arith.xori %iota3A_606, %xor3A_608 : vector<16xi32>
    %broadcast_in_dim3A_610 = vector.shape_cast %xor3A_609 : vector<16xi32> to vector<16x1xi32>
    %gather3A_611 = vector.shape_cast %broadcast_in_dim3A_610 : vector<16x1xi32> to vector<16xi32>
    %gather3A_612 = tpu.dynamic_gather %max3A_605[%gather3A_611] in [0] : vector<16xf32>, vector<16xi32> -> vector<16xf32>
    %max3A_613 = arith.maximumf %max3A_605, %gather3A_612 : vector<16xf32>
    %iota3A_614 = tpu.iota {dimensions = array<i32: 0>} : vector<16xi32>
    %xor3A_615 = arith.constant 2 : i32
    %xor3A_616 = vector.broadcast %xor3A_615 : i32 to vector<16xi32>
    %xor3A_617 = arith.xori %iota3A_614, %xor3A_616 : vector<16xi32>
    %broadcast_in_dim3A_618 = vector.shape_cast %xor3A_617 : vector<16xi32> to vector<16x1xi32>
    %gather3A_619 = vector.shape_cast %broadcast_in_dim3A_618 : vector<16x1xi32> to vector<16xi32>
    %gather3A_620 = tpu.dynamic_gather %max3A_613[%gather3A_619] in [0] : vector<16xf32>, vector<16xi32> -> vector<16xf32>
    %max3A_621 = arith.maximumf %max3A_613, %gather3A_620 : vector<16xf32>
    %iota3A_622 = tpu.iota {dimensions = array<i32: 0>} : vector<16xi32>
    %xor3A_623 = arith.constant 1 : i32
    %xor3A_624 = vector.broadcast %xor3A_623 : i32 to vector<16xi32>
    %xor3A_625 = arith.xori %iota3A_622, %xor3A_624 : vector<16xi32>
    %broadcast_in_dim3A_626 = vector.shape_cast %xor3A_625 : vector<16xi32> to vector<16x1xi32>
    %gather3A_627 = vector.shape_cast %broadcast_in_dim3A_626 : vector<16x1xi32> to vector<16xi32>
    %gather3A_628 = tpu.dynamic_gather %max3A_621[%gather3A_627] in [0] : vector<16xf32>, vector<16xi32> -> vector<16xf32>
    %max3A_629 = arith.maximumf %max3A_621, %gather3A_628 : vector<16xf32>
    %iota3A_630 = tpu.iota {dimensions = array<i32: 0>} : vector<16xi32>
    %add3A_631 = arith.constant 0 : i32
    %add3A_632 = vector.broadcast %add3A_631 : i32 to vector<16xi32>
    %add3A_633 = arith.addi %iota3A_630, %add3A_632 : vector<16xi32>
    %eq3A_634 = arith.cmpf oeq, %select_n3A_558, %max3A_629 : vector<16xf32>
    %jit3A_635 = arith.constant 1073741824 : i32
    %broadcast_in_dim3A_636 = vector.broadcast %jit3A_635 : i32 to vector<16xi32>
    %select_n3A_637 = arith.select %eq3A_634, %add3A_633, %broadcast_in_dim3A_636 : vector<16xi1>, vector<16xi32>
    %iota3A_638 = tpu.iota {dimensions = array<i32: 0>} : vector<16xi32>
    %add3A_639 = arith.constant 16 : i32
    %add3A_640 = vector.broadcast %add3A_639 : i32 to vector<16xi32>
    %add3A_641 = arith.addi %iota3A_638, %add3A_640 : vector<16xi32>
    %eq3A_642 = arith.cmpf oeq, %select_n3A_569, %max3A_629 : vector<16xf32>
    %jit3A_643 = arith.constant 1073741824 : i32
    %broadcast_in_dim3A_644 = vector.broadcast %jit3A_643 : i32 to vector<16xi32>
    %select_n3A_645 = arith.select %eq3A_642, %add3A_641, %broadcast_in_dim3A_644 : vector<16xi1>, vector<16xi32>
    %min3A_646 = arith.minsi %select_n3A_637, %select_n3A_645 : vector<16xi32>
    %iota3A_647 = tpu.iota {dimensions = array<i32: 0>} : vector<16xi32>
    %add3A_648 = arith.constant 32 : i32
    %add3A_649 = vector.broadcast %add3A_648 : i32 to vector<16xi32>
    %add3A_650 = arith.addi %iota3A_647, %add3A_649 : vector<16xi32>
    %eq3A_651 = arith.cmpf oeq, %select_n3A_580, %max3A_629 : vector<16xf32>
    %jit3A_652 = arith.constant 1073741824 : i32
    %broadcast_in_dim3A_653 = vector.broadcast %jit3A_652 : i32 to vector<16xi32>
    %select_n3A_654 = arith.select %eq3A_651, %add3A_650, %broadcast_in_dim3A_653 : vector<16xi1>, vector<16xi32>
    %min3A_655 = arith.minsi %min3A_646, %select_n3A_654 : vector<16xi32>
    %iota3A_656 = tpu.iota {dimensions = array<i32: 0>} : vector<16xi32>
    %add3A_657 = arith.constant 48 : i32
    %add3A_658 = vector.broadcast %add3A_657 : i32 to vector<16xi32>
    %add3A_659 = arith.addi %iota3A_656, %add3A_658 : vector<16xi32>
    %eq3A_660 = arith.cmpf oeq, %select_n3A_591, %max3A_629 : vector<16xf32>
    %jit3A_661 = arith.constant 1073741824 : i32
    %broadcast_in_dim3A_662 = vector.broadcast %jit3A_661 : i32 to vector<16xi32>
    %select_n3A_663 = arith.select %eq3A_660, %add3A_659, %broadcast_in_dim3A_662 : vector<16xi1>, vector<16xi32>
    %min3A_664 = arith.minsi %min3A_655, %select_n3A_663 : vector<16xi32>
    %iota3A_665 = tpu.iota {dimensions = array<i32: 0>} : vector<16xi32>
    %xor3A_666 = arith.constant 8 : i32
    %xor3A_667 = vector.broadcast %xor3A_666 : i32 to vector<16xi32>
    %xor3A_668 = arith.xori %iota3A_665, %xor3A_667 : vector<16xi32>
    %broadcast_in_dim3A_669 = vector.shape_cast %xor3A_668 : vector<16xi32> to vector<16x1xi32>
    %gather3A_670 = vector.shape_cast %broadcast_in_dim3A_669 : vector<16x1xi32> to vector<16xi32>
    %gather3A_671 = tpu.dynamic_gather %min3A_664[%gather3A_670] in [0] : vector<16xi32>, vector<16xi32> -> vector<16xi32>
    %min3A_672 = arith.minsi %min3A_664, %gather3A_671 : vector<16xi32>
    %iota3A_673 = tpu.iota {dimensions = array<i32: 0>} : vector<16xi32>
    %xor3A_674 = arith.constant 4 : i32
    %xor3A_675 = vector.broadcast %xor3A_674 : i32 to vector<16xi32>
    %xor3A_676 = arith.xori %iota3A_673, %xor3A_675 : vector<16xi32>
    %broadcast_in_dim3A_677 = vector.shape_cast %xor3A_676 : vector<16xi32> to vector<16x1xi32>
    %gather3A_678 = vector.shape_cast %broadcast_in_dim3A_677 : vector<16x1xi32> to vector<16xi32>
    %gather3A_679 = tpu.dynamic_gather %min3A_672[%gather3A_678] in [0] : vector<16xi32>, vector<16xi32> -> vector<16xi32>
    %min3A_680 = arith.minsi %min3A_672, %gather3A_679 : vector<16xi32>
    %iota3A_681 = tpu.iota {dimensions = array<i32: 0>} : vector<16xi32>
    %xor3A_682 = arith.constant 2 : i32
    %xor3A_683 = vector.broadcast %xor3A_682 : i32 to vector<16xi32>
    %xor3A_684 = arith.xori %iota3A_681, %xor3A_683 : vector<16xi32>
    %broadcast_in_dim3A_685 = vector.shape_cast %xor3A_684 : vector<16xi32> to vector<16x1xi32>
    %gather3A_686 = vector.shape_cast %broadcast_in_dim3A_685 : vector<16x1xi32> to vector<16xi32>
    %gather3A_687 = tpu.dynamic_gather %min3A_680[%gather3A_686] in [0] : vector<16xi32>, vector<16xi32> -> vector<16xi32>
    %min3A_688 = arith.minsi %min3A_680, %gather3A_687 : vector<16xi32>
    %iota3A_689 = tpu.iota {dimensions = array<i32: 0>} : vector<16xi32>
    %xor3A_690 = arith.constant 1 : i32
    %xor3A_691 = vector.broadcast %xor3A_690 : i32 to vector<16xi32>
    %xor3A_692 = arith.xori %iota3A_689, %xor3A_691 : vector<16xi32>
    %broadcast_in_dim3A_693 = vector.shape_cast %xor3A_692 : vector<16xi32> to vector<16x1xi32>
    %gather3A_694 = vector.shape_cast %broadcast_in_dim3A_693 : vector<16x1xi32> to vector<16xi32>
    %gather3A_695 = tpu.dynamic_gather %min3A_688[%gather3A_694] in [0] : vector<16xi32>, vector<16xi32> -> vector<16xi32>
    %min3A_696 = arith.minsi %min3A_688, %gather3A_695 : vector<16xi32>
    %iota3A_697 = tpu.iota {dimensions = array<i32: 0>} : vector<16xi32>
    %add3A_698 = arith.constant 0 : i32
    %add3A_699 = vector.broadcast %add3A_698 : i32 to vector<16xi32>
    %add3A_700 = arith.addi %iota3A_697, %add3A_699 : vector<16xi32>
    %eq3A_701 = arith.cmpi eq, %add3A_700, %min3A_696 : vector<16xi32>
    %jit3A_702 = arith.constant -3.000000e+38 : f32
    %broadcast_in_dim3A_703 = vector.broadcast %jit3A_702 : f32 to vector<16xf32>
    %select_n3A_704 = arith.select %eq3A_701, %broadcast_in_dim3A_703, %select_n3A_558 : vector<16xi1>, vector<16xf32>
    %jit3A_705 = arith.constant 1.000000e+00 : f32
    %broadcast_in_dim3A_706 = vector.broadcast %jit3A_705 : f32 to vector<16xf32>
    %select_n3A_707 = arith.select %eq3A_701, %broadcast_in_dim3A_706, %select_n3A_561 : vector<16xi1>, vector<16xf32>
    %iota3A_708 = tpu.iota {dimensions = array<i32: 0>} : vector<16xi32>
    %add3A_709 = arith.constant 16 : i32
    %add3A_710 = vector.broadcast %add3A_709 : i32 to vector<16xi32>
    %add3A_711 = arith.addi %iota3A_708, %add3A_710 : vector<16xi32>
    %eq3A_712 = arith.cmpi eq, %add3A_711, %min3A_696 : vector<16xi32>
    %jit3A_713 = arith.constant -3.000000e+38 : f32
    %broadcast_in_dim3A_714 = vector.broadcast %jit3A_713 : f32 to vector<16xf32>
    %select_n3A_715 = arith.select %eq3A_712, %broadcast_in_dim3A_714, %select_n3A_569 : vector<16xi1>, vector<16xf32>
    %jit3A_716 = arith.constant 1.000000e+00 : f32
    %broadcast_in_dim3A_717 = vector.broadcast %jit3A_716 : f32 to vector<16xf32>
    %select_n3A_718 = arith.select %eq3A_712, %broadcast_in_dim3A_717, %select_n3A_572 : vector<16xi1>, vector<16xf32>
    %iota3A_719 = tpu.iota {dimensions = array<i32: 0>} : vector<16xi32>
    %add3A_720 = arith.constant 32 : i32
    %add3A_721 = vector.broadcast %add3A_720 : i32 to vector<16xi32>
    %add3A_722 = arith.addi %iota3A_719, %add3A_721 : vector<16xi32>
    %eq3A_723 = arith.cmpi eq, %add3A_722, %min3A_696 : vector<16xi32>
    %jit3A_724 = arith.constant -3.000000e+38 : f32
    %broadcast_in_dim3A_725 = vector.broadcast %jit3A_724 : f32 to vector<16xf32>
    %select_n3A_726 = arith.select %eq3A_723, %broadcast_in_dim3A_725, %select_n3A_580 : vector<16xi1>, vector<16xf32>
    %jit3A_727 = arith.constant 1.000000e+00 : f32
    %broadcast_in_dim3A_728 = vector.broadcast %jit3A_727 : f32 to vector<16xf32>
    %select_n3A_729 = arith.select %eq3A_723, %broadcast_in_dim3A_728, %select_n3A_583 : vector<16xi1>, vector<16xf32>
    %iota3A_730 = tpu.iota {dimensions = array<i32: 0>} : vector<16xi32>
    %add3A_731 = arith.constant 48 : i32
    %add3A_732 = vector.broadcast %add3A_731 : i32 to vector<16xi32>
    %add3A_733 = arith.addi %iota3A_730, %add3A_732 : vector<16xi32>
    %eq3A_734 = arith.cmpi eq, %add3A_733, %min3A_696 : vector<16xi32>
    %jit3A_735 = arith.constant -3.000000e+38 : f32
    %broadcast_in_dim3A_736 = vector.broadcast %jit3A_735 : f32 to vector<16xf32>
    %select_n3A_737 = arith.select %eq3A_734, %broadcast_in_dim3A_736, %select_n3A_591 : vector<16xi1>, vector<16xf32>
    %jit3A_738 = arith.constant 1.000000e+00 : f32
    %broadcast_in_dim3A_739 = vector.broadcast %jit3A_738 : f32 to vector<16xf32>
    %select_n3A_740 = arith.select %eq3A_734, %broadcast_in_dim3A_739, %select_n3A_594 : vector<16xi1>, vector<16xf32>
    %max3A_741 = arith.maximumf %select_n3A_704, %select_n3A_715 : vector<16xf32>
    %max3A_742 = arith.maximumf %max3A_741, %select_n3A_726 : vector<16xf32>
    %max3A_743 = arith.maximumf %max3A_742, %select_n3A_737 : vector<16xf32>
    %iota3A_744 = tpu.iota {dimensions = array<i32: 0>} : vector<16xi32>
    %xor3A_745 = arith.constant 8 : i32
    %xor3A_746 = vector.broadcast %xor3A_745 : i32 to vector<16xi32>
    %xor3A_747 = arith.xori %iota3A_744, %xor3A_746 : vector<16xi32>
    %broadcast_in_dim3A_748 = vector.shape_cast %xor3A_747 : vector<16xi32> to vector<16x1xi32>
    %gather3A_749 = vector.shape_cast %broadcast_in_dim3A_748 : vector<16x1xi32> to vector<16xi32>
    %gather3A_750 = tpu.dynamic_gather %max3A_743[%gather3A_749] in [0] : vector<16xf32>, vector<16xi32> -> vector<16xf32>
    %max3A_751 = arith.maximumf %max3A_743, %gather3A_750 : vector<16xf32>
    %iota3A_752 = tpu.iota {dimensions = array<i32: 0>} : vector<16xi32>
    %xor3A_753 = arith.constant 4 : i32
    %xor3A_754 = vector.broadcast %xor3A_753 : i32 to vector<16xi32>
    %xor3A_755 = arith.xori %iota3A_752, %xor3A_754 : vector<16xi32>
    %broadcast_in_dim3A_756 = vector.shape_cast %xor3A_755 : vector<16xi32> to vector<16x1xi32>
    %gather3A_757 = vector.shape_cast %broadcast_in_dim3A_756 : vector<16x1xi32> to vector<16xi32>
    %gather3A_758 = tpu.dynamic_gather %max3A_751[%gather3A_757] in [0] : vector<16xf32>, vector<16xi32> -> vector<16xf32>
    %max3A_759 = arith.maximumf %max3A_751, %gather3A_758 : vector<16xf32>
    %iota3A_760 = tpu.iota {dimensions = array<i32: 0>} : vector<16xi32>
    %xor3A_761 = arith.constant 2 : i32
    %xor3A_762 = vector.broadcast %xor3A_761 : i32 to vector<16xi32>
    %xor3A_763 = arith.xori %iota3A_760, %xor3A_762 : vector<16xi32>
    %broadcast_in_dim3A_764 = vector.shape_cast %xor3A_763 : vector<16xi32> to vector<16x1xi32>
    %gather3A_765 = vector.shape_cast %broadcast_in_dim3A_764 : vector<16x1xi32> to vector<16xi32>
    %gather3A_766 = tpu.dynamic_gather %max3A_759[%gather3A_765] in [0] : vector<16xf32>, vector<16xi32> -> vector<16xf32>
    %max3A_767 = arith.maximumf %max3A_759, %gather3A_766 : vector<16xf32>
    %iota3A_768 = tpu.iota {dimensions = array<i32: 0>} : vector<16xi32>
    %xor3A_769 = arith.constant 1 : i32
    %xor3A_770 = vector.broadcast %xor3A_769 : i32 to vector<16xi32>
    %xor3A_771 = arith.xori %iota3A_768, %xor3A_770 : vector<16xi32>
    %broadcast_in_dim3A_772 = vector.shape_cast %xor3A_771 : vector<16xi32> to vector<16x1xi32>
    %gather3A_773 = vector.shape_cast %broadcast_in_dim3A_772 : vector<16x1xi32> to vector<16xi32>
    %gather3A_774 = tpu.dynamic_gather %max3A_767[%gather3A_773] in [0] : vector<16xf32>, vector<16xi32> -> vector<16xf32>
    %max3A_775 = arith.maximumf %max3A_767, %gather3A_774 : vector<16xf32>
    %iota3A_776 = tpu.iota {dimensions = array<i32: 0>} : vector<16xi32>
    %add3A_777 = arith.constant 0 : i32
    %add3A_778 = vector.broadcast %add3A_777 : i32 to vector<16xi32>
    %add3A_779 = arith.addi %iota3A_776, %add3A_778 : vector<16xi32>
    %eq3A_780 = arith.cmpf oeq, %select_n3A_704, %max3A_775 : vector<16xf32>
    %jit3A_781 = arith.constant 1073741824 : i32
    %broadcast_in_dim3A_782 = vector.broadcast %jit3A_781 : i32 to vector<16xi32>
    %select_n3A_783 = arith.select %eq3A_780, %add3A_779, %broadcast_in_dim3A_782 : vector<16xi1>, vector<16xi32>
    %iota3A_784 = tpu.iota {dimensions = array<i32: 0>} : vector<16xi32>
    %add3A_785 = arith.constant 16 : i32
    %add3A_786 = vector.broadcast %add3A_785 : i32 to vector<16xi32>
    %add3A_787 = arith.addi %iota3A_784, %add3A_786 : vector<16xi32>
    %eq3A_788 = arith.cmpf oeq, %select_n3A_715, %max3A_775 : vector<16xf32>
    %jit3A_789 = arith.constant 1073741824 : i32
    %broadcast_in_dim3A_790 = vector.broadcast %jit3A_789 : i32 to vector<16xi32>
    %select_n3A_791 = arith.select %eq3A_788, %add3A_787, %broadcast_in_dim3A_790 : vector<16xi1>, vector<16xi32>
    %min3A_792 = arith.minsi %select_n3A_783, %select_n3A_791 : vector<16xi32>
    %iota3A_793 = tpu.iota {dimensions = array<i32: 0>} : vector<16xi32>
    %add3A_794 = arith.constant 32 : i32
    %add3A_795 = vector.broadcast %add3A_794 : i32 to vector<16xi32>
    %add3A_796 = arith.addi %iota3A_793, %add3A_795 : vector<16xi32>
    %eq3A_797 = arith.cmpf oeq, %select_n3A_726, %max3A_775 : vector<16xf32>
    %jit3A_798 = arith.constant 1073741824 : i32
    %broadcast_in_dim3A_799 = vector.broadcast %jit3A_798 : i32 to vector<16xi32>
    %select_n3A_800 = arith.select %eq3A_797, %add3A_796, %broadcast_in_dim3A_799 : vector<16xi1>, vector<16xi32>
    %min3A_801 = arith.minsi %min3A_792, %select_n3A_800 : vector<16xi32>
    %iota3A_802 = tpu.iota {dimensions = array<i32: 0>} : vector<16xi32>
    %add3A_803 = arith.constant 48 : i32
    %add3A_804 = vector.broadcast %add3A_803 : i32 to vector<16xi32>
    %add3A_805 = arith.addi %iota3A_802, %add3A_804 : vector<16xi32>
    %eq3A_806 = arith.cmpf oeq, %select_n3A_737, %max3A_775 : vector<16xf32>
    %jit3A_807 = arith.constant 1073741824 : i32
    %broadcast_in_dim3A_808 = vector.broadcast %jit3A_807 : i32 to vector<16xi32>
    %select_n3A_809 = arith.select %eq3A_806, %add3A_805, %broadcast_in_dim3A_808 : vector<16xi1>, vector<16xi32>
    %min3A_810 = arith.minsi %min3A_801, %select_n3A_809 : vector<16xi32>
    %iota3A_811 = tpu.iota {dimensions = array<i32: 0>} : vector<16xi32>
    %xor3A_812 = arith.constant 8 : i32
    %xor3A_813 = vector.broadcast %xor3A_812 : i32 to vector<16xi32>
    %xor3A_814 = arith.xori %iota3A_811, %xor3A_813 : vector<16xi32>
    %broadcast_in_dim3A_815 = vector.shape_cast %xor3A_814 : vector<16xi32> to vector<16x1xi32>
    %gather3A_816 = vector.shape_cast %broadcast_in_dim3A_815 : vector<16x1xi32> to vector<16xi32>
    %gather3A_817 = tpu.dynamic_gather %min3A_810[%gather3A_816] in [0] : vector<16xi32>, vector<16xi32> -> vector<16xi32>
    %min3A_818 = arith.minsi %min3A_810, %gather3A_817 : vector<16xi32>
    %iota3A_819 = tpu.iota {dimensions = array<i32: 0>} : vector<16xi32>
    %xor3A_820 = arith.constant 4 : i32
    %xor3A_821 = vector.broadcast %xor3A_820 : i32 to vector<16xi32>
    %xor3A_822 = arith.xori %iota3A_819, %xor3A_821 : vector<16xi32>
    %broadcast_in_dim3A_823 = vector.shape_cast %xor3A_822 : vector<16xi32> to vector<16x1xi32>
    %gather3A_824 = vector.shape_cast %broadcast_in_dim3A_823 : vector<16x1xi32> to vector<16xi32>
    %gather3A_825 = tpu.dynamic_gather %min3A_818[%gather3A_824] in [0] : vector<16xi32>, vector<16xi32> -> vector<16xi32>
    %min3A_826 = arith.minsi %min3A_818, %gather3A_825 : vector<16xi32>
    %iota3A_827 = tpu.iota {dimensions = array<i32: 0>} : vector<16xi32>
    %xor3A_828 = arith.constant 2 : i32
    %xor3A_829 = vector.broadcast %xor3A_828 : i32 to vector<16xi32>
    %xor3A_830 = arith.xori %iota3A_827, %xor3A_829 : vector<16xi32>
    %broadcast_in_dim3A_831 = vector.shape_cast %xor3A_830 : vector<16xi32> to vector<16x1xi32>
    %gather3A_832 = vector.shape_cast %broadcast_in_dim3A_831 : vector<16x1xi32> to vector<16xi32>
    %gather3A_833 = tpu.dynamic_gather %min3A_826[%gather3A_832] in [0] : vector<16xi32>, vector<16xi32> -> vector<16xi32>
    %min3A_834 = arith.minsi %min3A_826, %gather3A_833 : vector<16xi32>
    %iota3A_835 = tpu.iota {dimensions = array<i32: 0>} : vector<16xi32>
    %xor3A_836 = arith.constant 1 : i32
    %xor3A_837 = vector.broadcast %xor3A_836 : i32 to vector<16xi32>
    %xor3A_838 = arith.xori %iota3A_835, %xor3A_837 : vector<16xi32>
    %broadcast_in_dim3A_839 = vector.shape_cast %xor3A_838 : vector<16xi32> to vector<16x1xi32>
    %gather3A_840 = vector.shape_cast %broadcast_in_dim3A_839 : vector<16x1xi32> to vector<16xi32>
    %gather3A_841 = tpu.dynamic_gather %min3A_834[%gather3A_840] in [0] : vector<16xi32>, vector<16xi32> -> vector<16xi32>
    %min3A_842 = arith.minsi %min3A_834, %gather3A_841 : vector<16xi32>
    %iota3A_843 = tpu.iota {dimensions = array<i32: 0>} : vector<16xi32>
    %add3A_844 = arith.constant 0 : i32
    %add3A_845 = vector.broadcast %add3A_844 : i32 to vector<16xi32>
    %add3A_846 = arith.addi %iota3A_843, %add3A_845 : vector<16xi32>
    %eq3A_847 = arith.cmpi eq, %add3A_846, %min3A_842 : vector<16xi32>
    %jit3A_848 = arith.constant -3.000000e+38 : f32
    %broadcast_in_dim3A_849 = vector.broadcast %jit3A_848 : f32 to vector<16xf32>
    %select_n3A_850 = arith.select %eq3A_847, %broadcast_in_dim3A_849, %select_n3A_704 : vector<16xi1>, vector<16xf32>
    %jit3A_851 = arith.constant 1.000000e+00 : f32
    %broadcast_in_dim3A_852 = vector.broadcast %jit3A_851 : f32 to vector<16xf32>
    %select_n3A_853 = arith.select %eq3A_847, %broadcast_in_dim3A_852, %select_n3A_707 : vector<16xi1>, vector<16xf32>
    %iota3A_854 = tpu.iota {dimensions = array<i32: 0>} : vector<16xi32>
    %add3A_855 = arith.constant 16 : i32
    %add3A_856 = vector.broadcast %add3A_855 : i32 to vector<16xi32>
    %add3A_857 = arith.addi %iota3A_854, %add3A_856 : vector<16xi32>
    %eq3A_858 = arith.cmpi eq, %add3A_857, %min3A_842 : vector<16xi32>
    %jit3A_859 = arith.constant -3.000000e+38 : f32
    %broadcast_in_dim3A_860 = vector.broadcast %jit3A_859 : f32 to vector<16xf32>
    %select_n3A_861 = arith.select %eq3A_858, %broadcast_in_dim3A_860, %select_n3A_715 : vector<16xi1>, vector<16xf32>
    %jit3A_862 = arith.constant 1.000000e+00 : f32
    %broadcast_in_dim3A_863 = vector.broadcast %jit3A_862 : f32 to vector<16xf32>
    %select_n3A_864 = arith.select %eq3A_858, %broadcast_in_dim3A_863, %select_n3A_718 : vector<16xi1>, vector<16xf32>
    %iota3A_865 = tpu.iota {dimensions = array<i32: 0>} : vector<16xi32>
    %add3A_866 = arith.constant 32 : i32
    %add3A_867 = vector.broadcast %add3A_866 : i32 to vector<16xi32>
    %add3A_868 = arith.addi %iota3A_865, %add3A_867 : vector<16xi32>
    %eq3A_869 = arith.cmpi eq, %add3A_868, %min3A_842 : vector<16xi32>
    %jit3A_870 = arith.constant -3.000000e+38 : f32
    %broadcast_in_dim3A_871 = vector.broadcast %jit3A_870 : f32 to vector<16xf32>
    %select_n3A_872 = arith.select %eq3A_869, %broadcast_in_dim3A_871, %select_n3A_726 : vector<16xi1>, vector<16xf32>
    %jit3A_873 = arith.constant 1.000000e+00 : f32
    %broadcast_in_dim3A_874 = vector.broadcast %jit3A_873 : f32 to vector<16xf32>
    %select_n3A_875 = arith.select %eq3A_869, %broadcast_in_dim3A_874, %select_n3A_729 : vector<16xi1>, vector<16xf32>
    %iota3A_876 = tpu.iota {dimensions = array<i32: 0>} : vector<16xi32>
    %add3A_877 = arith.constant 48 : i32
    %add3A_878 = vector.broadcast %add3A_877 : i32 to vector<16xi32>
    %add3A_879 = arith.addi %iota3A_876, %add3A_878 : vector<16xi32>
    %eq3A_880 = arith.cmpi eq, %add3A_879, %min3A_842 : vector<16xi32>
    %jit3A_881 = arith.constant -3.000000e+38 : f32
    %broadcast_in_dim3A_882 = vector.broadcast %jit3A_881 : f32 to vector<16xf32>
    %select_n3A_883 = arith.select %eq3A_880, %broadcast_in_dim3A_882, %select_n3A_737 : vector<16xi1>, vector<16xf32>
    %jit3A_884 = arith.constant 1.000000e+00 : f32
    %broadcast_in_dim3A_885 = vector.broadcast %jit3A_884 : f32 to vector<16xf32>
    %select_n3A_886 = arith.select %eq3A_880, %broadcast_in_dim3A_885, %select_n3A_740 : vector<16xi1>, vector<16xf32>
    %max3A_887 = arith.maximumf %select_n3A_850, %select_n3A_861 : vector<16xf32>
    %max3A_888 = arith.maximumf %max3A_887, %select_n3A_872 : vector<16xf32>
    %max3A_889 = arith.maximumf %max3A_888, %select_n3A_883 : vector<16xf32>
    %iota3A_890 = tpu.iota {dimensions = array<i32: 0>} : vector<16xi32>
    %xor3A_891 = arith.constant 8 : i32
    %xor3A_892 = vector.broadcast %xor3A_891 : i32 to vector<16xi32>
    %xor3A_893 = arith.xori %iota3A_890, %xor3A_892 : vector<16xi32>
    %broadcast_in_dim3A_894 = vector.shape_cast %xor3A_893 : vector<16xi32> to vector<16x1xi32>
    %gather3A_895 = vector.shape_cast %broadcast_in_dim3A_894 : vector<16x1xi32> to vector<16xi32>
    %gather3A_896 = tpu.dynamic_gather %max3A_889[%gather3A_895] in [0] : vector<16xf32>, vector<16xi32> -> vector<16xf32>
    %max3A_897 = arith.maximumf %max3A_889, %gather3A_896 : vector<16xf32>
    %iota3A_898 = tpu.iota {dimensions = array<i32: 0>} : vector<16xi32>
    %xor3A_899 = arith.constant 4 : i32
    %xor3A_900 = vector.broadcast %xor3A_899 : i32 to vector<16xi32>
    %xor3A_901 = arith.xori %iota3A_898, %xor3A_900 : vector<16xi32>
    %broadcast_in_dim3A_902 = vector.shape_cast %xor3A_901 : vector<16xi32> to vector<16x1xi32>
    %gather3A_903 = vector.shape_cast %broadcast_in_dim3A_902 : vector<16x1xi32> to vector<16xi32>
    %gather3A_904 = tpu.dynamic_gather %max3A_897[%gather3A_903] in [0] : vector<16xf32>, vector<16xi32> -> vector<16xf32>
    %max3A_905 = arith.maximumf %max3A_897, %gather3A_904 : vector<16xf32>
    %iota3A_906 = tpu.iota {dimensions = array<i32: 0>} : vector<16xi32>
    %xor3A_907 = arith.constant 2 : i32
    %xor3A_908 = vector.broadcast %xor3A_907 : i32 to vector<16xi32>
    %xor3A_909 = arith.xori %iota3A_906, %xor3A_908 : vector<16xi32>
    %broadcast_in_dim3A_910 = vector.shape_cast %xor3A_909 : vector<16xi32> to vector<16x1xi32>
    %gather3A_911 = vector.shape_cast %broadcast_in_dim3A_910 : vector<16x1xi32> to vector<16xi32>
    %gather3A_912 = tpu.dynamic_gather %max3A_905[%gather3A_911] in [0] : vector<16xf32>, vector<16xi32> -> vector<16xf32>
    %max3A_913 = arith.maximumf %max3A_905, %gather3A_912 : vector<16xf32>
    %iota3A_914 = tpu.iota {dimensions = array<i32: 0>} : vector<16xi32>
    %xor3A_915 = arith.constant 1 : i32
    %xor3A_916 = vector.broadcast %xor3A_915 : i32 to vector<16xi32>
    %xor3A_917 = arith.xori %iota3A_914, %xor3A_916 : vector<16xi32>
    %broadcast_in_dim3A_918 = vector.shape_cast %xor3A_917 : vector<16xi32> to vector<16x1xi32>
    %gather3A_919 = vector.shape_cast %broadcast_in_dim3A_918 : vector<16x1xi32> to vector<16xi32>
    %gather3A_920 = tpu.dynamic_gather %max3A_913[%gather3A_919] in [0] : vector<16xf32>, vector<16xi32> -> vector<16xf32>
    %max3A_921 = arith.maximumf %max3A_913, %gather3A_920 : vector<16xf32>
    %iota3A_922 = tpu.iota {dimensions = array<i32: 0>} : vector<16xi32>
    %add3A_923 = arith.constant 0 : i32
    %add3A_924 = vector.broadcast %add3A_923 : i32 to vector<16xi32>
    %add3A_925 = arith.addi %iota3A_922, %add3A_924 : vector<16xi32>
    %eq3A_926 = arith.cmpf oeq, %select_n3A_850, %max3A_921 : vector<16xf32>
    %jit3A_927 = arith.constant 1073741824 : i32
    %broadcast_in_dim3A_928 = vector.broadcast %jit3A_927 : i32 to vector<16xi32>
    %select_n3A_929 = arith.select %eq3A_926, %add3A_925, %broadcast_in_dim3A_928 : vector<16xi1>, vector<16xi32>
    %iota3A_930 = tpu.iota {dimensions = array<i32: 0>} : vector<16xi32>
    %add3A_931 = arith.constant 16 : i32
    %add3A_932 = vector.broadcast %add3A_931 : i32 to vector<16xi32>
    %add3A_933 = arith.addi %iota3A_930, %add3A_932 : vector<16xi32>
    %eq3A_934 = arith.cmpf oeq, %select_n3A_861, %max3A_921 : vector<16xf32>
    %jit3A_935 = arith.constant 1073741824 : i32
    %broadcast_in_dim3A_936 = vector.broadcast %jit3A_935 : i32 to vector<16xi32>
    %select_n3A_937 = arith.select %eq3A_934, %add3A_933, %broadcast_in_dim3A_936 : vector<16xi1>, vector<16xi32>
    %min3A_938 = arith.minsi %select_n3A_929, %select_n3A_937 : vector<16xi32>
    %iota3A_939 = tpu.iota {dimensions = array<i32: 0>} : vector<16xi32>
    %add3A_940 = arith.constant 32 : i32
    %add3A_941 = vector.broadcast %add3A_940 : i32 to vector<16xi32>
    %add3A_942 = arith.addi %iota3A_939, %add3A_941 : vector<16xi32>
    %eq3A_943 = arith.cmpf oeq, %select_n3A_872, %max3A_921 : vector<16xf32>
    %jit3A_944 = arith.constant 1073741824 : i32
    %broadcast_in_dim3A_945 = vector.broadcast %jit3A_944 : i32 to vector<16xi32>
    %select_n3A_946 = arith.select %eq3A_943, %add3A_942, %broadcast_in_dim3A_945 : vector<16xi1>, vector<16xi32>
    %min3A_947 = arith.minsi %min3A_938, %select_n3A_946 : vector<16xi32>
    %iota3A_948 = tpu.iota {dimensions = array<i32: 0>} : vector<16xi32>
    %add3A_949 = arith.constant 48 : i32
    %add3A_950 = vector.broadcast %add3A_949 : i32 to vector<16xi32>
    %add3A_951 = arith.addi %iota3A_948, %add3A_950 : vector<16xi32>
    %eq3A_952 = arith.cmpf oeq, %select_n3A_883, %max3A_921 : vector<16xf32>
    %jit3A_953 = arith.constant 1073741824 : i32
    %broadcast_in_dim3A_954 = vector.broadcast %jit3A_953 : i32 to vector<16xi32>
    %select_n3A_955 = arith.select %eq3A_952, %add3A_951, %broadcast_in_dim3A_954 : vector<16xi1>, vector<16xi32>
    %min3A_956 = arith.minsi %min3A_947, %select_n3A_955 : vector<16xi32>
    %iota3A_957 = tpu.iota {dimensions = array<i32: 0>} : vector<16xi32>
    %xor3A_958 = arith.constant 8 : i32
    %xor3A_959 = vector.broadcast %xor3A_958 : i32 to vector<16xi32>
    %xor3A_960 = arith.xori %iota3A_957, %xor3A_959 : vector<16xi32>
    %broadcast_in_dim3A_961 = vector.shape_cast %xor3A_960 : vector<16xi32> to vector<16x1xi32>
    %gather3A_962 = vector.shape_cast %broadcast_in_dim3A_961 : vector<16x1xi32> to vector<16xi32>
    %gather3A_963 = tpu.dynamic_gather %min3A_956[%gather3A_962] in [0] : vector<16xi32>, vector<16xi32> -> vector<16xi32>
    %min3A_964 = arith.minsi %min3A_956, %gather3A_963 : vector<16xi32>
    %iota3A_965 = tpu.iota {dimensions = array<i32: 0>} : vector<16xi32>
    %xor3A_966 = arith.constant 4 : i32
    %xor3A_967 = vector.broadcast %xor3A_966 : i32 to vector<16xi32>
    %xor3A_968 = arith.xori %iota3A_965, %xor3A_967 : vector<16xi32>
    %broadcast_in_dim3A_969 = vector.shape_cast %xor3A_968 : vector<16xi32> to vector<16x1xi32>
    %gather3A_970 = vector.shape_cast %broadcast_in_dim3A_969 : vector<16x1xi32> to vector<16xi32>
    %gather3A_971 = tpu.dynamic_gather %min3A_964[%gather3A_970] in [0] : vector<16xi32>, vector<16xi32> -> vector<16xi32>
    %min3A_972 = arith.minsi %min3A_964, %gather3A_971 : vector<16xi32>
    %iota3A_973 = tpu.iota {dimensions = array<i32: 0>} : vector<16xi32>
    %xor3A_974 = arith.constant 2 : i32
    %xor3A_975 = vector.broadcast %xor3A_974 : i32 to vector<16xi32>
    %xor3A_976 = arith.xori %iota3A_973, %xor3A_975 : vector<16xi32>
    %broadcast_in_dim3A_977 = vector.shape_cast %xor3A_976 : vector<16xi32> to vector<16x1xi32>
    %gather3A_978 = vector.shape_cast %broadcast_in_dim3A_977 : vector<16x1xi32> to vector<16xi32>
    %gather3A_979 = tpu.dynamic_gather %min3A_972[%gather3A_978] in [0] : vector<16xi32>, vector<16xi32> -> vector<16xi32>
    %min3A_980 = arith.minsi %min3A_972, %gather3A_979 : vector<16xi32>
    %iota3A_981 = tpu.iota {dimensions = array<i32: 0>} : vector<16xi32>
    %xor3A_982 = arith.constant 1 : i32
    %xor3A_983 = vector.broadcast %xor3A_982 : i32 to vector<16xi32>
    %xor3A_984 = arith.xori %iota3A_981, %xor3A_983 : vector<16xi32>
    %broadcast_in_dim3A_985 = vector.shape_cast %xor3A_984 : vector<16xi32> to vector<16x1xi32>
    %gather3A_986 = vector.shape_cast %broadcast_in_dim3A_985 : vector<16x1xi32> to vector<16xi32>
    %gather3A_987 = tpu.dynamic_gather %min3A_980[%gather3A_986] in [0] : vector<16xi32>, vector<16xi32> -> vector<16xi32>
    %min3A_988 = arith.minsi %min3A_980, %gather3A_987 : vector<16xi32>
    %iota3A_989 = tpu.iota {dimensions = array<i32: 0>} : vector<16xi32>
    %add3A_990 = arith.constant 0 : i32
    %add3A_991 = vector.broadcast %add3A_990 : i32 to vector<16xi32>
    %add3A_992 = arith.addi %iota3A_989, %add3A_991 : vector<16xi32>
    %eq3A_993 = arith.cmpi eq, %add3A_992, %min3A_988 : vector<16xi32>
    %jit3A_994 = arith.constant -3.000000e+38 : f32
    %broadcast_in_dim3A_995 = vector.broadcast %jit3A_994 : f32 to vector<16xf32>
    %select_n3A_996 = arith.select %eq3A_993, %broadcast_in_dim3A_995, %select_n3A_850 : vector<16xi1>, vector<16xf32>
    %jit3A_997 = arith.constant 1.000000e+00 : f32
    %broadcast_in_dim3A_998 = vector.broadcast %jit3A_997 : f32 to vector<16xf32>
    %select_n3A_999 = arith.select %eq3A_993, %broadcast_in_dim3A_998, %select_n3A_853 : vector<16xi1>, vector<16xf32>
    %iota3A_1000 = tpu.iota {dimensions = array<i32: 0>} : vector<16xi32>
    %add3A_1001 = arith.constant 16 : i32
    %add3A_1002 = vector.broadcast %add3A_1001 : i32 to vector<16xi32>
    %add3A_1003 = arith.addi %iota3A_1000, %add3A_1002 : vector<16xi32>
    %eq3A_1004 = arith.cmpi eq, %add3A_1003, %min3A_988 : vector<16xi32>
    %jit3A_1005 = arith.constant -3.000000e+38 : f32
    %broadcast_in_dim3A_1006 = vector.broadcast %jit3A_1005 : f32 to vector<16xf32>
    %select_n3A_1007 = arith.select %eq3A_1004, %broadcast_in_dim3A_1006, %select_n3A_861 : vector<16xi1>, vector<16xf32>
    %jit3A_1008 = arith.constant 1.000000e+00 : f32
    %broadcast_in_dim3A_1009 = vector.broadcast %jit3A_1008 : f32 to vector<16xf32>
    %select_n3A_1010 = arith.select %eq3A_1004, %broadcast_in_dim3A_1009, %select_n3A_864 : vector<16xi1>, vector<16xf32>
    %iota3A_1011 = tpu.iota {dimensions = array<i32: 0>} : vector<16xi32>
    %add3A_1012 = arith.constant 32 : i32
    %add3A_1013 = vector.broadcast %add3A_1012 : i32 to vector<16xi32>
    %add3A_1014 = arith.addi %iota3A_1011, %add3A_1013 : vector<16xi32>
    %eq3A_1015 = arith.cmpi eq, %add3A_1014, %min3A_988 : vector<16xi32>
    %jit3A_1016 = arith.constant -3.000000e+38 : f32
    %broadcast_in_dim3A_1017 = vector.broadcast %jit3A_1016 : f32 to vector<16xf32>
    %select_n3A_1018 = arith.select %eq3A_1015, %broadcast_in_dim3A_1017, %select_n3A_872 : vector<16xi1>, vector<16xf32>
    %jit3A_1019 = arith.constant 1.000000e+00 : f32
    %broadcast_in_dim3A_1020 = vector.broadcast %jit3A_1019 : f32 to vector<16xf32>
    %select_n3A_1021 = arith.select %eq3A_1015, %broadcast_in_dim3A_1020, %select_n3A_875 : vector<16xi1>, vector<16xf32>
    %iota3A_1022 = tpu.iota {dimensions = array<i32: 0>} : vector<16xi32>
    %add3A_1023 = arith.constant 48 : i32
    %add3A_1024 = vector.broadcast %add3A_1023 : i32 to vector<16xi32>
    %add3A_1025 = arith.addi %iota3A_1022, %add3A_1024 : vector<16xi32>
    %eq3A_1026 = arith.cmpi eq, %add3A_1025, %min3A_988 : vector<16xi32>
    %jit3A_1027 = arith.constant -3.000000e+38 : f32
    %broadcast_in_dim3A_1028 = vector.broadcast %jit3A_1027 : f32 to vector<16xf32>
    %select_n3A_1029 = arith.select %eq3A_1026, %broadcast_in_dim3A_1028, %select_n3A_883 : vector<16xi1>, vector<16xf32>
    %jit3A_1030 = arith.constant 1.000000e+00 : f32
    %broadcast_in_dim3A_1031 = vector.broadcast %jit3A_1030 : f32 to vector<16xf32>
    %select_n3A_1032 = arith.select %eq3A_1026, %broadcast_in_dim3A_1031, %select_n3A_886 : vector<16xi1>, vector<16xf32>
    %max3A_1033 = arith.maximumf %select_n3A_996, %select_n3A_1007 : vector<16xf32>
    %max3A_1034 = arith.maximumf %max3A_1033, %select_n3A_1018 : vector<16xf32>
    %max3A_1035 = arith.maximumf %max3A_1034, %select_n3A_1029 : vector<16xf32>
    %iota3A_1036 = tpu.iota {dimensions = array<i32: 0>} : vector<16xi32>
    %xor3A_1037 = arith.constant 8 : i32
    %xor3A_1038 = vector.broadcast %xor3A_1037 : i32 to vector<16xi32>
    %xor3A_1039 = arith.xori %iota3A_1036, %xor3A_1038 : vector<16xi32>
    %broadcast_in_dim3A_1040 = vector.shape_cast %xor3A_1039 : vector<16xi32> to vector<16x1xi32>
    %gather3A_1041 = vector.shape_cast %broadcast_in_dim3A_1040 : vector<16x1xi32> to vector<16xi32>
    %gather3A_1042 = tpu.dynamic_gather %max3A_1035[%gather3A_1041] in [0] : vector<16xf32>, vector<16xi32> -> vector<16xf32>
    %max3A_1043 = arith.maximumf %max3A_1035, %gather3A_1042 : vector<16xf32>
    %iota3A_1044 = tpu.iota {dimensions = array<i32: 0>} : vector<16xi32>
    %xor3A_1045 = arith.constant 4 : i32
    %xor3A_1046 = vector.broadcast %xor3A_1045 : i32 to vector<16xi32>
    %xor3A_1047 = arith.xori %iota3A_1044, %xor3A_1046 : vector<16xi32>
    %broadcast_in_dim3A_1048 = vector.shape_cast %xor3A_1047 : vector<16xi32> to vector<16x1xi32>
    %gather3A_1049 = vector.shape_cast %broadcast_in_dim3A_1048 : vector<16x1xi32> to vector<16xi32>
    %gather3A_1050 = tpu.dynamic_gather %max3A_1043[%gather3A_1049] in [0] : vector<16xf32>, vector<16xi32> -> vector<16xf32>
    %max3A_1051 = arith.maximumf %max3A_1043, %gather3A_1050 : vector<16xf32>
    %iota3A_1052 = tpu.iota {dimensions = array<i32: 0>} : vector<16xi32>
    %xor3A_1053 = arith.constant 2 : i32
    %xor3A_1054 = vector.broadcast %xor3A_1053 : i32 to vector<16xi32>
    %xor3A_1055 = arith.xori %iota3A_1052, %xor3A_1054 : vector<16xi32>
    %broadcast_in_dim3A_1056 = vector.shape_cast %xor3A_1055 : vector<16xi32> to vector<16x1xi32>
    %gather3A_1057 = vector.shape_cast %broadcast_in_dim3A_1056 : vector<16x1xi32> to vector<16xi32>
    %gather3A_1058 = tpu.dynamic_gather %max3A_1051[%gather3A_1057] in [0] : vector<16xf32>, vector<16xi32> -> vector<16xf32>
    %max3A_1059 = arith.maximumf %max3A_1051, %gather3A_1058 : vector<16xf32>
    %iota3A_1060 = tpu.iota {dimensions = array<i32: 0>} : vector<16xi32>
    %xor3A_1061 = arith.constant 1 : i32
    %xor3A_1062 = vector.broadcast %xor3A_1061 : i32 to vector<16xi32>
    %xor3A_1063 = arith.xori %iota3A_1060, %xor3A_1062 : vector<16xi32>
    %broadcast_in_dim3A_1064 = vector.shape_cast %xor3A_1063 : vector<16xi32> to vector<16x1xi32>
    %gather3A_1065 = vector.shape_cast %broadcast_in_dim3A_1064 : vector<16x1xi32> to vector<16xi32>
    %gather3A_1066 = tpu.dynamic_gather %max3A_1059[%gather3A_1065] in [0] : vector<16xf32>, vector<16xi32> -> vector<16xf32>
    %max3A_1067 = arith.maximumf %max3A_1059, %gather3A_1066 : vector<16xf32>
    %iota3A_1068 = tpu.iota {dimensions = array<i32: 0>} : vector<16xi32>
    %add3A_1069 = arith.constant 0 : i32
    %add3A_1070 = vector.broadcast %add3A_1069 : i32 to vector<16xi32>
    %add3A_1071 = arith.addi %iota3A_1068, %add3A_1070 : vector<16xi32>
    %eq3A_1072 = arith.cmpf oeq, %select_n3A_996, %max3A_1067 : vector<16xf32>
    %jit3A_1073 = arith.constant 1073741824 : i32
    %broadcast_in_dim3A_1074 = vector.broadcast %jit3A_1073 : i32 to vector<16xi32>
    %select_n3A_1075 = arith.select %eq3A_1072, %add3A_1071, %broadcast_in_dim3A_1074 : vector<16xi1>, vector<16xi32>
    %iota3A_1076 = tpu.iota {dimensions = array<i32: 0>} : vector<16xi32>
    %add3A_1077 = arith.constant 16 : i32
    %add3A_1078 = vector.broadcast %add3A_1077 : i32 to vector<16xi32>
    %add3A_1079 = arith.addi %iota3A_1076, %add3A_1078 : vector<16xi32>
    %eq3A_1080 = arith.cmpf oeq, %select_n3A_1007, %max3A_1067 : vector<16xf32>
    %jit3A_1081 = arith.constant 1073741824 : i32
    %broadcast_in_dim3A_1082 = vector.broadcast %jit3A_1081 : i32 to vector<16xi32>
    %select_n3A_1083 = arith.select %eq3A_1080, %add3A_1079, %broadcast_in_dim3A_1082 : vector<16xi1>, vector<16xi32>
    %min3A_1084 = arith.minsi %select_n3A_1075, %select_n3A_1083 : vector<16xi32>
    %iota3A_1085 = tpu.iota {dimensions = array<i32: 0>} : vector<16xi32>
    %add3A_1086 = arith.constant 32 : i32
    %add3A_1087 = vector.broadcast %add3A_1086 : i32 to vector<16xi32>
    %add3A_1088 = arith.addi %iota3A_1085, %add3A_1087 : vector<16xi32>
    %eq3A_1089 = arith.cmpf oeq, %select_n3A_1018, %max3A_1067 : vector<16xf32>
    %jit3A_1090 = arith.constant 1073741824 : i32
    %broadcast_in_dim3A_1091 = vector.broadcast %jit3A_1090 : i32 to vector<16xi32>
    %select_n3A_1092 = arith.select %eq3A_1089, %add3A_1088, %broadcast_in_dim3A_1091 : vector<16xi1>, vector<16xi32>
    %min3A_1093 = arith.minsi %min3A_1084, %select_n3A_1092 : vector<16xi32>
    %iota3A_1094 = tpu.iota {dimensions = array<i32: 0>} : vector<16xi32>
    %add3A_1095 = arith.constant 48 : i32
    %add3A_1096 = vector.broadcast %add3A_1095 : i32 to vector<16xi32>
    %add3A_1097 = arith.addi %iota3A_1094, %add3A_1096 : vector<16xi32>
    %eq3A_1098 = arith.cmpf oeq, %select_n3A_1029, %max3A_1067 : vector<16xf32>
    %jit3A_1099 = arith.constant 1073741824 : i32
    %broadcast_in_dim3A_1100 = vector.broadcast %jit3A_1099 : i32 to vector<16xi32>
    %select_n3A_1101 = arith.select %eq3A_1098, %add3A_1097, %broadcast_in_dim3A_1100 : vector<16xi1>, vector<16xi32>
    %min3A_1102 = arith.minsi %min3A_1093, %select_n3A_1101 : vector<16xi32>
    %iota3A_1103 = tpu.iota {dimensions = array<i32: 0>} : vector<16xi32>
    %xor3A_1104 = arith.constant 8 : i32
    %xor3A_1105 = vector.broadcast %xor3A_1104 : i32 to vector<16xi32>
    %xor3A_1106 = arith.xori %iota3A_1103, %xor3A_1105 : vector<16xi32>
    %broadcast_in_dim3A_1107 = vector.shape_cast %xor3A_1106 : vector<16xi32> to vector<16x1xi32>
    %gather3A_1108 = vector.shape_cast %broadcast_in_dim3A_1107 : vector<16x1xi32> to vector<16xi32>
    %gather3A_1109 = tpu.dynamic_gather %min3A_1102[%gather3A_1108] in [0] : vector<16xi32>, vector<16xi32> -> vector<16xi32>
    %min3A_1110 = arith.minsi %min3A_1102, %gather3A_1109 : vector<16xi32>
    %iota3A_1111 = tpu.iota {dimensions = array<i32: 0>} : vector<16xi32>
    %xor3A_1112 = arith.constant 4 : i32
    %xor3A_1113 = vector.broadcast %xor3A_1112 : i32 to vector<16xi32>
    %xor3A_1114 = arith.xori %iota3A_1111, %xor3A_1113 : vector<16xi32>
    %broadcast_in_dim3A_1115 = vector.shape_cast %xor3A_1114 : vector<16xi32> to vector<16x1xi32>
    %gather3A_1116 = vector.shape_cast %broadcast_in_dim3A_1115 : vector<16x1xi32> to vector<16xi32>
    %gather3A_1117 = tpu.dynamic_gather %min3A_1110[%gather3A_1116] in [0] : vector<16xi32>, vector<16xi32> -> vector<16xi32>
    %min3A_1118 = arith.minsi %min3A_1110, %gather3A_1117 : vector<16xi32>
    %iota3A_1119 = tpu.iota {dimensions = array<i32: 0>} : vector<16xi32>
    %xor3A_1120 = arith.constant 2 : i32
    %xor3A_1121 = vector.broadcast %xor3A_1120 : i32 to vector<16xi32>
    %xor3A_1122 = arith.xori %iota3A_1119, %xor3A_1121 : vector<16xi32>
    %broadcast_in_dim3A_1123 = vector.shape_cast %xor3A_1122 : vector<16xi32> to vector<16x1xi32>
    %gather3A_1124 = vector.shape_cast %broadcast_in_dim3A_1123 : vector<16x1xi32> to vector<16xi32>
    %gather3A_1125 = tpu.dynamic_gather %min3A_1118[%gather3A_1124] in [0] : vector<16xi32>, vector<16xi32> -> vector<16xi32>
    %min3A_1126 = arith.minsi %min3A_1118, %gather3A_1125 : vector<16xi32>
    %iota3A_1127 = tpu.iota {dimensions = array<i32: 0>} : vector<16xi32>
    %xor3A_1128 = arith.constant 1 : i32
    %xor3A_1129 = vector.broadcast %xor3A_1128 : i32 to vector<16xi32>
    %xor3A_1130 = arith.xori %iota3A_1127, %xor3A_1129 : vector<16xi32>
    %broadcast_in_dim3A_1131 = vector.shape_cast %xor3A_1130 : vector<16xi32> to vector<16x1xi32>
    %gather3A_1132 = vector.shape_cast %broadcast_in_dim3A_1131 : vector<16x1xi32> to vector<16xi32>
    %gather3A_1133 = tpu.dynamic_gather %min3A_1126[%gather3A_1132] in [0] : vector<16xi32>, vector<16xi32> -> vector<16xi32>
    %min3A_1134 = arith.minsi %min3A_1126, %gather3A_1133 : vector<16xi32>
    %iota3A_1135 = tpu.iota {dimensions = array<i32: 0>} : vector<16xi32>
    %add3A_1136 = arith.constant 0 : i32
    %add3A_1137 = vector.broadcast %add3A_1136 : i32 to vector<16xi32>
    %add3A_1138 = arith.addi %iota3A_1135, %add3A_1137 : vector<16xi32>
    %eq3A_1139 = arith.cmpi eq, %add3A_1138, %min3A_1134 : vector<16xi32>
    %jit3A_1140 = arith.constant -3.000000e+38 : f32
    %broadcast_in_dim3A_1141 = vector.broadcast %jit3A_1140 : f32 to vector<16xf32>
    %select_n3A_1142 = arith.select %eq3A_1139, %broadcast_in_dim3A_1141, %select_n3A_996 : vector<16xi1>, vector<16xf32>
    %jit3A_1143 = arith.constant 1.000000e+00 : f32
    %broadcast_in_dim3A_1144 = vector.broadcast %jit3A_1143 : f32 to vector<16xf32>
    %select_n3A_1145 = arith.select %eq3A_1139, %broadcast_in_dim3A_1144, %select_n3A_999 : vector<16xi1>, vector<16xf32>
    %iota3A_1146 = tpu.iota {dimensions = array<i32: 0>} : vector<16xi32>
    %add3A_1147 = arith.constant 16 : i32
    %add3A_1148 = vector.broadcast %add3A_1147 : i32 to vector<16xi32>
    %add3A_1149 = arith.addi %iota3A_1146, %add3A_1148 : vector<16xi32>
    %eq3A_1150 = arith.cmpi eq, %add3A_1149, %min3A_1134 : vector<16xi32>
    %jit3A_1151 = arith.constant -3.000000e+38 : f32
    %broadcast_in_dim3A_1152 = vector.broadcast %jit3A_1151 : f32 to vector<16xf32>
    %select_n3A_1153 = arith.select %eq3A_1150, %broadcast_in_dim3A_1152, %select_n3A_1007 : vector<16xi1>, vector<16xf32>
    %jit3A_1154 = arith.constant 1.000000e+00 : f32
    %broadcast_in_dim3A_1155 = vector.broadcast %jit3A_1154 : f32 to vector<16xf32>
    %select_n3A_1156 = arith.select %eq3A_1150, %broadcast_in_dim3A_1155, %select_n3A_1010 : vector<16xi1>, vector<16xf32>
    %iota3A_1157 = tpu.iota {dimensions = array<i32: 0>} : vector<16xi32>
    %add3A_1158 = arith.constant 32 : i32
    %add3A_1159 = vector.broadcast %add3A_1158 : i32 to vector<16xi32>
    %add3A_1160 = arith.addi %iota3A_1157, %add3A_1159 : vector<16xi32>
    %eq3A_1161 = arith.cmpi eq, %add3A_1160, %min3A_1134 : vector<16xi32>
    %jit3A_1162 = arith.constant -3.000000e+38 : f32
    %broadcast_in_dim3A_1163 = vector.broadcast %jit3A_1162 : f32 to vector<16xf32>
    %select_n3A_1164 = arith.select %eq3A_1161, %broadcast_in_dim3A_1163, %select_n3A_1018 : vector<16xi1>, vector<16xf32>
    %jit3A_1165 = arith.constant 1.000000e+00 : f32
    %broadcast_in_dim3A_1166 = vector.broadcast %jit3A_1165 : f32 to vector<16xf32>
    %select_n3A_1167 = arith.select %eq3A_1161, %broadcast_in_dim3A_1166, %select_n3A_1021 : vector<16xi1>, vector<16xf32>
    %iota3A_1168 = tpu.iota {dimensions = array<i32: 0>} : vector<16xi32>
    %add3A_1169 = arith.constant 48 : i32
    %add3A_1170 = vector.broadcast %add3A_1169 : i32 to vector<16xi32>
    %add3A_1171 = arith.addi %iota3A_1168, %add3A_1170 : vector<16xi32>
    %eq3A_1172 = arith.cmpi eq, %add3A_1171, %min3A_1134 : vector<16xi32>
    %jit3A_1173 = arith.constant -3.000000e+38 : f32
    %broadcast_in_dim3A_1174 = vector.broadcast %jit3A_1173 : f32 to vector<16xf32>
    %select_n3A_1175 = arith.select %eq3A_1172, %broadcast_in_dim3A_1174, %select_n3A_1029 : vector<16xi1>, vector<16xf32>
    %jit3A_1176 = arith.constant 1.000000e+00 : f32
    %broadcast_in_dim3A_1177 = vector.broadcast %jit3A_1176 : f32 to vector<16xf32>
    %select_n3A_1178 = arith.select %eq3A_1172, %broadcast_in_dim3A_1177, %select_n3A_1032 : vector<16xi1>, vector<16xf32>
    %sub3A = arith.subf %get3A_2, %max3A_49 : vector<16xf32>
    %exp3A = math.exp %sub3A : vector<16xf32>
    %mul3A_1179 = arith.mulf %exp3A, %select_n3A_1145 : vector<16xf32>
    %sub3A_1180 = arith.subf %get3A_5, %max3A_49 : vector<16xf32>
    %exp3A_1181 = math.exp %sub3A_1180 : vector<16xf32>
    %mul3A_1182 = arith.mulf %exp3A_1181, %select_n3A_1156 : vector<16xf32>
    %add3A_1183 = arith.addf %mul3A_1179, %mul3A_1182 : vector<16xf32>
    %sub3A_1184 = arith.subf %get3A_8, %max3A_49 : vector<16xf32>
    %exp3A_1185 = math.exp %sub3A_1184 : vector<16xf32>
    %mul3A_1186 = arith.mulf %exp3A_1185, %select_n3A_1167 : vector<16xf32>
    %add3A_1187 = arith.addf %add3A_1183, %mul3A_1186 : vector<16xf32>
    %sub3A_1188 = arith.subf %get3A_11, %max3A_49 : vector<16xf32>
    %exp3A_1189 = math.exp %sub3A_1188 : vector<16xf32>
    %mul3A_1190 = arith.mulf %exp3A_1189, %select_n3A_1178 : vector<16xf32>
    %add3A_1191 = arith.addf %add3A_1187, %mul3A_1190 : vector<16xf32>
    %iota3A_1192 = tpu.iota {dimensions = array<i32: 0>} : vector<16xi32>
    %xor3A_1193 = arith.constant 8 : i32
    %xor3A_1194 = vector.broadcast %xor3A_1193 : i32 to vector<16xi32>
    %xor3A_1195 = arith.xori %iota3A_1192, %xor3A_1194 : vector<16xi32>
    %broadcast_in_dim3A_1196 = vector.shape_cast %xor3A_1195 : vector<16xi32> to vector<16x1xi32>
    %gather3A_1197 = vector.shape_cast %broadcast_in_dim3A_1196 : vector<16x1xi32> to vector<16xi32>
    %gather3A_1198 = tpu.dynamic_gather %add3A_1191[%gather3A_1197] in [0] : vector<16xf32>, vector<16xi32> -> vector<16xf32>
    %add3A_1199 = arith.addf %add3A_1191, %gather3A_1198 : vector<16xf32>
    %iota3A_1200 = tpu.iota {dimensions = array<i32: 0>} : vector<16xi32>
    %xor3A_1201 = arith.constant 4 : i32
    %xor3A_1202 = vector.broadcast %xor3A_1201 : i32 to vector<16xi32>
    %xor3A_1203 = arith.xori %iota3A_1200, %xor3A_1202 : vector<16xi32>
    %broadcast_in_dim3A_1204 = vector.shape_cast %xor3A_1203 : vector<16xi32> to vector<16x1xi32>
    %gather3A_1205 = vector.shape_cast %broadcast_in_dim3A_1204 : vector<16x1xi32> to vector<16xi32>
    %gather3A_1206 = tpu.dynamic_gather %add3A_1199[%gather3A_1205] in [0] : vector<16xf32>, vector<16xi32> -> vector<16xf32>
    %add3A_1207 = arith.addf %add3A_1199, %gather3A_1206 : vector<16xf32>
    %iota3A_1208 = tpu.iota {dimensions = array<i32: 0>} : vector<16xi32>
    %xor3A_1209 = arith.constant 2 : i32
    %xor3A_1210 = vector.broadcast %xor3A_1209 : i32 to vector<16xi32>
    %xor3A_1211 = arith.xori %iota3A_1208, %xor3A_1210 : vector<16xi32>
    %broadcast_in_dim3A_1212 = vector.shape_cast %xor3A_1211 : vector<16xi32> to vector<16x1xi32>
    %gather3A_1213 = vector.shape_cast %broadcast_in_dim3A_1212 : vector<16x1xi32> to vector<16xi32>
    %gather3A_1214 = tpu.dynamic_gather %add3A_1207[%gather3A_1213] in [0] : vector<16xf32>, vector<16xi32> -> vector<16xf32>
    %add3A_1215 = arith.addf %add3A_1207, %gather3A_1214 : vector<16xf32>
    %iota3A_1216 = tpu.iota {dimensions = array<i32: 0>} : vector<16xi32>
    %xor3A_1217 = arith.constant 1 : i32
    %xor3A_1218 = vector.broadcast %xor3A_1217 : i32 to vector<16xi32>
    %xor3A_1219 = arith.xori %iota3A_1216, %xor3A_1218 : vector<16xi32>
    %broadcast_in_dim3A_1220 = vector.shape_cast %xor3A_1219 : vector<16xi32> to vector<16x1xi32>
    %gather3A_1221 = vector.shape_cast %broadcast_in_dim3A_1220 : vector<16x1xi32> to vector<16xi32>
    %gather3A_1222 = tpu.dynamic_gather %add3A_1215[%gather3A_1221] in [0] : vector<16xf32>, vector<16xi32> -> vector<16xf32>
    %add3A_1223 = arith.addf %add3A_1215, %gather3A_1222 : vector<16xf32>
    %div3A = arith.divf %mul3A_1179, %add3A_1223 : vector<16xf32>
    %swap3A = arith.constant 0 : index
    %swap3A_1224 = tpu.vector_load %arg5[%swap3A] {strides = array<i32>} : memref<64xf32, #tpu.memory_space<vmem>>, vector<16xf32>,
    %swap3A_1225 = vector.shape_cast %swap3A_1224 : vector<16xf32> to vector<16xf32>
    %swap3A_1226 = vector.shape_cast %div3A : vector<16xf32> to vector<16xf32>
    tpu.vector_store %arg5[%swap3A], %swap3A_1226 {strides = array<i32>} : memref<64xf32, #tpu.memory_space<vmem>>, vector<16xf32>,
    %div3A_1227 = arith.divf %mul3A_1182, %add3A_1223 : vector<16xf32>
    %swap3A_1228 = arith.constant 16 : index
    %swap3A_1229 = tpu.vector_load %arg5[%swap3A_1228] {strides = array<i32>} : memref<64xf32, #tpu.memory_space<vmem>>, vector<16xf32>,
    %swap3A_1230 = vector.shape_cast %swap3A_1229 : vector<16xf32> to vector<16xf32>
    %swap3A_1231 = vector.shape_cast %div3A_1227 : vector<16xf32> to vector<16xf32>
    tpu.vector_store %arg5[%swap3A_1228], %swap3A_1231 {strides = array<i32>} : memref<64xf32, #tpu.memory_space<vmem>>, vector<16xf32>,
    %div3A_1232 = arith.divf %mul3A_1186, %add3A_1223 : vector<16xf32>
    %swap3A_1233 = arith.constant 32 : index
    %swap3A_1234 = tpu.vector_load %arg5[%swap3A_1233] {strides = array<i32>} : memref<64xf32, #tpu.memory_space<vmem>>, vector<16xf32>,
    %swap3A_1235 = vector.shape_cast %swap3A_1234 : vector<16xf32> to vector<16xf32>
    %swap3A_1236 = vector.shape_cast %div3A_1232 : vector<16xf32> to vector<16xf32>
    tpu.vector_store %arg5[%swap3A_1233], %swap3A_1236 {strides = array<i32>} : memref<64xf32, #tpu.memory_space<vmem>>, vector<16xf32>,
    %div3A_1237 = arith.divf %mul3A_1190, %add3A_1223 : vector<16xf32>
    %swap3A_1238 = arith.constant 48 : index
    %swap3A_1239 = tpu.vector_load %arg5[%swap3A_1238] {strides = array<i32>} : memref<64xf32, #tpu.memory_space<vmem>>, vector<16xf32>,
    %swap3A_1240 = vector.shape_cast %swap3A_1239 : vector<16xf32> to vector<16xf32>
    %swap3A_1241 = vector.shape_cast %div3A_1237 : vector<16xf32> to vector<16xf32>
    tpu.vector_store %arg5[%swap3A_1238], %swap3A_1241 {strides = array<i32>} : memref<64xf32, #tpu.memory_space<vmem>>, vector<16xf32>,
    "tpu.region"() ({
      %run_scoped3A = tpu.sem_alloc : memref<!tpu.dma_semaphore, #tpu.memory_space<semaphore_mem>>
      %dma_start3A = arith.constant 0 : i32
      %dma_start3A_1242 = tpu.memref_slice %arg3[%add3A, %dma_start3A] : memref<32x64xf32, #tpu.memory_space<hbm>> -> memref<1x64xf32, #tpu.memory_space<hbm>>
      %dma_start3A_1243 = tpu.memref_squeeze %dma_start3A_1242 : memref<1x64xf32, #tpu.memory_space<hbm>> -> memref<64xf32, #tpu.memory_space<hbm>>
      %dma_start3A_1244 = arith.constant 0 : i32
      %dma_start3A_1245 = tpu.memref_slice %arg3[%add3A, %dma_start3A_1244] : memref<32x64xf32, #tpu.memory_space<hbm>> -> memref<1x64xf32, #tpu.memory_space<hbm>>
      %dma_start3A_1246 = tpu.memref_squeeze %dma_start3A_1245 : memref<1x64xf32, #tpu.memory_space<hbm>> -> memref<64xf32, #tpu.memory_space<hbm>>
      tpu.enqueue_dma source(%arg5 : memref<64xf32, #tpu.memory_space<vmem>>) target(%dma_start3A_1246 : memref<64xf32, #tpu.memory_space<hbm>>) target_semaphore(%run_scoped3A : memref<!tpu.dma_semaphore, #tpu.memory_space<semaphore_mem>>)
      %dma_wait3A = arith.constant 0 : i32
      %dma_wait3A_1247 = tpu.memref_slice %arg3[%add3A, %dma_wait3A] : memref<32x64xf32, #tpu.memory_space<hbm>> -> memref<1x64xf32, #tpu.memory_space<hbm>>
      %dma_wait3A_1248 = tpu.memref_squeeze %dma_wait3A_1247 : memref<1x64xf32, #tpu.memory_space<hbm>> -> memref<64xf32, #tpu.memory_space<hbm>>
      %dma_wait3A_1249 = arith.constant 0 : i32
      %dma_wait3A_1250 = tpu.memref_slice %arg3[%add3A, %dma_wait3A_1249] : memref<32x64xf32, #tpu.memory_space<hbm>> -> memref<1x64xf32, #tpu.memory_space<hbm>>
      %dma_wait3A_1251 = tpu.memref_squeeze %dma_wait3A_1250 : memref<1x64xf32, #tpu.memory_space<hbm>> -> memref<64xf32, #tpu.memory_space<hbm>>
      tpu.wait_dma2 semaphore(%run_scoped3A : memref<!tpu.dma_semaphore, #tpu.memory_space<semaphore_mem>>) src(%arg5 : memref<64xf32, #tpu.memory_space<vmem>>) dst(%dma_wait3A_1251 : memref<64xf32, #tpu.memory_space<hbm>>)
      tpu.yield
    }) : () -> ()
    return
  }
}

module attributes {stable_mosaic.version = 14 : i64} {
  func.func @_logits_body(%arg0: memref<32x1024xf32, #tpu.memory_space<vmem>>, %arg1: memref<1024x64xf32, #tpu.memory_space<vmem>>, %arg2: memref<32x64xf32, #tpu.memory_space<vmem>>) attributes {dimension_semantics = [], scalar_prefetch = 0 : i64, scratch_operands = 0 : i64, tpu.core_type = #tpu.core_type<tc>} {
    %get3A = arith.constant 0 : index
    %get3A_0 = arith.constant 0 : index
    %get3A_1 = vector.load %arg0[%get3A, %get3A_0] : memref<32x1024xf32, #tpu.memory_space<vmem>>, vector<32x1024xf32>
    %get3A_2 = arith.constant 0 : index
    %get3A_3 = arith.constant 0 : index
    %get3A_4 = vector.load %arg1[%get3A_2, %get3A_3] : memref<1024x64xf32, #tpu.memory_space<vmem>>, vector<1024x64xf32>
    %dot_general3A = arith.constant dense<0.000000e+00> : vector<32x64xf32>
    %dot_general3A_5 = tpu.matmul %get3A_1, %get3A_4, %dot_general3A {dimension_numbers = #tpu.dot_dimension_numbers<[1], [0], [0], [1], [0, 0, 1, 1], [], []>, transpose_lhs_hint = false} : vector<32x1024xf32>, vector<1024x64xf32>, vector<32x64xf32> -> vector<32x64xf32>
    %swap3A = arith.constant 0 : index
    %swap3A_6 = arith.constant 0 : index
    %swap3A_7 = vector.load %arg2[%swap3A, %swap3A_6] : memref<32x64xf32, #tpu.memory_space<vmem>>, vector<32x64xf32>
    tpu.vector_store %arg2[%swap3A, %swap3A_6], %dot_general3A_5 {strides = array<i32>} : memref<32x64xf32, #tpu.memory_space<vmem>>, vector<32x64xf32>,
    return
  }
}

module attributes {stable_mosaic.version = 14 : i64} {
  func.func @_big_body(%arg0: i32, %arg1: memref<32x1024xf32, #tpu.memory_space<vmem>>, %arg2: memref<32x64xf32, #tpu.memory_space<vmem>>, %arg3: memref<1024x1xf32, #tpu.memory_space<vmem>>, %arg4: memref<1024x2816xf32, #tpu.memory_space<any>>, %arg5: memref<1024x2816xf32, #tpu.memory_space<any>>, %arg6: memref<2816x1024xf32, #tpu.memory_space<any>>, %arg7: memref<1x1024x512xf32, #tpu.memory_space<vmem>>, %arg8: memref<1x1024x512xf32, #tpu.memory_space<vmem>>, %arg9: memref<1x512x1024xf32, #tpu.memory_space<vmem>>, %arg10: memref<32x1024xf32, #tpu.memory_space<vmem>>, %arg11: memref<2x256x2816xf32, #tpu.memory_space<vmem>>, %arg12: memref<2x256x2816xf32, #tpu.memory_space<vmem>>, %arg13: memref<2x256x1024xf32, #tpu.memory_space<vmem>>, %arg14: memref<32x2816xf32, #tpu.memory_space<vmem>>, %arg15: memref<32x2816xf32, #tpu.memory_space<vmem>>, %arg16: memref<32x1024xf32, #tpu.memory_space<vmem>>, %arg17: memref<2x!tpu.dma_semaphore, #tpu.memory_space<semaphore_mem>>, %arg18: memref<2x!tpu.dma_semaphore, #tpu.memory_space<semaphore_mem>>, %arg19: memref<2x!tpu.dma_semaphore, #tpu.memory_space<semaphore_mem>>) attributes {dimension_semantics = [#tpu.dimension_semantics<arbitrary>], iteration_bounds = array<i64: 64>, scalar_prefetch = 0 : i64, scratch_operands = 9 : i64, tpu.core_type = #tpu.core_type<tc>, window_params = [{pipeline_mode = #tpu.pipeline_mode<synchronous>, transform_indices = @transform_0, window_bounds = array<i64: 32, 1024>}, {pipeline_mode = #tpu.pipeline_mode<synchronous>, transform_indices = @transform_1, window_bounds = array<i64: 32, 64>}, {pipeline_mode = #tpu.pipeline_mode<synchronous>, transform_indices = @transform_2, window_bounds = array<i64: 1024, 1>}, {}, {}, {}, {transform_indices = @transform_6, window_bounds = array<i64: 1, 1024, 512>}, {transform_indices = @transform_7, window_bounds = array<i64: 1, 1024, 512>}, {transform_indices = @transform_8, window_bounds = array<i64: 1, 512, 1024>}, {pipeline_mode = #tpu.pipeline_mode<synchronous>, transform_indices = @transform_9, window_bounds = array<i64: 32, 1024>}]} {
    %get3A = arith.constant 0 : index
    %get3A_0 = arith.constant 0 : index
    %get3A_1 = vector.load %arg1[%get3A, %get3A_0] : memref<32x1024xf32, #tpu.memory_space<vmem>>, vector<32x1024xf32>
    %eq3A = arith.constant 0 : i32
    %eq3A_2 = arith.cmpi eq, %arg0, %eq3A : i32
    %convert_element_type3A = arith.extui %eq3A_2 : i1 to i32
    %cond3A = arith.constant 0 : i32
    %cond3A_3 = arith.cmpi ne, %convert_element_type3A, %cond3A : i32
    scf.if %cond3A_3 {
      %broadcast_in_dim3A = arith.constant 0.000000e+00 : f32
      %broadcast_in_dim3A_131 = vector.broadcast %broadcast_in_dim3A : f32 to vector<32x1024xf32>
      %swap3A_132 = arith.constant 0 : index
      %swap3A_133 = arith.constant 0 : index
      %swap3A_134 = vector.load %arg10[%swap3A_132, %swap3A_133] : memref<32x1024xf32, #tpu.memory_space<vmem>>, vector<32x1024xf32>
      tpu.vector_store %arg10[%swap3A_132, %swap3A_133], %broadcast_in_dim3A_131 {strides = array<i32>} : memref<32x1024xf32, #tpu.memory_space<vmem>>, vector<32x1024xf32>,
    } else {
    }
    %eq3A_4 = arith.constant 0 : i32
    %eq3A_5 = arith.cmpi eq, %arg0, %eq3A_4 : i32
    %convert_element_type3A_6 = arith.extui %eq3A_5 : i1 to i32
    %cond3A_7 = arith.constant 0 : i32
    %cond3A_8 = arith.cmpi ne, %convert_element_type3A_6, %cond3A_7 : i32
    scf.if %cond3A_8 {
      %dma_start3A = arith.constant 0 : i32
      %dma_start3A_131 = arith.constant 0 : i32
      %dma_start3A_132 = tpu.memref_slice %arg17[%dma_start3A_131] : memref<2x!tpu.dma_semaphore, #tpu.memory_space<semaphore_mem>> -> memref<1x!tpu.dma_semaphore, #tpu.memory_space<semaphore_mem>>
      %dma_start3A_133 = tpu.memref_squeeze %dma_start3A_132 : memref<1x!tpu.dma_semaphore, #tpu.memory_space<semaphore_mem>> -> memref<!tpu.dma_semaphore, #tpu.memory_space<semaphore_mem>>
      %dma_start3A_134 = arith.constant 0 : i32
      %dma_start3A_135 = arith.constant 0 : i32
      %dma_start3A_136 = tpu.memref_slice %arg11[%dma_start3A, %dma_start3A_134, %dma_start3A_135] : memref<2x256x2816xf32, #tpu.memory_space<vmem>> -> memref<1x256x2816xf32, #tpu.memory_space<vmem>>
      %dma_start3A_137 = tpu.memref_squeeze %dma_start3A_136 : memref<1x256x2816xf32, #tpu.memory_space<vmem>> -> memref<256x2816xf32, #tpu.memory_space<vmem>>
      %dma_start3A_138 = arith.constant 0 : i32
      %dma_start3A_139 = arith.constant 0 : i32
      %dma_start3A_140 = tpu.memref_slice %arg4[%dma_start3A_138, %dma_start3A_139] : memref<1024x2816xf32, #tpu.memory_space<any>> -> memref<256x2816xf32, #tpu.memory_space<any>>
      tpu.enqueue_dma source(%dma_start3A_140 : memref<256x2816xf32, #tpu.memory_space<any>>) target(%dma_start3A_137 : memref<256x2816xf32, #tpu.memory_space<vmem>>) target_semaphore(%dma_start3A_133 : memref<!tpu.dma_semaphore, #tpu.memory_space<semaphore_mem>>)
      %dma_start3A_141 = arith.constant 0 : i32
      %dma_start3A_142 = arith.constant 0 : i32
      %dma_start3A_143 = tpu.memref_slice %arg18[%dma_start3A_142] : memref<2x!tpu.dma_semaphore, #tpu.memory_space<semaphore_mem>> -> memref<1x!tpu.dma_semaphore, #tpu.memory_space<semaphore_mem>>
      %dma_start3A_144 = tpu.memref_squeeze %dma_start3A_143 : memref<1x!tpu.dma_semaphore, #tpu.memory_space<semaphore_mem>> -> memref<!tpu.dma_semaphore, #tpu.memory_space<semaphore_mem>>
      %dma_start3A_145 = arith.constant 0 : i32
      %dma_start3A_146 = arith.constant 0 : i32
      %dma_start3A_147 = tpu.memref_slice %arg12[%dma_start3A_141, %dma_start3A_145, %dma_start3A_146] : memref<2x256x2816xf32, #tpu.memory_space<vmem>> -> memref<1x256x2816xf32, #tpu.memory_space<vmem>>
      %dma_start3A_148 = tpu.memref_squeeze %dma_start3A_147 : memref<1x256x2816xf32, #tpu.memory_space<vmem>> -> memref<256x2816xf32, #tpu.memory_space<vmem>>
      %dma_start3A_149 = arith.constant 0 : i32
      %dma_start3A_150 = arith.constant 0 : i32
      %dma_start3A_151 = tpu.memref_slice %arg5[%dma_start3A_149, %dma_start3A_150] : memref<1024x2816xf32, #tpu.memory_space<any>> -> memref<256x2816xf32, #tpu.memory_space<any>>
      tpu.enqueue_dma source(%dma_start3A_151 : memref<256x2816xf32, #tpu.memory_space<any>>) target(%dma_start3A_148 : memref<256x2816xf32, #tpu.memory_space<vmem>>) target_semaphore(%dma_start3A_144 : memref<!tpu.dma_semaphore, #tpu.memory_space<semaphore_mem>>)
    } else {
    }
    %eq3A_9 = arith.constant 1 : i32
    %eq3A_10 = arith.cmpi eq, %arg0, %eq3A_9 : i32
    %convert_element_type3A_11 = arith.extui %eq3A_10 : i1 to i32
    %cond3A_12 = arith.constant 0 : i32
    %cond3A_13 = arith.cmpi ne, %convert_element_type3A_11, %cond3A_12 : i32
    scf.if %cond3A_13 {
      %dma_start3A = arith.constant 1 : i32
      %dma_start3A_131 = arith.constant 1 : i32
      %dma_start3A_132 = tpu.memref_slice %arg17[%dma_start3A_131] : memref<2x!tpu.dma_semaphore, #tpu.memory_space<semaphore_mem>> -> memref<1x!tpu.dma_semaphore, #tpu.memory_space<semaphore_mem>>
      %dma_start3A_133 = tpu.memref_squeeze %dma_start3A_132 : memref<1x!tpu.dma_semaphore, #tpu.memory_space<semaphore_mem>> -> memref<!tpu.dma_semaphore, #tpu.memory_space<semaphore_mem>>
      %dma_start3A_134 = arith.constant 0 : i32
      %dma_start3A_135 = arith.constant 0 : i32
      %dma_start3A_136 = tpu.memref_slice %arg11[%dma_start3A, %dma_start3A_134, %dma_start3A_135] : memref<2x256x2816xf32, #tpu.memory_space<vmem>> -> memref<1x256x2816xf32, #tpu.memory_space<vmem>>
      %dma_start3A_137 = tpu.memref_squeeze %dma_start3A_136 : memref<1x256x2816xf32, #tpu.memory_space<vmem>> -> memref<256x2816xf32, #tpu.memory_space<vmem>>
      %dma_start3A_138 = arith.constant 256 : i32
      %dma_start3A_139 = arith.constant 0 : i32
      %dma_start3A_140 = tpu.memref_slice %arg4[%dma_start3A_138, %dma_start3A_139] : memref<1024x2816xf32, #tpu.memory_space<any>> -> memref<256x2816xf32, #tpu.memory_space<any>>
      tpu.enqueue_dma source(%dma_start3A_140 : memref<256x2816xf32, #tpu.memory_space<any>>) target(%dma_start3A_137 : memref<256x2816xf32, #tpu.memory_space<vmem>>) target_semaphore(%dma_start3A_133 : memref<!tpu.dma_semaphore, #tpu.memory_space<semaphore_mem>>)
      %dma_start3A_141 = arith.constant 1 : i32
      %dma_start3A_142 = arith.constant 1 : i32
      %dma_start3A_143 = tpu.memref_slice %arg18[%dma_start3A_142] : memref<2x!tpu.dma_semaphore, #tpu.memory_space<semaphore_mem>> -> memref<1x!tpu.dma_semaphore, #tpu.memory_space<semaphore_mem>>
      %dma_start3A_144 = tpu.memref_squeeze %dma_start3A_143 : memref<1x!tpu.dma_semaphore, #tpu.memory_space<semaphore_mem>> -> memref<!tpu.dma_semaphore, #tpu.memory_space<semaphore_mem>>
      %dma_start3A_145 = arith.constant 0 : i32
      %dma_start3A_146 = arith.constant 0 : i32
      %dma_start3A_147 = tpu.memref_slice %arg12[%dma_start3A_141, %dma_start3A_145, %dma_start3A_146] : memref<2x256x2816xf32, #tpu.memory_space<vmem>> -> memref<1x256x2816xf32, #tpu.memory_space<vmem>>
      %dma_start3A_148 = tpu.memref_squeeze %dma_start3A_147 : memref<1x256x2816xf32, #tpu.memory_space<vmem>> -> memref<256x2816xf32, #tpu.memory_space<vmem>>
      %dma_start3A_149 = arith.constant 256 : i32
      %dma_start3A_150 = arith.constant 0 : i32
      %dma_start3A_151 = tpu.memref_slice %arg5[%dma_start3A_149, %dma_start3A_150] : memref<1024x2816xf32, #tpu.memory_space<any>> -> memref<256x2816xf32, #tpu.memory_space<any>>
      tpu.enqueue_dma source(%dma_start3A_151 : memref<256x2816xf32, #tpu.memory_space<any>>) target(%dma_start3A_148 : memref<256x2816xf32, #tpu.memory_space<vmem>>) target_semaphore(%dma_start3A_144 : memref<!tpu.dma_semaphore, #tpu.memory_space<semaphore_mem>>)
      %dma_wait3A = arith.constant 0 : i32
      %dma_wait3A_152 = arith.constant 0 : i32
      %dma_wait3A_153 = tpu.memref_slice %arg17[%dma_wait3A_152] : memref<2x!tpu.dma_semaphore, #tpu.memory_space<semaphore_mem>> -> memref<1x!tpu.dma_semaphore, #tpu.memory_space<semaphore_mem>>
      %dma_wait3A_154 = tpu.memref_squeeze %dma_wait3A_153 : memref<1x!tpu.dma_semaphore, #tpu.memory_space<semaphore_mem>> -> memref<!tpu.dma_semaphore, #tpu.memory_space<semaphore_mem>>
      %dma_wait3A_155 = arith.constant 0 : i32
      %dma_wait3A_156 = arith.constant 0 : i32
      %dma_wait3A_157 = tpu.memref_slice %arg11[%dma_wait3A, %dma_wait3A_155, %dma_wait3A_156] : memref<2x256x2816xf32, #tpu.memory_space<vmem>> -> memref<1x256x2816xf32, #tpu.memory_space<vmem>>
      %dma_wait3A_158 = tpu.memref_squeeze %dma_wait3A_157 : memref<1x256x2816xf32, #tpu.memory_space<vmem>> -> memref<256x2816xf32, #tpu.memory_space<vmem>>
      %dma_wait3A_159 = arith.constant 0 : i32
      %dma_wait3A_160 = arith.constant 0 : i32
      %dma_wait3A_161 = tpu.memref_slice %arg4[%dma_wait3A_159, %dma_wait3A_160] : memref<1024x2816xf32, #tpu.memory_space<any>> -> memref<256x2816xf32, #tpu.memory_space<any>>
      tpu.wait_dma2 semaphore(%dma_wait3A_154 : memref<!tpu.dma_semaphore, #tpu.memory_space<semaphore_mem>>) src(%dma_wait3A_161 : memref<256x2816xf32, #tpu.memory_space<any>>) dst(%dma_wait3A_158 : memref<256x2816xf32, #tpu.memory_space<vmem>>)
      %dma_wait3A_162 = arith.constant 0 : i32
      %dma_wait3A_163 = arith.constant 0 : i32
      %dma_wait3A_164 = tpu.memref_slice %arg18[%dma_wait3A_163] : memref<2x!tpu.dma_semaphore, #tpu.memory_space<semaphore_mem>> -> memref<1x!tpu.dma_semaphore, #tpu.memory_space<semaphore_mem>>
      %dma_wait3A_165 = tpu.memref_squeeze %dma_wait3A_164 : memref<1x!tpu.dma_semaphore, #tpu.memory_space<semaphore_mem>> -> memref<!tpu.dma_semaphore, #tpu.memory_space<semaphore_mem>>
      %dma_wait3A_166 = arith.constant 0 : i32
      %dma_wait3A_167 = arith.constant 0 : i32
      %dma_wait3A_168 = tpu.memref_slice %arg12[%dma_wait3A_162, %dma_wait3A_166, %dma_wait3A_167] : memref<2x256x2816xf32, #tpu.memory_space<vmem>> -> memref<1x256x2816xf32, #tpu.memory_space<vmem>>
      %dma_wait3A_169 = tpu.memref_squeeze %dma_wait3A_168 : memref<1x256x2816xf32, #tpu.memory_space<vmem>> -> memref<256x2816xf32, #tpu.memory_space<vmem>>
      %dma_wait3A_170 = arith.constant 0 : i32
      %dma_wait3A_171 = arith.constant 0 : i32
      %dma_wait3A_172 = tpu.memref_slice %arg5[%dma_wait3A_170, %dma_wait3A_171] : memref<1024x2816xf32, #tpu.memory_space<any>> -> memref<256x2816xf32, #tpu.memory_space<any>>
      tpu.wait_dma2 semaphore(%dma_wait3A_165 : memref<!tpu.dma_semaphore, #tpu.memory_space<semaphore_mem>>) src(%dma_wait3A_172 : memref<256x2816xf32, #tpu.memory_space<any>>) dst(%dma_wait3A_169 : memref<256x2816xf32, #tpu.memory_space<vmem>>)
      %slice3A = vector.extract_strided_slice %get3A_1 {offsets = [0, 0], sizes = [32, 256], strides = [1, 1]} : vector<32x1024xf32> to vector<32x256xf32>
      %get3A_173 = arith.constant 0 : index
      %get3A_174 = arith.constant 0 : index
      %get3A_175 = arith.constant 0 : index
      %get3A_176 = vector.load %arg11[%get3A_173, %get3A_174, %get3A_175] : memref<2x256x2816xf32, #tpu.memory_space<vmem>>, vector<1x256x2816xf32>
      %get3A_177 = vector.shape_cast %get3A_176 : vector<1x256x2816xf32> to vector<256x2816xf32>
      %dot_general3A_178 = arith.constant dense<0.000000e+00> : vector<32x2816xf32>
      %dot_general3A_179 = tpu.matmul %slice3A, %get3A_177, %dot_general3A_178 {dimension_numbers = #tpu.dot_dimension_numbers<[1], [0], [0], [1], [0, 0, 1, 1], [], []>, transpose_lhs_hint = false} : vector<32x256xf32>, vector<256x2816xf32>, vector<32x2816xf32> -> vector<32x2816xf32>
      %get3A_180 = arith.constant 0 : index
      %get3A_181 = arith.constant 0 : index
      %get3A_182 = arith.constant 0 : index
      %get3A_183 = vector.load %arg12[%get3A_180, %get3A_181, %get3A_182] : memref<2x256x2816xf32, #tpu.memory_space<vmem>>, vector<1x256x2816xf32>
      %get3A_184 = vector.shape_cast %get3A_183 : vector<1x256x2816xf32> to vector<256x2816xf32>
      %dot_general3A_185 = arith.constant dense<0.000000e+00> : vector<32x2816xf32>
      %dot_general3A_186 = tpu.matmul %slice3A, %get3A_184, %dot_general3A_185 {dimension_numbers = #tpu.dot_dimension_numbers<[1], [0], [0], [1], [0, 0, 1, 1], [], []>, transpose_lhs_hint = false} : vector<32x256xf32>, vector<256x2816xf32>, vector<32x2816xf32> -> vector<32x2816xf32>
      %swap3A_187 = arith.constant 0 : index
      %swap3A_188 = arith.constant 0 : index
      %swap3A_189 = vector.load %arg14[%swap3A_187, %swap3A_188] : memref<32x2816xf32, #tpu.memory_space<vmem>>, vector<32x2816xf32>
      tpu.vector_store %arg14[%swap3A_187, %swap3A_188], %dot_general3A_179 {strides = array<i32>} : memref<32x2816xf32, #tpu.memory_space<vmem>>, vector<32x2816xf32>,
      %swap3A_190 = arith.constant 0 : index
      %swap3A_191 = arith.constant 0 : index
      %swap3A_192 = vector.load %arg15[%swap3A_190, %swap3A_191] : memref<32x2816xf32, #tpu.memory_space<vmem>>, vector<32x2816xf32>
      tpu.vector_store %arg15[%swap3A_190, %swap3A_191], %dot_general3A_186 {strides = array<i32>} : memref<32x2816xf32, #tpu.memory_space<vmem>>, vector<32x2816xf32>,
    } else {
    }
    %eq3A_14 = arith.constant 2 : i32
    %eq3A_15 = arith.cmpi eq, %arg0, %eq3A_14 : i32
    %convert_element_type3A_16 = arith.extui %eq3A_15 : i1 to i32
    %cond3A_17 = arith.constant 0 : i32
    %cond3A_18 = arith.cmpi ne, %convert_element_type3A_16, %cond3A_17 : i32
    scf.if %cond3A_18 {
      %dma_start3A = arith.constant 0 : i32
      %dma_start3A_131 = arith.constant 0 : i32
      %dma_start3A_132 = tpu.memref_slice %arg17[%dma_start3A_131] : memref<2x!tpu.dma_semaphore, #tpu.memory_space<semaphore_mem>> -> memref<1x!tpu.dma_semaphore, #tpu.memory_space<semaphore_mem>>
      %dma_start3A_133 = tpu.memref_squeeze %dma_start3A_132 : memref<1x!tpu.dma_semaphore, #tpu.memory_space<semaphore_mem>> -> memref<!tpu.dma_semaphore, #tpu.memory_space<semaphore_mem>>
      %dma_start3A_134 = arith.constant 0 : i32
      %dma_start3A_135 = arith.constant 0 : i32
      %dma_start3A_136 = tpu.memref_slice %arg11[%dma_start3A, %dma_start3A_134, %dma_start3A_135] : memref<2x256x2816xf32, #tpu.memory_space<vmem>> -> memref<1x256x2816xf32, #tpu.memory_space<vmem>>
      %dma_start3A_137 = tpu.memref_squeeze %dma_start3A_136 : memref<1x256x2816xf32, #tpu.memory_space<vmem>> -> memref<256x2816xf32, #tpu.memory_space<vmem>>
      %dma_start3A_138 = arith.constant 512 : i32
      %dma_start3A_139 = arith.constant 0 : i32
      %dma_start3A_140 = tpu.memref_slice %arg4[%dma_start3A_138, %dma_start3A_139] : memref<1024x2816xf32, #tpu.memory_space<any>> -> memref<256x2816xf32, #tpu.memory_space<any>>
      tpu.enqueue_dma source(%dma_start3A_140 : memref<256x2816xf32, #tpu.memory_space<any>>) target(%dma_start3A_137 : memref<256x2816xf32, #tpu.memory_space<vmem>>) target_semaphore(%dma_start3A_133 : memref<!tpu.dma_semaphore, #tpu.memory_space<semaphore_mem>>)
      %dma_start3A_141 = arith.constant 0 : i32
      %dma_start3A_142 = arith.constant 0 : i32
      %dma_start3A_143 = tpu.memref_slice %arg18[%dma_start3A_142] : memref<2x!tpu.dma_semaphore, #tpu.memory_space<semaphore_mem>> -> memref<1x!tpu.dma_semaphore, #tpu.memory_space<semaphore_mem>>
      %dma_start3A_144 = tpu.memref_squeeze %dma_start3A_143 : memref<1x!tpu.dma_semaphore, #tpu.memory_space<semaphore_mem>> -> memref<!tpu.dma_semaphore, #tpu.memory_space<semaphore_mem>>
      %dma_start3A_145 = arith.constant 0 : i32
      %dma_start3A_146 = arith.constant 0 : i32
      %dma_start3A_147 = tpu.memref_slice %arg12[%dma_start3A_141, %dma_start3A_145, %dma_start3A_146] : memref<2x256x2816xf32, #tpu.memory_space<vmem>> -> memref<1x256x2816xf32, #tpu.memory_space<vmem>>
      %dma_start3A_148 = tpu.memref_squeeze %dma_start3A_147 : memref<1x256x2816xf32, #tpu.memory_space<vmem>> -> memref<256x2816xf32, #tpu.memory_space<vmem>>
      %dma_start3A_149 = arith.constant 512 : i32
      %dma_start3A_150 = arith.constant 0 : i32
      %dma_start3A_151 = tpu.memref_slice %arg5[%dma_start3A_149, %dma_start3A_150] : memref<1024x2816xf32, #tpu.memory_space<any>> -> memref<256x2816xf32, #tpu.memory_space<any>>
      tpu.enqueue_dma source(%dma_start3A_151 : memref<256x2816xf32, #tpu.memory_space<any>>) target(%dma_start3A_148 : memref<256x2816xf32, #tpu.memory_space<vmem>>) target_semaphore(%dma_start3A_144 : memref<!tpu.dma_semaphore, #tpu.memory_space<semaphore_mem>>)
      %dma_wait3A = arith.constant 1 : i32
      %dma_wait3A_152 = arith.constant 1 : i32
      %dma_wait3A_153 = tpu.memref_slice %arg17[%dma_wait3A_152] : memref<2x!tpu.dma_semaphore, #tpu.memory_space<semaphore_mem>> -> memref<1x!tpu.dma_semaphore, #tpu.memory_space<semaphore_mem>>
      %dma_wait3A_154 = tpu.memref_squeeze %dma_wait3A_153 : memref<1x!tpu.dma_semaphore, #tpu.memory_space<semaphore_mem>> -> memref<!tpu.dma_semaphore, #tpu.memory_space<semaphore_mem>>
      %dma_wait3A_155 = arith.constant 0 : i32
      %dma_wait3A_156 = arith.constant 0 : i32
      %dma_wait3A_157 = tpu.memref_slice %arg11[%dma_wait3A, %dma_wait3A_155, %dma_wait3A_156] : memref<2x256x2816xf32, #tpu.memory_space<vmem>> -> memref<1x256x2816xf32, #tpu.memory_space<vmem>>
      %dma_wait3A_158 = tpu.memref_squeeze %dma_wait3A_157 : memref<1x256x2816xf32, #tpu.memory_space<vmem>> -> memref<256x2816xf32, #tpu.memory_space<vmem>>
      %dma_wait3A_159 = arith.constant 256 : i32
      %dma_wait3A_160 = arith.constant 0 : i32
      %dma_wait3A_161 = tpu.memref_slice %arg4[%dma_wait3A_159, %dma_wait3A_160] : memref<1024x2816xf32, #tpu.memory_space<any>> -> memref<256x2816xf32, #tpu.memory_space<any>>
      tpu.wait_dma2 semaphore(%dma_wait3A_154 : memref<!tpu.dma_semaphore, #tpu.memory_space<semaphore_mem>>) src(%dma_wait3A_161 : memref<256x2816xf32, #tpu.memory_space<any>>) dst(%dma_wait3A_158 : memref<256x2816xf32, #tpu.memory_space<vmem>>)
      %dma_wait3A_162 = arith.constant 1 : i32
      %dma_wait3A_163 = arith.constant 1 : i32
      %dma_wait3A_164 = tpu.memref_slice %arg18[%dma_wait3A_163] : memref<2x!tpu.dma_semaphore, #tpu.memory_space<semaphore_mem>> -> memref<1x!tpu.dma_semaphore, #tpu.memory_space<semaphore_mem>>
      %dma_wait3A_165 = tpu.memref_squeeze %dma_wait3A_164 : memref<1x!tpu.dma_semaphore, #tpu.memory_space<semaphore_mem>> -> memref<!tpu.dma_semaphore, #tpu.memory_space<semaphore_mem>>
      %dma_wait3A_166 = arith.constant 0 : i32
      %dma_wait3A_167 = arith.constant 0 : i32
      %dma_wait3A_168 = tpu.memref_slice %arg12[%dma_wait3A_162, %dma_wait3A_166, %dma_wait3A_167] : memref<2x256x2816xf32, #tpu.memory_space<vmem>> -> memref<1x256x2816xf32, #tpu.memory_space<vmem>>
      %dma_wait3A_169 = tpu.memref_squeeze %dma_wait3A_168 : memref<1x256x2816xf32, #tpu.memory_space<vmem>> -> memref<256x2816xf32, #tpu.memory_space<vmem>>
      %dma_wait3A_170 = arith.constant 256 : i32
      %dma_wait3A_171 = arith.constant 0 : i32
      %dma_wait3A_172 = tpu.memref_slice %arg5[%dma_wait3A_170, %dma_wait3A_171] : memref<1024x2816xf32, #tpu.memory_space<any>> -> memref<256x2816xf32, #tpu.memory_space<any>>
      tpu.wait_dma2 semaphore(%dma_wait3A_165 : memref<!tpu.dma_semaphore, #tpu.memory_space<semaphore_mem>>) src(%dma_wait3A_172 : memref<256x2816xf32, #tpu.memory_space<any>>) dst(%dma_wait3A_169 : memref<256x2816xf32, #tpu.memory_space<vmem>>)
      %slice3A = vector.extract_strided_slice %get3A_1 {offsets = [0, 256], sizes = [32, 256], strides = [1, 1]} : vector<32x1024xf32> to vector<32x256xf32>
      %get3A_173 = arith.constant 1 : index
      %get3A_174 = arith.constant 0 : index
      %get3A_175 = arith.constant 0 : index
      %get3A_176 = vector.load %arg11[%get3A_173, %get3A_174, %get3A_175] : memref<2x256x2816xf32, #tpu.memory_space<vmem>>, vector<1x256x2816xf32>
      %get3A_177 = vector.shape_cast %get3A_176 : vector<1x256x2816xf32> to vector<256x2816xf32>
      %dot_general3A_178 = arith.constant dense<0.000000e+00> : vector<32x2816xf32>
      %dot_general3A_179 = tpu.matmul %slice3A, %get3A_177, %dot_general3A_178 {dimension_numbers = #tpu.dot_dimension_numbers<[1], [0], [0], [1], [0, 0, 1, 1], [], []>, transpose_lhs_hint = false} : vector<32x256xf32>, vector<256x2816xf32>, vector<32x2816xf32> -> vector<32x2816xf32>
      %get3A_180 = arith.constant 1 : index
      %get3A_181 = arith.constant 0 : index
      %get3A_182 = arith.constant 0 : index
      %get3A_183 = vector.load %arg12[%get3A_180, %get3A_181, %get3A_182] : memref<2x256x2816xf32, #tpu.memory_space<vmem>>, vector<1x256x2816xf32>
      %get3A_184 = vector.shape_cast %get3A_183 : vector<1x256x2816xf32> to vector<256x2816xf32>
      %dot_general3A_185 = arith.constant dense<0.000000e+00> : vector<32x2816xf32>
      %dot_general3A_186 = tpu.matmul %slice3A, %get3A_184, %dot_general3A_185 {dimension_numbers = #tpu.dot_dimension_numbers<[1], [0], [0], [1], [0, 0, 1, 1], [], []>, transpose_lhs_hint = false} : vector<32x256xf32>, vector<256x2816xf32>, vector<32x2816xf32> -> vector<32x2816xf32>
      %get3A_187 = arith.constant 0 : index
      %get3A_188 = arith.constant 0 : index
      %get3A_189 = vector.load %arg14[%get3A_187, %get3A_188] : memref<32x2816xf32, #tpu.memory_space<vmem>>, vector<32x2816xf32>
      %add3A_190 = arith.addf %get3A_189, %dot_general3A_179 : vector<32x2816xf32>
      %swap3A_191 = arith.constant 0 : index
      %swap3A_192 = arith.constant 0 : index
      %swap3A_193 = vector.load %arg14[%swap3A_191, %swap3A_192] : memref<32x2816xf32, #tpu.memory_space<vmem>>, vector<32x2816xf32>
      tpu.vector_store %arg14[%swap3A_191, %swap3A_192], %add3A_190 {strides = array<i32>} : memref<32x2816xf32, #tpu.memory_space<vmem>>, vector<32x2816xf32>,
      %get3A_194 = arith.constant 0 : index
      %get3A_195 = arith.constant 0 : index
      %get3A_196 = vector.load %arg15[%get3A_194, %get3A_195] : memref<32x2816xf32, #tpu.memory_space<vmem>>, vector<32x2816xf32>
      %add3A_197 = arith.addf %get3A_196, %dot_general3A_186 : vector<32x2816xf32>
      %swap3A_198 = arith.constant 0 : index
      %swap3A_199 = arith.constant 0 : index
      %swap3A_200 = vector.load %arg15[%swap3A_198, %swap3A_199] : memref<32x2816xf32, #tpu.memory_space<vmem>>, vector<32x2816xf32>
      tpu.vector_store %arg15[%swap3A_198, %swap3A_199], %add3A_197 {strides = array<i32>} : memref<32x2816xf32, #tpu.memory_space<vmem>>, vector<32x2816xf32>,
    } else {
    }
    %eq3A_19 = arith.constant 3 : i32
    %eq3A_20 = arith.cmpi eq, %arg0, %eq3A_19 : i32
    %convert_element_type3A_21 = arith.extui %eq3A_20 : i1 to i32
    %cond3A_22 = arith.constant 0 : i32
    %cond3A_23 = arith.cmpi ne, %convert_element_type3A_21, %cond3A_22 : i32
    scf.if %cond3A_23 {
      %dma_start3A = arith.constant 1 : i32
      %dma_start3A_131 = arith.constant 1 : i32
      %dma_start3A_132 = tpu.memref_slice %arg17[%dma_start3A_131] : memref<2x!tpu.dma_semaphore, #tpu.memory_space<semaphore_mem>> -> memref<1x!tpu.dma_semaphore, #tpu.memory_space<semaphore_mem>>
      %dma_start3A_133 = tpu.memref_squeeze %dma_start3A_132 : memref<1x!tpu.dma_semaphore, #tpu.memory_space<semaphore_mem>> -> memref<!tpu.dma_semaphore, #tpu.memory_space<semaphore_mem>>
      %dma_start3A_134 = arith.constant 0 : i32
      %dma_start3A_135 = arith.constant 0 : i32
      %dma_start3A_136 = tpu.memref_slice %arg11[%dma_start3A, %dma_start3A_134, %dma_start3A_135] : memref<2x256x2816xf32, #tpu.memory_space<vmem>> -> memref<1x256x2816xf32, #tpu.memory_space<vmem>>
      %dma_start3A_137 = tpu.memref_squeeze %dma_start3A_136 : memref<1x256x2816xf32, #tpu.memory_space<vmem>> -> memref<256x2816xf32, #tpu.memory_space<vmem>>
      %dma_start3A_138 = arith.constant 768 : i32
      %dma_start3A_139 = arith.constant 0 : i32
      %dma_start3A_140 = tpu.memref_slice %arg4[%dma_start3A_138, %dma_start3A_139] : memref<1024x2816xf32, #tpu.memory_space<any>> -> memref<256x2816xf32, #tpu.memory_space<any>>
      tpu.enqueue_dma source(%dma_start3A_140 : memref<256x2816xf32, #tpu.memory_space<any>>) target(%dma_start3A_137 : memref<256x2816xf32, #tpu.memory_space<vmem>>) target_semaphore(%dma_start3A_133 : memref<!tpu.dma_semaphore, #tpu.memory_space<semaphore_mem>>)
      %dma_start3A_141 = arith.constant 1 : i32
      %dma_start3A_142 = arith.constant 1 : i32
      %dma_start3A_143 = tpu.memref_slice %arg18[%dma_start3A_142] : memref<2x!tpu.dma_semaphore, #tpu.memory_space<semaphore_mem>> -> memref<1x!tpu.dma_semaphore, #tpu.memory_space<semaphore_mem>>
      %dma_start3A_144 = tpu.memref_squeeze %dma_start3A_143 : memref<1x!tpu.dma_semaphore, #tpu.memory_space<semaphore_mem>> -> memref<!tpu.dma_semaphore, #tpu.memory_space<semaphore_mem>>
      %dma_start3A_145 = arith.constant 0 : i32
      %dma_start3A_146 = arith.constant 0 : i32
      %dma_start3A_147 = tpu.memref_slice %arg12[%dma_start3A_141, %dma_start3A_145, %dma_start3A_146] : memref<2x256x2816xf32, #tpu.memory_space<vmem>> -> memref<1x256x2816xf32, #tpu.memory_space<vmem>>
      %dma_start3A_148 = tpu.memref_squeeze %dma_start3A_147 : memref<1x256x2816xf32, #tpu.memory_space<vmem>> -> memref<256x2816xf32, #tpu.memory_space<vmem>>
      %dma_start3A_149 = arith.constant 768 : i32
      %dma_start3A_150 = arith.constant 0 : i32
      %dma_start3A_151 = tpu.memref_slice %arg5[%dma_start3A_149, %dma_start3A_150] : memref<1024x2816xf32, #tpu.memory_space<any>> -> memref<256x2816xf32, #tpu.memory_space<any>>
      tpu.enqueue_dma source(%dma_start3A_151 : memref<256x2816xf32, #tpu.memory_space<any>>) target(%dma_start3A_148 : memref<256x2816xf32, #tpu.memory_space<vmem>>) target_semaphore(%dma_start3A_144 : memref<!tpu.dma_semaphore, #tpu.memory_space<semaphore_mem>>)
      %dma_wait3A = arith.constant 0 : i32
      %dma_wait3A_152 = arith.constant 0 : i32
      %dma_wait3A_153 = tpu.memref_slice %arg17[%dma_wait3A_152] : memref<2x!tpu.dma_semaphore, #tpu.memory_space<semaphore_mem>> -> memref<1x!tpu.dma_semaphore, #tpu.memory_space<semaphore_mem>>
      %dma_wait3A_154 = tpu.memref_squeeze %dma_wait3A_153 : memref<1x!tpu.dma_semaphore, #tpu.memory_space<semaphore_mem>> -> memref<!tpu.dma_semaphore, #tpu.memory_space<semaphore_mem>>
      %dma_wait3A_155 = arith.constant 0 : i32
      %dma_wait3A_156 = arith.constant 0 : i32
      %dma_wait3A_157 = tpu.memref_slice %arg11[%dma_wait3A, %dma_wait3A_155, %dma_wait3A_156] : memref<2x256x2816xf32, #tpu.memory_space<vmem>> -> memref<1x256x2816xf32, #tpu.memory_space<vmem>>
      %dma_wait3A_158 = tpu.memref_squeeze %dma_wait3A_157 : memref<1x256x2816xf32, #tpu.memory_space<vmem>> -> memref<256x2816xf32, #tpu.memory_space<vmem>>
      %dma_wait3A_159 = arith.constant 512 : i32
      %dma_wait3A_160 = arith.constant 0 : i32
      %dma_wait3A_161 = tpu.memref_slice %arg4[%dma_wait3A_159, %dma_wait3A_160] : memref<1024x2816xf32, #tpu.memory_space<any>> -> memref<256x2816xf32, #tpu.memory_space<any>>
      tpu.wait_dma2 semaphore(%dma_wait3A_154 : memref<!tpu.dma_semaphore, #tpu.memory_space<semaphore_mem>>) src(%dma_wait3A_161 : memref<256x2816xf32, #tpu.memory_space<any>>) dst(%dma_wait3A_158 : memref<256x2816xf32, #tpu.memory_space<vmem>>)
      %dma_wait3A_162 = arith.constant 0 : i32
      %dma_wait3A_163 = arith.constant 0 : i32
      %dma_wait3A_164 = tpu.memref_slice %arg18[%dma_wait3A_163] : memref<2x!tpu.dma_semaphore, #tpu.memory_space<semaphore_mem>> -> memref<1x!tpu.dma_semaphore, #tpu.memory_space<semaphore_mem>>
      %dma_wait3A_165 = tpu.memref_squeeze %dma_wait3A_164 : memref<1x!tpu.dma_semaphore, #tpu.memory_space<semaphore_mem>> -> memref<!tpu.dma_semaphore, #tpu.memory_space<semaphore_mem>>
      %dma_wait3A_166 = arith.constant 0 : i32
      %dma_wait3A_167 = arith.constant 0 : i32
      %dma_wait3A_168 = tpu.memref_slice %arg12[%dma_wait3A_162, %dma_wait3A_166, %dma_wait3A_167] : memref<2x256x2816xf32, #tpu.memory_space<vmem>> -> memref<1x256x2816xf32, #tpu.memory_space<vmem>>
      %dma_wait3A_169 = tpu.memref_squeeze %dma_wait3A_168 : memref<1x256x2816xf32, #tpu.memory_space<vmem>> -> memref<256x2816xf32, #tpu.memory_space<vmem>>
      %dma_wait3A_170 = arith.constant 512 : i32
      %dma_wait3A_171 = arith.constant 0 : i32
      %dma_wait3A_172 = tpu.memref_slice %arg5[%dma_wait3A_170, %dma_wait3A_171] : memref<1024x2816xf32, #tpu.memory_space<any>> -> memref<256x2816xf32, #tpu.memory_space<any>>
      tpu.wait_dma2 semaphore(%dma_wait3A_165 : memref<!tpu.dma_semaphore, #tpu.memory_space<semaphore_mem>>) src(%dma_wait3A_172 : memref<256x2816xf32, #tpu.memory_space<any>>) dst(%dma_wait3A_169 : memref<256x2816xf32, #tpu.memory_space<vmem>>)
      %slice3A = vector.extract_strided_slice %get3A_1 {offsets = [0, 512], sizes = [32, 256], strides = [1, 1]} : vector<32x1024xf32> to vector<32x256xf32>
      %get3A_173 = arith.constant 0 : index
      %get3A_174 = arith.constant 0 : index
      %get3A_175 = arith.constant 0 : index
      %get3A_176 = vector.load %arg11[%get3A_173, %get3A_174, %get3A_175] : memref<2x256x2816xf32, #tpu.memory_space<vmem>>, vector<1x256x2816xf32>
      %get3A_177 = vector.shape_cast %get3A_176 : vector<1x256x2816xf32> to vector<256x2816xf32>
      %dot_general3A_178 = arith.constant dense<0.000000e+00> : vector<32x2816xf32>
      %dot_general3A_179 = tpu.matmul %slice3A, %get3A_177, %dot_general3A_178 {dimension_numbers = #tpu.dot_dimension_numbers<[1], [0], [0], [1], [0, 0, 1, 1], [], []>, transpose_lhs_hint = false} : vector<32x256xf32>, vector<256x2816xf32>, vector<32x2816xf32> -> vector<32x2816xf32>
      %get3A_180 = arith.constant 0 : index
      %get3A_181 = arith.constant 0 : index
      %get3A_182 = arith.constant 0 : index
      %get3A_183 = vector.load %arg12[%get3A_180, %get3A_181, %get3A_182] : memref<2x256x2816xf32, #tpu.memory_space<vmem>>, vector<1x256x2816xf32>
      %get3A_184 = vector.shape_cast %get3A_183 : vector<1x256x2816xf32> to vector<256x2816xf32>
      %dot_general3A_185 = arith.constant dense<0.000000e+00> : vector<32x2816xf32>
      %dot_general3A_186 = tpu.matmul %slice3A, %get3A_184, %dot_general3A_185 {dimension_numbers = #tpu.dot_dimension_numbers<[1], [0], [0], [1], [0, 0, 1, 1], [], []>, transpose_lhs_hint = false} : vector<32x256xf32>, vector<256x2816xf32>, vector<32x2816xf32> -> vector<32x2816xf32>
      %get3A_187 = arith.constant 0 : index
      %get3A_188 = arith.constant 0 : index
      %get3A_189 = vector.load %arg14[%get3A_187, %get3A_188] : memref<32x2816xf32, #tpu.memory_space<vmem>>, vector<32x2816xf32>
      %add3A_190 = arith.addf %get3A_189, %dot_general3A_179 : vector<32x2816xf32>
      %swap3A_191 = arith.constant 0 : index
      %swap3A_192 = arith.constant 0 : index
      %swap3A_193 = vector.load %arg14[%swap3A_191, %swap3A_192] : memref<32x2816xf32, #tpu.memory_space<vmem>>, vector<32x2816xf32>
      tpu.vector_store %arg14[%swap3A_191, %swap3A_192], %add3A_190 {strides = array<i32>} : memref<32x2816xf32, #tpu.memory_space<vmem>>, vector<32x2816xf32>,
      %get3A_194 = arith.constant 0 : index
      %get3A_195 = arith.constant 0 : index
      %get3A_196 = vector.load %arg15[%get3A_194, %get3A_195] : memref<32x2816xf32, #tpu.memory_space<vmem>>, vector<32x2816xf32>
      %add3A_197 = arith.addf %get3A_196, %dot_general3A_186 : vector<32x2816xf32>
      %swap3A_198 = arith.constant 0 : index
      %swap3A_199 = arith.constant 0 : index
      %swap3A_200 = vector.load %arg15[%swap3A_198, %swap3A_199] : memref<32x2816xf32, #tpu.memory_space<vmem>>, vector<32x2816xf32>
      tpu.vector_store %arg15[%swap3A_198, %swap3A_199], %add3A_197 {strides = array<i32>} : memref<32x2816xf32, #tpu.memory_space<vmem>>, vector<32x2816xf32>,
    } else {
    }
    %eq3A_24 = arith.constant 4 : i32
    %eq3A_25 = arith.cmpi eq, %arg0, %eq3A_24 : i32
    %convert_element_type3A_26 = arith.extui %eq3A_25 : i1 to i32
    %cond3A_27 = arith.constant 0 : i32
    %cond3A_28 = arith.cmpi ne, %convert_element_type3A_26, %cond3A_27 : i32
    scf.if %cond3A_28 {
      %dma_wait3A = arith.constant 1 : i32
      %dma_wait3A_131 = arith.constant 1 : i32
      %dma_wait3A_132 = tpu.memref_slice %arg17[%dma_wait3A_131] : memref<2x!tpu.dma_semaphore, #tpu.memory_space<semaphore_mem>> -> memref<1x!tpu.dma_semaphore, #tpu.memory_space<semaphore_mem>>
      %dma_wait3A_133 = tpu.memref_squeeze %dma_wait3A_132 : memref<1x!tpu.dma_semaphore, #tpu.memory_space<semaphore_mem>> -> memref<!tpu.dma_semaphore, #tpu.memory_space<semaphore_mem>>
      %dma_wait3A_134 = arith.constant 0 : i32
      %dma_wait3A_135 = arith.constant 0 : i32
      %dma_wait3A_136 = tpu.memref_slice %arg11[%dma_wait3A, %dma_wait3A_134, %dma_wait3A_135] : memref<2x256x2816xf32, #tpu.memory_space<vmem>> -> memref<1x256x2816xf32, #tpu.memory_space<vmem>>
      %dma_wait3A_137 = tpu.memref_squeeze %dma_wait3A_136 : memref<1x256x2816xf32, #tpu.memory_space<vmem>> -> memref<256x2816xf32, #tpu.memory_space<vmem>>
      %dma_wait3A_138 = arith.constant 768 : i32
      %dma_wait3A_139 = arith.constant 0 : i32
      %dma_wait3A_140 = tpu.memref_slice %arg4[%dma_wait3A_138, %dma_wait3A_139] : memref<1024x2816xf32, #tpu.memory_space<any>> -> memref<256x2816xf32, #tpu.memory_space<any>>
      tpu.wait_dma2 semaphore(%dma_wait3A_133 : memref<!tpu.dma_semaphore, #tpu.memory_space<semaphore_mem>>) src(%dma_wait3A_140 : memref<256x2816xf32, #tpu.memory_space<any>>) dst(%dma_wait3A_137 : memref<256x2816xf32, #tpu.memory_space<vmem>>)
      %dma_wait3A_141 = arith.constant 1 : i32
      %dma_wait3A_142 = arith.constant 1 : i32
      %dma_wait3A_143 = tpu.memref_slice %arg18[%dma_wait3A_142] : memref<2x!tpu.dma_semaphore, #tpu.memory_space<semaphore_mem>> -> memref<1x!tpu.dma_semaphore, #tpu.memory_space<semaphore_mem>>
      %dma_wait3A_144 = tpu.memref_squeeze %dma_wait3A_143 : memref<1x!tpu.dma_semaphore, #tpu.memory_space<semaphore_mem>> -> memref<!tpu.dma_semaphore, #tpu.memory_space<semaphore_mem>>
      %dma_wait3A_145 = arith.constant 0 : i32
      %dma_wait3A_146 = arith.constant 0 : i32
      %dma_wait3A_147 = tpu.memref_slice %arg12[%dma_wait3A_141, %dma_wait3A_145, %dma_wait3A_146] : memref<2x256x2816xf32, #tpu.memory_space<vmem>> -> memref<1x256x2816xf32, #tpu.memory_space<vmem>>
      %dma_wait3A_148 = tpu.memref_squeeze %dma_wait3A_147 : memref<1x256x2816xf32, #tpu.memory_space<vmem>> -> memref<256x2816xf32, #tpu.memory_space<vmem>>
      %dma_wait3A_149 = arith.constant 768 : i32
      %dma_wait3A_150 = arith.constant 0 : i32
      %dma_wait3A_151 = tpu.memref_slice %arg5[%dma_wait3A_149, %dma_wait3A_150] : memref<1024x2816xf32, #tpu.memory_space<any>> -> memref<256x2816xf32, #tpu.memory_space<any>>
      tpu.wait_dma2 semaphore(%dma_wait3A_144 : memref<!tpu.dma_semaphore, #tpu.memory_space<semaphore_mem>>) src(%dma_wait3A_151 : memref<256x2816xf32, #tpu.memory_space<any>>) dst(%dma_wait3A_148 : memref<256x2816xf32, #tpu.memory_space<vmem>>)
      %slice3A = vector.extract_strided_slice %get3A_1 {offsets = [0, 768], sizes = [32, 256], strides = [1, 1]} : vector<32x1024xf32> to vector<32x256xf32>
      %get3A_152 = arith.constant 1 : index
      %get3A_153 = arith.constant 0 : index
      %get3A_154 = arith.constant 0 : index
      %get3A_155 = vector.load %arg11[%get3A_152, %get3A_153, %get3A_154] : memref<2x256x2816xf32, #tpu.memory_space<vmem>>, vector<1x256x2816xf32>
      %get3A_156 = vector.shape_cast %get3A_155 : vector<1x256x2816xf32> to vector<256x2816xf32>
      %dot_general3A_157 = arith.constant dense<0.000000e+00> : vector<32x2816xf32>
      %dot_general3A_158 = tpu.matmul %slice3A, %get3A_156, %dot_general3A_157 {dimension_numbers = #tpu.dot_dimension_numbers<[1], [0], [0], [1], [0, 0, 1, 1], [], []>, transpose_lhs_hint = false} : vector<32x256xf32>, vector<256x2816xf32>, vector<32x2816xf32> -> vector<32x2816xf32>
      %get3A_159 = arith.constant 1 : index
      %get3A_160 = arith.constant 0 : index
      %get3A_161 = arith.constant 0 : index
      %get3A_162 = vector.load %arg12[%get3A_159, %get3A_160, %get3A_161] : memref<2x256x2816xf32, #tpu.memory_space<vmem>>, vector<1x256x2816xf32>
      %get3A_163 = vector.shape_cast %get3A_162 : vector<1x256x2816xf32> to vector<256x2816xf32>
      %dot_general3A_164 = arith.constant dense<0.000000e+00> : vector<32x2816xf32>
      %dot_general3A_165 = tpu.matmul %slice3A, %get3A_163, %dot_general3A_164 {dimension_numbers = #tpu.dot_dimension_numbers<[1], [0], [0], [1], [0, 0, 1, 1], [], []>, transpose_lhs_hint = false} : vector<32x256xf32>, vector<256x2816xf32>, vector<32x2816xf32> -> vector<32x2816xf32>
      %get3A_166 = arith.constant 0 : index
      %get3A_167 = arith.constant 0 : index
      %get3A_168 = vector.load %arg14[%get3A_166, %get3A_167] : memref<32x2816xf32, #tpu.memory_space<vmem>>, vector<32x2816xf32>
      %add3A_169 = arith.addf %get3A_168, %dot_general3A_158 : vector<32x2816xf32>
      %swap3A_170 = arith.constant 0 : index
      %swap3A_171 = arith.constant 0 : index
      %swap3A_172 = vector.load %arg14[%swap3A_170, %swap3A_171] : memref<32x2816xf32, #tpu.memory_space<vmem>>, vector<32x2816xf32>
      tpu.vector_store %arg14[%swap3A_170, %swap3A_171], %add3A_169 {strides = array<i32>} : memref<32x2816xf32, #tpu.memory_space<vmem>>, vector<32x2816xf32>,
      %get3A_173 = arith.constant 0 : index
      %get3A_174 = arith.constant 0 : index
      %get3A_175 = vector.load %arg15[%get3A_173, %get3A_174] : memref<32x2816xf32, #tpu.memory_space<vmem>>, vector<32x2816xf32>
      %add3A_176 = arith.addf %get3A_175, %dot_general3A_165 : vector<32x2816xf32>
      %swap3A_177 = arith.constant 0 : index
      %swap3A_178 = arith.constant 0 : index
      %swap3A_179 = vector.load %arg15[%swap3A_177, %swap3A_178] : memref<32x2816xf32, #tpu.memory_space<vmem>>, vector<32x2816xf32>
      tpu.vector_store %arg15[%swap3A_177, %swap3A_178], %add3A_176 {strides = array<i32>} : memref<32x2816xf32, #tpu.memory_space<vmem>>, vector<32x2816xf32>,
      %dma_start3A = arith.constant 0 : i32
      %dma_start3A_180 = arith.constant 0 : i32
      %dma_start3A_181 = tpu.memref_slice %arg19[%dma_start3A_180] : memref<2x!tpu.dma_semaphore, #tpu.memory_space<semaphore_mem>> -> memref<1x!tpu.dma_semaphore, #tpu.memory_space<semaphore_mem>>
      %dma_start3A_182 = tpu.memref_squeeze %dma_start3A_181 : memref<1x!tpu.dma_semaphore, #tpu.memory_space<semaphore_mem>> -> memref<!tpu.dma_semaphore, #tpu.memory_space<semaphore_mem>>
      %dma_start3A_183 = arith.constant 0 : i32
      %dma_start3A_184 = arith.constant 0 : i32
      %dma_start3A_185 = tpu.memref_slice %arg13[%dma_start3A, %dma_start3A_183, %dma_start3A_184] : memref<2x256x1024xf32, #tpu.memory_space<vmem>> -> memref<1x256x1024xf32, #tpu.memory_space<vmem>>
      %dma_start3A_186 = tpu.memref_squeeze %dma_start3A_185 : memref<1x256x1024xf32, #tpu.memory_space<vmem>> -> memref<256x1024xf32, #tpu.memory_space<vmem>>
      %dma_start3A_187 = arith.constant 0 : i32
      %dma_start3A_188 = arith.constant 0 : i32
      %dma_start3A_189 = tpu.memref_slice %arg6[%dma_start3A_187, %dma_start3A_188] : memref<2816x1024xf32, #tpu.memory_space<any>> -> memref<256x1024xf32, #tpu.memory_space<any>>
      tpu.enqueue_dma source(%dma_start3A_189 : memref<256x1024xf32, #tpu.memory_space<any>>) target(%dma_start3A_186 : memref<256x1024xf32, #tpu.memory_space<vmem>>) target_semaphore(%dma_start3A_182 : memref<!tpu.dma_semaphore, #tpu.memory_space<semaphore_mem>>)
    } else {
    }
    %eq3A_29 = arith.constant 5 : i32
    %eq3A_30 = arith.cmpi eq, %arg0, %eq3A_29 : i32
    %convert_element_type3A_31 = arith.extui %eq3A_30 : i1 to i32
    %cond3A_32 = arith.constant 0 : i32
    %cond3A_33 = arith.cmpi ne, %convert_element_type3A_31, %cond3A_32 : i32
    scf.if %cond3A_33 {
      %dma_start3A = arith.constant 1 : i32
      %dma_start3A_131 = arith.constant 1 : i32
      %dma_start3A_132 = tpu.memref_slice %arg19[%dma_start3A_131] : memref<2x!tpu.dma_semaphore, #tpu.memory_space<semaphore_mem>> -> memref<1x!tpu.dma_semaphore, #tpu.memory_space<semaphore_mem>>
      %dma_start3A_133 = tpu.memref_squeeze %dma_start3A_132 : memref<1x!tpu.dma_semaphore, #tpu.memory_space<semaphore_mem>> -> memref<!tpu.dma_semaphore, #tpu.memory_space<semaphore_mem>>
      %dma_start3A_134 = arith.constant 0 : i32
      %dma_start3A_135 = arith.constant 0 : i32
      %dma_start3A_136 = tpu.memref_slice %arg13[%dma_start3A, %dma_start3A_134, %dma_start3A_135] : memref<2x256x1024xf32, #tpu.memory_space<vmem>> -> memref<1x256x1024xf32, #tpu.memory_space<vmem>>
      %dma_start3A_137 = tpu.memref_squeeze %dma_start3A_136 : memref<1x256x1024xf32, #tpu.memory_space<vmem>> -> memref<256x1024xf32, #tpu.memory_space<vmem>>
      %dma_start3A_138 = arith.constant 256 : i32
      %dma_start3A_139 = arith.constant 0 : i32
      %dma_start3A_140 = tpu.memref_slice %arg6[%dma_start3A_138, %dma_start3A_139] : memref<2816x1024xf32, #tpu.memory_space<any>> -> memref<256x1024xf32, #tpu.memory_space<any>>
      tpu.enqueue_dma source(%dma_start3A_140 : memref<256x1024xf32, #tpu.memory_space<any>>) target(%dma_start3A_137 : memref<256x1024xf32, #tpu.memory_space<vmem>>) target_semaphore(%dma_start3A_133 : memref<!tpu.dma_semaphore, #tpu.memory_space<semaphore_mem>>)
      %dma_wait3A = arith.constant 0 : i32
      %dma_wait3A_141 = arith.constant 0 : i32
      %dma_wait3A_142 = tpu.memref_slice %arg19[%dma_wait3A_141] : memref<2x!tpu.dma_semaphore, #tpu.memory_space<semaphore_mem>> -> memref<1x!tpu.dma_semaphore, #tpu.memory_space<semaphore_mem>>
      %dma_wait3A_143 = tpu.memref_squeeze %dma_wait3A_142 : memref<1x!tpu.dma_semaphore, #tpu.memory_space<semaphore_mem>> -> memref<!tpu.dma_semaphore, #tpu.memory_space<semaphore_mem>>
      %dma_wait3A_144 = arith.constant 0 : i32
      %dma_wait3A_145 = arith.constant 0 : i32
      %dma_wait3A_146 = tpu.memref_slice %arg13[%dma_wait3A, %dma_wait3A_144, %dma_wait3A_145] : memref<2x256x1024xf32, #tpu.memory_space<vmem>> -> memref<1x256x1024xf32, #tpu.memory_space<vmem>>
      %dma_wait3A_147 = tpu.memref_squeeze %dma_wait3A_146 : memref<1x256x1024xf32, #tpu.memory_space<vmem>> -> memref<256x1024xf32, #tpu.memory_space<vmem>>
      %dma_wait3A_148 = arith.constant 0 : i32
      %dma_wait3A_149 = arith.constant 0 : i32
      %dma_wait3A_150 = tpu.memref_slice %arg6[%dma_wait3A_148, %dma_wait3A_149] : memref<2816x1024xf32, #tpu.memory_space<any>> -> memref<256x1024xf32, #tpu.memory_space<any>>
      tpu.wait_dma2 semaphore(%dma_wait3A_143 : memref<!tpu.dma_semaphore, #tpu.memory_space<semaphore_mem>>) src(%dma_wait3A_150 : memref<256x1024xf32, #tpu.memory_space<any>>) dst(%dma_wait3A_147 : memref<256x1024xf32, #tpu.memory_space<vmem>>)
      %get3A_151 = arith.constant 0 : index
      %get3A_152 = arith.constant 0 : index
      %get3A_153 = vector.load %arg14[%get3A_151, %get3A_152] : memref<32x2816xf32, #tpu.memory_space<vmem>>, vector<32x256xf32>
      %get3A_154 = arith.constant 0 : index
      %get3A_155 = arith.constant 0 : index
      %get3A_156 = vector.load %arg15[%get3A_154, %get3A_155] : memref<32x2816xf32, #tpu.memory_space<vmem>>, vector<32x256xf32>
      %logistic3A_157 = arith.negf %get3A_153 : vector<32x256xf32>
      %logistic3A_158 = math.exp %logistic3A_157 : vector<32x256xf32>
      %logistic3A_159 = arith.constant 1.000000e+00 : f32
      %logistic3A_160 = vector.broadcast %logistic3A_159 : f32 to vector<32x256xf32>
      %logistic3A_161 = arith.addf %logistic3A_160, %logistic3A_158 : vector<32x256xf32>
      %logistic3A_162 = arith.divf %logistic3A_160, %logistic3A_161 : vector<32x256xf32>
      %mul3A_163 = arith.mulf %get3A_153, %logistic3A_162 : vector<32x256xf32>
      %mul3A_164 = arith.mulf %mul3A_163, %get3A_156 : vector<32x256xf32>
      %get3A_165 = arith.constant 0 : index
      %get3A_166 = arith.constant 0 : index
      %get3A_167 = arith.constant 0 : index
      %get3A_168 = vector.load %arg13[%get3A_165, %get3A_166, %get3A_167] : memref<2x256x1024xf32, #tpu.memory_space<vmem>>, vector<1x256x1024xf32>
      %get3A_169 = vector.shape_cast %get3A_168 : vector<1x256x1024xf32> to vector<256x1024xf32>
      %dot_general3A_170 = arith.constant dense<0.000000e+00> : vector<32x1024xf32>
      %dot_general3A_171 = tpu.matmul %mul3A_164, %get3A_169, %dot_general3A_170 {dimension_numbers = #tpu.dot_dimension_numbers<[1], [0], [0], [1], [0, 0, 1, 1], [], []>, transpose_lhs_hint = false} : vector<32x256xf32>, vector<256x1024xf32>, vector<32x1024xf32> -> vector<32x1024xf32>
      %swap3A_172 = arith.constant 0 : index
      %swap3A_173 = arith.constant 0 : index
      %swap3A_174 = vector.load %arg16[%swap3A_172, %swap3A_173] : memref<32x1024xf32, #tpu.memory_space<vmem>>, vector<32x1024xf32>
      tpu.vector_store %arg16[%swap3A_172, %swap3A_173], %dot_general3A_171 {strides = array<i32>} : memref<32x1024xf32, #tpu.memory_space<vmem>>, vector<32x1024xf32>,
    } else {
    }
    %eq3A_34 = arith.constant 6 : i32
    %eq3A_35 = arith.cmpi eq, %arg0, %eq3A_34 : i32
    %convert_element_type3A_36 = arith.extui %eq3A_35 : i1 to i32
    %cond3A_37 = arith.constant 0 : i32
    %cond3A_38 = arith.cmpi ne, %convert_element_type3A_36, %cond3A_37 : i32
    scf.if %cond3A_38 {
      %dma_start3A = arith.constant 0 : i32
      %dma_start3A_131 = arith.constant 0 : i32
      %dma_start3A_132 = tpu.memref_slice %arg19[%dma_start3A_131] : memref<2x!tpu.dma_semaphore, #tpu.memory_space<semaphore_mem>> -> memref<1x!tpu.dma_semaphore, #tpu.memory_space<semaphore_mem>>
      %dma_start3A_133 = tpu.memref_squeeze %dma_start3A_132 : memref<1x!tpu.dma_semaphore, #tpu.memory_space<semaphore_mem>> -> memref<!tpu.dma_semaphore, #tpu.memory_space<semaphore_mem>>
      %dma_start3A_134 = arith.constant 0 : i32
      %dma_start3A_135 = arith.constant 0 : i32
      %dma_start3A_136 = tpu.memref_slice %arg13[%dma_start3A, %dma_start3A_134, %dma_start3A_135] : memref<2x256x1024xf32, #tpu.memory_space<vmem>> -> memref<1x256x1024xf32, #tpu.memory_space<vmem>>
      %dma_start3A_137 = tpu.memref_squeeze %dma_start3A_136 : memref<1x256x1024xf32, #tpu.memory_space<vmem>> -> memref<256x1024xf32, #tpu.memory_space<vmem>>
      %dma_start3A_138 = arith.constant 512 : i32
      %dma_start3A_139 = arith.constant 0 : i32
      %dma_start3A_140 = tpu.memref_slice %arg6[%dma_start3A_138, %dma_start3A_139] : memref<2816x1024xf32, #tpu.memory_space<any>> -> memref<256x1024xf32, #tpu.memory_space<any>>
      tpu.enqueue_dma source(%dma_start3A_140 : memref<256x1024xf32, #tpu.memory_space<any>>) target(%dma_start3A_137 : memref<256x1024xf32, #tpu.memory_space<vmem>>) target_semaphore(%dma_start3A_133 : memref<!tpu.dma_semaphore, #tpu.memory_space<semaphore_mem>>)
      %dma_wait3A = arith.constant 1 : i32
      %dma_wait3A_141 = arith.constant 1 : i32
      %dma_wait3A_142 = tpu.memref_slice %arg19[%dma_wait3A_141] : memref<2x!tpu.dma_semaphore, #tpu.memory_space<semaphore_mem>> -> memref<1x!tpu.dma_semaphore, #tpu.memory_space<semaphore_mem>>
      %dma_wait3A_143 = tpu.memref_squeeze %dma_wait3A_142 : memref<1x!tpu.dma_semaphore, #tpu.memory_space<semaphore_mem>> -> memref<!tpu.dma_semaphore, #tpu.memory_space<semaphore_mem>>
      %dma_wait3A_144 = arith.constant 0 : i32
      %dma_wait3A_145 = arith.constant 0 : i32
      %dma_wait3A_146 = tpu.memref_slice %arg13[%dma_wait3A, %dma_wait3A_144, %dma_wait3A_145] : memref<2x256x1024xf32, #tpu.memory_space<vmem>> -> memref<1x256x1024xf32, #tpu.memory_space<vmem>>
      %dma_wait3A_147 = tpu.memref_squeeze %dma_wait3A_146 : memref<1x256x1024xf32, #tpu.memory_space<vmem>> -> memref<256x1024xf32, #tpu.memory_space<vmem>>
      %dma_wait3A_148 = arith.constant 256 : i32
      %dma_wait3A_149 = arith.constant 0 : i32
      %dma_wait3A_150 = tpu.memref_slice %arg6[%dma_wait3A_148, %dma_wait3A_149] : memref<2816x1024xf32, #tpu.memory_space<any>> -> memref<256x1024xf32, #tpu.memory_space<any>>
      tpu.wait_dma2 semaphore(%dma_wait3A_143 : memref<!tpu.dma_semaphore, #tpu.memory_space<semaphore_mem>>) src(%dma_wait3A_150 : memref<256x1024xf32, #tpu.memory_space<any>>) dst(%dma_wait3A_147 : memref<256x1024xf32, #tpu.memory_space<vmem>>)
      %get3A_151 = arith.constant 0 : index
      %get3A_152 = arith.constant 256 : index
      %get3A_153 = vector.load %arg14[%get3A_151, %get3A_152] : memref<32x2816xf32, #tpu.memory_space<vmem>>, vector<32x256xf32>
      %get3A_154 = arith.constant 0 : index
      %get3A_155 = arith.constant 256 : index
      %get3A_156 = vector.load %arg15[%get3A_154, %get3A_155] : memref<32x2816xf32, #tpu.memory_space<vmem>>, vector<32x256xf32>
      %logistic3A_157 = arith.negf %get3A_153 : vector<32x256xf32>
      %logistic3A_158 = math.exp %logistic3A_157 : vector<32x256xf32>
      %logistic3A_159 = arith.constant 1.000000e+00 : f32
      %logistic3A_160 = vector.broadcast %logistic3A_159 : f32 to vector<32x256xf32>
      %logistic3A_161 = arith.addf %logistic3A_160, %logistic3A_158 : vector<32x256xf32>
      %logistic3A_162 = arith.divf %logistic3A_160, %logistic3A_161 : vector<32x256xf32>
      %mul3A_163 = arith.mulf %get3A_153, %logistic3A_162 : vector<32x256xf32>
      %mul3A_164 = arith.mulf %mul3A_163, %get3A_156 : vector<32x256xf32>
      %get3A_165 = arith.constant 1 : index
      %get3A_166 = arith.constant 0 : index
      %get3A_167 = arith.constant 0 : index
      %get3A_168 = vector.load %arg13[%get3A_165, %get3A_166, %get3A_167] : memref<2x256x1024xf32, #tpu.memory_space<vmem>>, vector<1x256x1024xf32>
      %get3A_169 = vector.shape_cast %get3A_168 : vector<1x256x1024xf32> to vector<256x1024xf32>
      %dot_general3A_170 = arith.constant dense<0.000000e+00> : vector<32x1024xf32>
      %dot_general3A_171 = tpu.matmul %mul3A_164, %get3A_169, %dot_general3A_170 {dimension_numbers = #tpu.dot_dimension_numbers<[1], [0], [0], [1], [0, 0, 1, 1], [], []>, transpose_lhs_hint = false} : vector<32x256xf32>, vector<256x1024xf32>, vector<32x1024xf32> -> vector<32x1024xf32>
      %get3A_172 = arith.constant 0 : index
      %get3A_173 = arith.constant 0 : index
      %get3A_174 = vector.load %arg16[%get3A_172, %get3A_173] : memref<32x1024xf32, #tpu.memory_space<vmem>>, vector<32x1024xf32>
      %add3A_175 = arith.addf %get3A_174, %dot_general3A_171 : vector<32x1024xf32>
      %swap3A_176 = arith.constant 0 : index
      %swap3A_177 = arith.constant 0 : index
      %swap3A_178 = vector.load %arg16[%swap3A_176, %swap3A_177] : memref<32x1024xf32, #tpu.memory_space<vmem>>, vector<32x1024xf32>
      tpu.vector_store %arg16[%swap3A_176, %swap3A_177], %add3A_175 {strides = array<i32>} : memref<32x1024xf32, #tpu.memory_space<vmem>>, vector<32x1024xf32>,
    } else {
    }
    %eq3A_39 = arith.constant 7 : i32
    %eq3A_40 = arith.cmpi eq, %arg0, %eq3A_39 : i32
    %convert_element_type3A_41 = arith.extui %eq3A_40 : i1 to i32
    %cond3A_42 = arith.constant 0 : i32
    %cond3A_43 = arith.cmpi ne, %convert_element_type3A_41, %cond3A_42 : i32
    scf.if %cond3A_43 {
      %dma_start3A = arith.constant 1 : i32
      %dma_start3A_131 = arith.constant 1 : i32
      %dma_start3A_132 = tpu.memref_slice %arg19[%dma_start3A_131] : memref<2x!tpu.dma_semaphore, #tpu.memory_space<semaphore_mem>> -> memref<1x!tpu.dma_semaphore, #tpu.memory_space<semaphore_mem>>
      %dma_start3A_133 = tpu.memref_squeeze %dma_start3A_132 : memref<1x!tpu.dma_semaphore, #tpu.memory_space<semaphore_mem>> -> memref<!tpu.dma_semaphore, #tpu.memory_space<semaphore_mem>>
      %dma_start3A_134 = arith.constant 0 : i32
      %dma_start3A_135 = arith.constant 0 : i32
      %dma_start3A_136 = tpu.memref_slice %arg13[%dma_start3A, %dma_start3A_134, %dma_start3A_135] : memref<2x256x1024xf32, #tpu.memory_space<vmem>> -> memref<1x256x1024xf32, #tpu.memory_space<vmem>>
      %dma_start3A_137 = tpu.memref_squeeze %dma_start3A_136 : memref<1x256x1024xf32, #tpu.memory_space<vmem>> -> memref<256x1024xf32, #tpu.memory_space<vmem>>
      %dma_start3A_138 = arith.constant 768 : i32
      %dma_start3A_139 = arith.constant 0 : i32
      %dma_start3A_140 = tpu.memref_slice %arg6[%dma_start3A_138, %dma_start3A_139] : memref<2816x1024xf32, #tpu.memory_space<any>> -> memref<256x1024xf32, #tpu.memory_space<any>>
      tpu.enqueue_dma source(%dma_start3A_140 : memref<256x1024xf32, #tpu.memory_space<any>>) target(%dma_start3A_137 : memref<256x1024xf32, #tpu.memory_space<vmem>>) target_semaphore(%dma_start3A_133 : memref<!tpu.dma_semaphore, #tpu.memory_space<semaphore_mem>>)
      %dma_wait3A = arith.constant 0 : i32
      %dma_wait3A_141 = arith.constant 0 : i32
      %dma_wait3A_142 = tpu.memref_slice %arg19[%dma_wait3A_141] : memref<2x!tpu.dma_semaphore, #tpu.memory_space<semaphore_mem>> -> memref<1x!tpu.dma_semaphore, #tpu.memory_space<semaphore_mem>>
      %dma_wait3A_143 = tpu.memref_squeeze %dma_wait3A_142 : memref<1x!tpu.dma_semaphore, #tpu.memory_space<semaphore_mem>> -> memref<!tpu.dma_semaphore, #tpu.memory_space<semaphore_mem>>
      %dma_wait3A_144 = arith.constant 0 : i32
      %dma_wait3A_145 = arith.constant 0 : i32
      %dma_wait3A_146 = tpu.memref_slice %arg13[%dma_wait3A, %dma_wait3A_144, %dma_wait3A_145] : memref<2x256x1024xf32, #tpu.memory_space<vmem>> -> memref<1x256x1024xf32, #tpu.memory_space<vmem>>
      %dma_wait3A_147 = tpu.memref_squeeze %dma_wait3A_146 : memref<1x256x1024xf32, #tpu.memory_space<vmem>> -> memref<256x1024xf32, #tpu.memory_space<vmem>>
      %dma_wait3A_148 = arith.constant 512 : i32
      %dma_wait3A_149 = arith.constant 0 : i32
      %dma_wait3A_150 = tpu.memref_slice %arg6[%dma_wait3A_148, %dma_wait3A_149] : memref<2816x1024xf32, #tpu.memory_space<any>> -> memref<256x1024xf32, #tpu.memory_space<any>>
      tpu.wait_dma2 semaphore(%dma_wait3A_143 : memref<!tpu.dma_semaphore, #tpu.memory_space<semaphore_mem>>) src(%dma_wait3A_150 : memref<256x1024xf32, #tpu.memory_space<any>>) dst(%dma_wait3A_147 : memref<256x1024xf32, #tpu.memory_space<vmem>>)
      %get3A_151 = arith.constant 0 : index
      %get3A_152 = arith.constant 512 : index
      %get3A_153 = vector.load %arg14[%get3A_151, %get3A_152] : memref<32x2816xf32, #tpu.memory_space<vmem>>, vector<32x256xf32>
      %get3A_154 = arith.constant 0 : index
      %get3A_155 = arith.constant 512 : index
      %get3A_156 = vector.load %arg15[%get3A_154, %get3A_155] : memref<32x2816xf32, #tpu.memory_space<vmem>>, vector<32x256xf32>
      %logistic3A_157 = arith.negf %get3A_153 : vector<32x256xf32>
      %logistic3A_158 = math.exp %logistic3A_157 : vector<32x256xf32>
      %logistic3A_159 = arith.constant 1.000000e+00 : f32
      %logistic3A_160 = vector.broadcast %logistic3A_159 : f32 to vector<32x256xf32>
      %logistic3A_161 = arith.addf %logistic3A_160, %logistic3A_158 : vector<32x256xf32>
      %logistic3A_162 = arith.divf %logistic3A_160, %logistic3A_161 : vector<32x256xf32>
      %mul3A_163 = arith.mulf %get3A_153, %logistic3A_162 : vector<32x256xf32>
      %mul3A_164 = arith.mulf %mul3A_163, %get3A_156 : vector<32x256xf32>
      %get3A_165 = arith.constant 0 : index
      %get3A_166 = arith.constant 0 : index
      %get3A_167 = arith.constant 0 : index
      %get3A_168 = vector.load %arg13[%get3A_165, %get3A_166, %get3A_167] : memref<2x256x1024xf32, #tpu.memory_space<vmem>>, vector<1x256x1024xf32>
      %get3A_169 = vector.shape_cast %get3A_168 : vector<1x256x1024xf32> to vector<256x1024xf32>
      %dot_general3A_170 = arith.constant dense<0.000000e+00> : vector<32x1024xf32>
      %dot_general3A_171 = tpu.matmul %mul3A_164, %get3A_169, %dot_general3A_170 {dimension_numbers = #tpu.dot_dimension_numbers<[1], [0], [0], [1], [0, 0, 1, 1], [], []>, transpose_lhs_hint = false} : vector<32x256xf32>, vector<256x1024xf32>, vector<32x1024xf32> -> vector<32x1024xf32>
      %get3A_172 = arith.constant 0 : index
      %get3A_173 = arith.constant 0 : index
      %get3A_174 = vector.load %arg16[%get3A_172, %get3A_173] : memref<32x1024xf32, #tpu.memory_space<vmem>>, vector<32x1024xf32>
      %add3A_175 = arith.addf %get3A_174, %dot_general3A_171 : vector<32x1024xf32>
      %swap3A_176 = arith.constant 0 : index
      %swap3A_177 = arith.constant 0 : index
      %swap3A_178 = vector.load %arg16[%swap3A_176, %swap3A_177] : memref<32x1024xf32, #tpu.memory_space<vmem>>, vector<32x1024xf32>
      tpu.vector_store %arg16[%swap3A_176, %swap3A_177], %add3A_175 {strides = array<i32>} : memref<32x1024xf32, #tpu.memory_space<vmem>>, vector<32x1024xf32>,
    } else {
    }
    %eq3A_44 = arith.constant 8 : i32
    %eq3A_45 = arith.cmpi eq, %arg0, %eq3A_44 : i32
    %convert_element_type3A_46 = arith.extui %eq3A_45 : i1 to i32
    %cond3A_47 = arith.constant 0 : i32
    %cond3A_48 = arith.cmpi ne, %convert_element_type3A_46, %cond3A_47 : i32
    scf.if %cond3A_48 {
      %dma_start3A = arith.constant 0 : i32
      %dma_start3A_131 = arith.constant 0 : i32
      %dma_start3A_132 = tpu.memref_slice %arg19[%dma_start3A_131] : memref<2x!tpu.dma_semaphore, #tpu.memory_space<semaphore_mem>> -> memref<1x!tpu.dma_semaphore, #tpu.memory_space<semaphore_mem>>
      %dma_start3A_133 = tpu.memref_squeeze %dma_start3A_132 : memref<1x!tpu.dma_semaphore, #tpu.memory_space<semaphore_mem>> -> memref<!tpu.dma_semaphore, #tpu.memory_space<semaphore_mem>>
      %dma_start3A_134 = arith.constant 0 : i32
      %dma_start3A_135 = arith.constant 0 : i32
      %dma_start3A_136 = tpu.memref_slice %arg13[%dma_start3A, %dma_start3A_134, %dma_start3A_135] : memref<2x256x1024xf32, #tpu.memory_space<vmem>> -> memref<1x256x1024xf32, #tpu.memory_space<vmem>>
      %dma_start3A_137 = tpu.memref_squeeze %dma_start3A_136 : memref<1x256x1024xf32, #tpu.memory_space<vmem>> -> memref<256x1024xf32, #tpu.memory_space<vmem>>
      %dma_start3A_138 = arith.constant 1024 : i32
      %dma_start3A_139 = arith.constant 0 : i32
      %dma_start3A_140 = tpu.memref_slice %arg6[%dma_start3A_138, %dma_start3A_139] : memref<2816x1024xf32, #tpu.memory_space<any>> -> memref<256x1024xf32, #tpu.memory_space<any>>
      tpu.enqueue_dma source(%dma_start3A_140 : memref<256x1024xf32, #tpu.memory_space<any>>) target(%dma_start3A_137 : memref<256x1024xf32, #tpu.memory_space<vmem>>) target_semaphore(%dma_start3A_133 : memref<!tpu.dma_semaphore, #tpu.memory_space<semaphore_mem>>)
      %dma_wait3A = arith.constant 1 : i32
      %dma_wait3A_141 = arith.constant 1 : i32
      %dma_wait3A_142 = tpu.memref_slice %arg19[%dma_wait3A_141] : memref<2x!tpu.dma_semaphore, #tpu.memory_space<semaphore_mem>> -> memref<1x!tpu.dma_semaphore, #tpu.memory_space<semaphore_mem>>
      %dma_wait3A_143 = tpu.memref_squeeze %dma_wait3A_142 : memref<1x!tpu.dma_semaphore, #tpu.memory_space<semaphore_mem>> -> memref<!tpu.dma_semaphore, #tpu.memory_space<semaphore_mem>>
      %dma_wait3A_144 = arith.constant 0 : i32
      %dma_wait3A_145 = arith.constant 0 : i32
      %dma_wait3A_146 = tpu.memref_slice %arg13[%dma_wait3A, %dma_wait3A_144, %dma_wait3A_145] : memref<2x256x1024xf32, #tpu.memory_space<vmem>> -> memref<1x256x1024xf32, #tpu.memory_space<vmem>>
      %dma_wait3A_147 = tpu.memref_squeeze %dma_wait3A_146 : memref<1x256x1024xf32, #tpu.memory_space<vmem>> -> memref<256x1024xf32, #tpu.memory_space<vmem>>
      %dma_wait3A_148 = arith.constant 768 : i32
      %dma_wait3A_149 = arith.constant 0 : i32
      %dma_wait3A_150 = tpu.memref_slice %arg6[%dma_wait3A_148, %dma_wait3A_149] : memref<2816x1024xf32, #tpu.memory_space<any>> -> memref<256x1024xf32, #tpu.memory_space<any>>
      tpu.wait_dma2 semaphore(%dma_wait3A_143 : memref<!tpu.dma_semaphore, #tpu.memory_space<semaphore_mem>>) src(%dma_wait3A_150 : memref<256x1024xf32, #tpu.memory_space<any>>) dst(%dma_wait3A_147 : memref<256x1024xf32, #tpu.memory_space<vmem>>)
      %get3A_151 = arith.constant 0 : index
      %get3A_152 = arith.constant 768 : index
      %get3A_153 = vector.load %arg14[%get3A_151, %get3A_152] : memref<32x2816xf32, #tpu.memory_space<vmem>>, vector<32x256xf32>
      %get3A_154 = arith.constant 0 : index
      %get3A_155 = arith.constant 768 : index
      %get3A_156 = vector.load %arg15[%get3A_154, %get3A_155] : memref<32x2816xf32, #tpu.memory_space<vmem>>, vector<32x256xf32>
      %logistic3A_157 = arith.negf %get3A_153 : vector<32x256xf32>
      %logistic3A_158 = math.exp %logistic3A_157 : vector<32x256xf32>
      %logistic3A_159 = arith.constant 1.000000e+00 : f32
      %logistic3A_160 = vector.broadcast %logistic3A_159 : f32 to vector<32x256xf32>
      %logistic3A_161 = arith.addf %logistic3A_160, %logistic3A_158 : vector<32x256xf32>
      %logistic3A_162 = arith.divf %logistic3A_160, %logistic3A_161 : vector<32x256xf32>
      %mul3A_163 = arith.mulf %get3A_153, %logistic3A_162 : vector<32x256xf32>
      %mul3A_164 = arith.mulf %mul3A_163, %get3A_156 : vector<32x256xf32>
      %get3A_165 = arith.constant 1 : index
      %get3A_166 = arith.constant 0 : index
      %get3A_167 = arith.constant 0 : index
      %get3A_168 = vector.load %arg13[%get3A_165, %get3A_166, %get3A_167] : memref<2x256x1024xf32, #tpu.memory_space<vmem>>, vector<1x256x1024xf32>
      %get3A_169 = vector.shape_cast %get3A_168 : vector<1x256x1024xf32> to vector<256x1024xf32>
      %dot_general3A_170 = arith.constant dense<0.000000e+00> : vector<32x1024xf32>
      %dot_general3A_171 = tpu.matmul %mul3A_164, %get3A_169, %dot_general3A_170 {dimension_numbers = #tpu.dot_dimension_numbers<[1], [0], [0], [1], [0, 0, 1, 1], [], []>, transpose_lhs_hint = false} : vector<32x256xf32>, vector<256x1024xf32>, vector<32x1024xf32> -> vector<32x1024xf32>
      %get3A_172 = arith.constant 0 : index
      %get3A_173 = arith.constant 0 : index
      %get3A_174 = vector.load %arg16[%get3A_172, %get3A_173] : memref<32x1024xf32, #tpu.memory_space<vmem>>, vector<32x1024xf32>
      %add3A_175 = arith.addf %get3A_174, %dot_general3A_171 : vector<32x1024xf32>
      %swap3A_176 = arith.constant 0 : index
      %swap3A_177 = arith.constant 0 : index
      %swap3A_178 = vector.load %arg16[%swap3A_176, %swap3A_177] : memref<32x1024xf32, #tpu.memory_space<vmem>>, vector<32x1024xf32>
      tpu.vector_store %arg16[%swap3A_176, %swap3A_177], %add3A_175 {strides = array<i32>} : memref<32x1024xf32, #tpu.memory_space<vmem>>, vector<32x1024xf32>,
    } else {
    }
    %eq3A_49 = arith.constant 9 : i32
    %eq3A_50 = arith.cmpi eq, %arg0, %eq3A_49 : i32
    %convert_element_type3A_51 = arith.extui %eq3A_50 : i1 to i32
    %cond3A_52 = arith.constant 0 : i32
    %cond3A_53 = arith.cmpi ne, %convert_element_type3A_51, %cond3A_52 : i32
    scf.if %cond3A_53 {
      %dma_start3A = arith.constant 1 : i32
      %dma_start3A_131 = arith.constant 1 : i32
      %dma_start3A_132 = tpu.memref_slice %arg19[%dma_start3A_131] : memref<2x!tpu.dma_semaphore, #tpu.memory_space<semaphore_mem>> -> memref<1x!tpu.dma_semaphore, #tpu.memory_space<semaphore_mem>>
      %dma_start3A_133 = tpu.memref_squeeze %dma_start3A_132 : memref<1x!tpu.dma_semaphore, #tpu.memory_space<semaphore_mem>> -> memref<!tpu.dma_semaphore, #tpu.memory_space<semaphore_mem>>
      %dma_start3A_134 = arith.constant 0 : i32
      %dma_start3A_135 = arith.constant 0 : i32
      %dma_start3A_136 = tpu.memref_slice %arg13[%dma_start3A, %dma_start3A_134, %dma_start3A_135] : memref<2x256x1024xf32, #tpu.memory_space<vmem>> -> memref<1x256x1024xf32, #tpu.memory_space<vmem>>
      %dma_start3A_137 = tpu.memref_squeeze %dma_start3A_136 : memref<1x256x1024xf32, #tpu.memory_space<vmem>> -> memref<256x1024xf32, #tpu.memory_space<vmem>>
      %dma_start3A_138 = arith.constant 1280 : i32
      %dma_start3A_139 = arith.constant 0 : i32
      %dma_start3A_140 = tpu.memref_slice %arg6[%dma_start3A_138, %dma_start3A_139] : memref<2816x1024xf32, #tpu.memory_space<any>> -> memref<256x1024xf32, #tpu.memory_space<any>>
      tpu.enqueue_dma source(%dma_start3A_140 : memref<256x1024xf32, #tpu.memory_space<any>>) target(%dma_start3A_137 : memref<256x1024xf32, #tpu.memory_space<vmem>>) target_semaphore(%dma_start3A_133 : memref<!tpu.dma_semaphore, #tpu.memory_space<semaphore_mem>>)
      %dma_wait3A = arith.constant 0 : i32
      %dma_wait3A_141 = arith.constant 0 : i32
      %dma_wait3A_142 = tpu.memref_slice %arg19[%dma_wait3A_141] : memref<2x!tpu.dma_semaphore, #tpu.memory_space<semaphore_mem>> -> memref<1x!tpu.dma_semaphore, #tpu.memory_space<semaphore_mem>>
      %dma_wait3A_143 = tpu.memref_squeeze %dma_wait3A_142 : memref<1x!tpu.dma_semaphore, #tpu.memory_space<semaphore_mem>> -> memref<!tpu.dma_semaphore, #tpu.memory_space<semaphore_mem>>
      %dma_wait3A_144 = arith.constant 0 : i32
      %dma_wait3A_145 = arith.constant 0 : i32
      %dma_wait3A_146 = tpu.memref_slice %arg13[%dma_wait3A, %dma_wait3A_144, %dma_wait3A_145] : memref<2x256x1024xf32, #tpu.memory_space<vmem>> -> memref<1x256x1024xf32, #tpu.memory_space<vmem>>
      %dma_wait3A_147 = tpu.memref_squeeze %dma_wait3A_146 : memref<1x256x1024xf32, #tpu.memory_space<vmem>> -> memref<256x1024xf32, #tpu.memory_space<vmem>>
      %dma_wait3A_148 = arith.constant 1024 : i32
      %dma_wait3A_149 = arith.constant 0 : i32
      %dma_wait3A_150 = tpu.memref_slice %arg6[%dma_wait3A_148, %dma_wait3A_149] : memref<2816x1024xf32, #tpu.memory_space<any>> -> memref<256x1024xf32, #tpu.memory_space<any>>
      tpu.wait_dma2 semaphore(%dma_wait3A_143 : memref<!tpu.dma_semaphore, #tpu.memory_space<semaphore_mem>>) src(%dma_wait3A_150 : memref<256x1024xf32, #tpu.memory_space<any>>) dst(%dma_wait3A_147 : memref<256x1024xf32, #tpu.memory_space<vmem>>)
      %get3A_151 = arith.constant 0 : index
      %get3A_152 = arith.constant 1024 : index
      %get3A_153 = vector.load %arg14[%get3A_151, %get3A_152] : memref<32x2816xf32, #tpu.memory_space<vmem>>, vector<32x256xf32>
      %get3A_154 = arith.constant 0 : index
      %get3A_155 = arith.constant 1024 : index
      %get3A_156 = vector.load %arg15[%get3A_154, %get3A_155] : memref<32x2816xf32, #tpu.memory_space<vmem>>, vector<32x256xf32>
      %logistic3A_157 = arith.negf %get3A_153 : vector<32x256xf32>
      %logistic3A_158 = math.exp %logistic3A_157 : vector<32x256xf32>
      %logistic3A_159 = arith.constant 1.000000e+00 : f32
      %logistic3A_160 = vector.broadcast %logistic3A_159 : f32 to vector<32x256xf32>
      %logistic3A_161 = arith.addf %logistic3A_160, %logistic3A_158 : vector<32x256xf32>
      %logistic3A_162 = arith.divf %logistic3A_160, %logistic3A_161 : vector<32x256xf32>
      %mul3A_163 = arith.mulf %get3A_153, %logistic3A_162 : vector<32x256xf32>
      %mul3A_164 = arith.mulf %mul3A_163, %get3A_156 : vector<32x256xf32>
      %get3A_165 = arith.constant 0 : index
      %get3A_166 = arith.constant 0 : index
      %get3A_167 = arith.constant 0 : index
      %get3A_168 = vector.load %arg13[%get3A_165, %get3A_166, %get3A_167] : memref<2x256x1024xf32, #tpu.memory_space<vmem>>, vector<1x256x1024xf32>
      %get3A_169 = vector.shape_cast %get3A_168 : vector<1x256x1024xf32> to vector<256x1024xf32>
      %dot_general3A_170 = arith.constant dense<0.000000e+00> : vector<32x1024xf32>
      %dot_general3A_171 = tpu.matmul %mul3A_164, %get3A_169, %dot_general3A_170 {dimension_numbers = #tpu.dot_dimension_numbers<[1], [0], [0], [1], [0, 0, 1, 1], [], []>, transpose_lhs_hint = false} : vector<32x256xf32>, vector<256x1024xf32>, vector<32x1024xf32> -> vector<32x1024xf32>
      %get3A_172 = arith.constant 0 : index
      %get3A_173 = arith.constant 0 : index
      %get3A_174 = vector.load %arg16[%get3A_172, %get3A_173] : memref<32x1024xf32, #tpu.memory_space<vmem>>, vector<32x1024xf32>
      %add3A_175 = arith.addf %get3A_174, %dot_general3A_171 : vector<32x1024xf32>
      %swap3A_176 = arith.constant 0 : index
      %swap3A_177 = arith.constant 0 : index
      %swap3A_178 = vector.load %arg16[%swap3A_176, %swap3A_177] : memref<32x1024xf32, #tpu.memory_space<vmem>>, vector<32x1024xf32>
      tpu.vector_store %arg16[%swap3A_176, %swap3A_177], %add3A_175 {strides = array<i32>} : memref<32x1024xf32, #tpu.memory_space<vmem>>, vector<32x1024xf32>,
    } else {
    }
    %eq3A_54 = arith.constant 10 : i32
    %eq3A_55 = arith.cmpi eq, %arg0, %eq3A_54 : i32
    %convert_element_type3A_56 = arith.extui %eq3A_55 : i1 to i32
    %cond3A_57 = arith.constant 0 : i32
    %cond3A_58 = arith.cmpi ne, %convert_element_type3A_56, %cond3A_57 : i32
    scf.if %cond3A_58 {
      %dma_start3A = arith.constant 0 : i32
      %dma_start3A_131 = arith.constant 0 : i32
      %dma_start3A_132 = tpu.memref_slice %arg19[%dma_start3A_131] : memref<2x!tpu.dma_semaphore, #tpu.memory_space<semaphore_mem>> -> memref<1x!tpu.dma_semaphore, #tpu.memory_space<semaphore_mem>>
      %dma_start3A_133 = tpu.memref_squeeze %dma_start3A_132 : memref<1x!tpu.dma_semaphore, #tpu.memory_space<semaphore_mem>> -> memref<!tpu.dma_semaphore, #tpu.memory_space<semaphore_mem>>
      %dma_start3A_134 = arith.constant 0 : i32
      %dma_start3A_135 = arith.constant 0 : i32
      %dma_start3A_136 = tpu.memref_slice %arg13[%dma_start3A, %dma_start3A_134, %dma_start3A_135] : memref<2x256x1024xf32, #tpu.memory_space<vmem>> -> memref<1x256x1024xf32, #tpu.memory_space<vmem>>
      %dma_start3A_137 = tpu.memref_squeeze %dma_start3A_136 : memref<1x256x1024xf32, #tpu.memory_space<vmem>> -> memref<256x1024xf32, #tpu.memory_space<vmem>>
      %dma_start3A_138 = arith.constant 1536 : i32
      %dma_start3A_139 = arith.constant 0 : i32
      %dma_start3A_140 = tpu.memref_slice %arg6[%dma_start3A_138, %dma_start3A_139] : memref<2816x1024xf32, #tpu.memory_space<any>> -> memref<256x1024xf32, #tpu.memory_space<any>>
      tpu.enqueue_dma source(%dma_start3A_140 : memref<256x1024xf32, #tpu.memory_space<any>>) target(%dma_start3A_137 : memref<256x1024xf32, #tpu.memory_space<vmem>>) target_semaphore(%dma_start3A_133 : memref<!tpu.dma_semaphore, #tpu.memory_space<semaphore_mem>>)
      %dma_wait3A = arith.constant 1 : i32
      %dma_wait3A_141 = arith.constant 1 : i32
      %dma_wait3A_142 = tpu.memref_slice %arg19[%dma_wait3A_141] : memref<2x!tpu.dma_semaphore, #tpu.memory_space<semaphore_mem>> -> memref<1x!tpu.dma_semaphore, #tpu.memory_space<semaphore_mem>>
      %dma_wait3A_143 = tpu.memref_squeeze %dma_wait3A_142 : memref<1x!tpu.dma_semaphore, #tpu.memory_space<semaphore_mem>> -> memref<!tpu.dma_semaphore, #tpu.memory_space<semaphore_mem>>
      %dma_wait3A_144 = arith.constant 0 : i32
      %dma_wait3A_145 = arith.constant 0 : i32
      %dma_wait3A_146 = tpu.memref_slice %arg13[%dma_wait3A, %dma_wait3A_144, %dma_wait3A_145] : memref<2x256x1024xf32, #tpu.memory_space<vmem>> -> memref<1x256x1024xf32, #tpu.memory_space<vmem>>
      %dma_wait3A_147 = tpu.memref_squeeze %dma_wait3A_146 : memref<1x256x1024xf32, #tpu.memory_space<vmem>> -> memref<256x1024xf32, #tpu.memory_space<vmem>>
      %dma_wait3A_148 = arith.constant 1280 : i32
      %dma_wait3A_149 = arith.constant 0 : i32
      %dma_wait3A_150 = tpu.memref_slice %arg6[%dma_wait3A_148, %dma_wait3A_149] : memref<2816x1024xf32, #tpu.memory_space<any>> -> memref<256x1024xf32, #tpu.memory_space<any>>
      tpu.wait_dma2 semaphore(%dma_wait3A_143 : memref<!tpu.dma_semaphore, #tpu.memory_space<semaphore_mem>>) src(%dma_wait3A_150 : memref<256x1024xf32, #tpu.memory_space<any>>) dst(%dma_wait3A_147 : memref<256x1024xf32, #tpu.memory_space<vmem>>)
      %get3A_151 = arith.constant 0 : index
      %get3A_152 = arith.constant 1280 : index
      %get3A_153 = vector.load %arg14[%get3A_151, %get3A_152] : memref<32x2816xf32, #tpu.memory_space<vmem>>, vector<32x256xf32>
      %get3A_154 = arith.constant 0 : index
      %get3A_155 = arith.constant 1280 : index
      %get3A_156 = vector.load %arg15[%get3A_154, %get3A_155] : memref<32x2816xf32, #tpu.memory_space<vmem>>, vector<32x256xf32>
      %logistic3A_157 = arith.negf %get3A_153 : vector<32x256xf32>
      %logistic3A_158 = math.exp %logistic3A_157 : vector<32x256xf32>
      %logistic3A_159 = arith.constant 1.000000e+00 : f32
      %logistic3A_160 = vector.broadcast %logistic3A_159 : f32 to vector<32x256xf32>
      %logistic3A_161 = arith.addf %logistic3A_160, %logistic3A_158 : vector<32x256xf32>
      %logistic3A_162 = arith.divf %logistic3A_160, %logistic3A_161 : vector<32x256xf32>
      %mul3A_163 = arith.mulf %get3A_153, %logistic3A_162 : vector<32x256xf32>
      %mul3A_164 = arith.mulf %mul3A_163, %get3A_156 : vector<32x256xf32>
      %get3A_165 = arith.constant 1 : index
      %get3A_166 = arith.constant 0 : index
      %get3A_167 = arith.constant 0 : index
      %get3A_168 = vector.load %arg13[%get3A_165, %get3A_166, %get3A_167] : memref<2x256x1024xf32, #tpu.memory_space<vmem>>, vector<1x256x1024xf32>
      %get3A_169 = vector.shape_cast %get3A_168 : vector<1x256x1024xf32> to vector<256x1024xf32>
      %dot_general3A_170 = arith.constant dense<0.000000e+00> : vector<32x1024xf32>
      %dot_general3A_171 = tpu.matmul %mul3A_164, %get3A_169, %dot_general3A_170 {dimension_numbers = #tpu.dot_dimension_numbers<[1], [0], [0], [1], [0, 0, 1, 1], [], []>, transpose_lhs_hint = false} : vector<32x256xf32>, vector<256x1024xf32>, vector<32x1024xf32> -> vector<32x1024xf32>
      %get3A_172 = arith.constant 0 : index
      %get3A_173 = arith.constant 0 : index
      %get3A_174 = vector.load %arg16[%get3A_172, %get3A_173] : memref<32x1024xf32, #tpu.memory_space<vmem>>, vector<32x1024xf32>
      %add3A_175 = arith.addf %get3A_174, %dot_general3A_171 : vector<32x1024xf32>
      %swap3A_176 = arith.constant 0 : index
      %swap3A_177 = arith.constant 0 : index
      %swap3A_178 = vector.load %arg16[%swap3A_176, %swap3A_177] : memref<32x1024xf32, #tpu.memory_space<vmem>>, vector<32x1024xf32>
      tpu.vector_store %arg16[%swap3A_176, %swap3A_177], %add3A_175 {strides = array<i32>} : memref<32x1024xf32, #tpu.memory_space<vmem>>, vector<32x1024xf32>,
    } else {
    }
    %eq3A_59 = arith.constant 11 : i32
    %eq3A_60 = arith.cmpi eq, %arg0, %eq3A_59 : i32
    %convert_element_type3A_61 = arith.extui %eq3A_60 : i1 to i32
    %cond3A_62 = arith.constant 0 : i32
    %cond3A_63 = arith.cmpi ne, %convert_element_type3A_61, %cond3A_62 : i32
    scf.if %cond3A_63 {
      %dma_start3A = arith.constant 1 : i32
      %dma_start3A_131 = arith.constant 1 : i32
      %dma_start3A_132 = tpu.memref_slice %arg19[%dma_start3A_131] : memref<2x!tpu.dma_semaphore, #tpu.memory_space<semaphore_mem>> -> memref<1x!tpu.dma_semaphore, #tpu.memory_space<semaphore_mem>>
      %dma_start3A_133 = tpu.memref_squeeze %dma_start3A_132 : memref<1x!tpu.dma_semaphore, #tpu.memory_space<semaphore_mem>> -> memref<!tpu.dma_semaphore, #tpu.memory_space<semaphore_mem>>
      %dma_start3A_134 = arith.constant 0 : i32
      %dma_start3A_135 = arith.constant 0 : i32
      %dma_start3A_136 = tpu.memref_slice %arg13[%dma_start3A, %dma_start3A_134, %dma_start3A_135] : memref<2x256x1024xf32, #tpu.memory_space<vmem>> -> memref<1x256x1024xf32, #tpu.memory_space<vmem>>
      %dma_start3A_137 = tpu.memref_squeeze %dma_start3A_136 : memref<1x256x1024xf32, #tpu.memory_space<vmem>> -> memref<256x1024xf32, #tpu.memory_space<vmem>>
      %dma_start3A_138 = arith.constant 1792 : i32
      %dma_start3A_139 = arith.constant 0 : i32
      %dma_start3A_140 = tpu.memref_slice %arg6[%dma_start3A_138, %dma_start3A_139] : memref<2816x1024xf32, #tpu.memory_space<any>> -> memref<256x1024xf32, #tpu.memory_space<any>>
      tpu.enqueue_dma source(%dma_start3A_140 : memref<256x1024xf32, #tpu.memory_space<any>>) target(%dma_start3A_137 : memref<256x1024xf32, #tpu.memory_space<vmem>>) target_semaphore(%dma_start3A_133 : memref<!tpu.dma_semaphore, #tpu.memory_space<semaphore_mem>>)
      %dma_wait3A = arith.constant 0 : i32
      %dma_wait3A_141 = arith.constant 0 : i32
      %dma_wait3A_142 = tpu.memref_slice %arg19[%dma_wait3A_141] : memref<2x!tpu.dma_semaphore, #tpu.memory_space<semaphore_mem>> -> memref<1x!tpu.dma_semaphore, #tpu.memory_space<semaphore_mem>>
      %dma_wait3A_143 = tpu.memref_squeeze %dma_wait3A_142 : memref<1x!tpu.dma_semaphore, #tpu.memory_space<semaphore_mem>> -> memref<!tpu.dma_semaphore, #tpu.memory_space<semaphore_mem>>
      %dma_wait3A_144 = arith.constant 0 : i32
      %dma_wait3A_145 = arith.constant 0 : i32
      %dma_wait3A_146 = tpu.memref_slice %arg13[%dma_wait3A, %dma_wait3A_144, %dma_wait3A_145] : memref<2x256x1024xf32, #tpu.memory_space<vmem>> -> memref<1x256x1024xf32, #tpu.memory_space<vmem>>
      %dma_wait3A_147 = tpu.memref_squeeze %dma_wait3A_146 : memref<1x256x1024xf32, #tpu.memory_space<vmem>> -> memref<256x1024xf32, #tpu.memory_space<vmem>>
      %dma_wait3A_148 = arith.constant 1536 : i32
      %dma_wait3A_149 = arith.constant 0 : i32
      %dma_wait3A_150 = tpu.memref_slice %arg6[%dma_wait3A_148, %dma_wait3A_149] : memref<2816x1024xf32, #tpu.memory_space<any>> -> memref<256x1024xf32, #tpu.memory_space<any>>
      tpu.wait_dma2 semaphore(%dma_wait3A_143 : memref<!tpu.dma_semaphore, #tpu.memory_space<semaphore_mem>>) src(%dma_wait3A_150 : memref<256x1024xf32, #tpu.memory_space<any>>) dst(%dma_wait3A_147 : memref<256x1024xf32, #tpu.memory_space<vmem>>)
      %get3A_151 = arith.constant 0 : index
      %get3A_152 = arith.constant 1536 : index
      %get3A_153 = vector.load %arg14[%get3A_151, %get3A_152] : memref<32x2816xf32, #tpu.memory_space<vmem>>, vector<32x256xf32>
      %get3A_154 = arith.constant 0 : index
      %get3A_155 = arith.constant 1536 : index
      %get3A_156 = vector.load %arg15[%get3A_154, %get3A_155] : memref<32x2816xf32, #tpu.memory_space<vmem>>, vector<32x256xf32>
      %logistic3A_157 = arith.negf %get3A_153 : vector<32x256xf32>
      %logistic3A_158 = math.exp %logistic3A_157 : vector<32x256xf32>
      %logistic3A_159 = arith.constant 1.000000e+00 : f32
      %logistic3A_160 = vector.broadcast %logistic3A_159 : f32 to vector<32x256xf32>
      %logistic3A_161 = arith.addf %logistic3A_160, %logistic3A_158 : vector<32x256xf32>
      %logistic3A_162 = arith.divf %logistic3A_160, %logistic3A_161 : vector<32x256xf32>
      %mul3A_163 = arith.mulf %get3A_153, %logistic3A_162 : vector<32x256xf32>
      %mul3A_164 = arith.mulf %mul3A_163, %get3A_156 : vector<32x256xf32>
      %get3A_165 = arith.constant 0 : index
      %get3A_166 = arith.constant 0 : index
      %get3A_167 = arith.constant 0 : index
      %get3A_168 = vector.load %arg13[%get3A_165, %get3A_166, %get3A_167] : memref<2x256x1024xf32, #tpu.memory_space<vmem>>, vector<1x256x1024xf32>
      %get3A_169 = vector.shape_cast %get3A_168 : vector<1x256x1024xf32> to vector<256x1024xf32>
      %dot_general3A_170 = arith.constant dense<0.000000e+00> : vector<32x1024xf32>
      %dot_general3A_171 = tpu.matmul %mul3A_164, %get3A_169, %dot_general3A_170 {dimension_numbers = #tpu.dot_dimension_numbers<[1], [0], [0], [1], [0, 0, 1, 1], [], []>, transpose_lhs_hint = false} : vector<32x256xf32>, vector<256x1024xf32>, vector<32x1024xf32> -> vector<32x1024xf32>
      %get3A_172 = arith.constant 0 : index
      %get3A_173 = arith.constant 0 : index
      %get3A_174 = vector.load %arg16[%get3A_172, %get3A_173] : memref<32x1024xf32, #tpu.memory_space<vmem>>, vector<32x1024xf32>
      %add3A_175 = arith.addf %get3A_174, %dot_general3A_171 : vector<32x1024xf32>
      %swap3A_176 = arith.constant 0 : index
      %swap3A_177 = arith.constant 0 : index
      %swap3A_178 = vector.load %arg16[%swap3A_176, %swap3A_177] : memref<32x1024xf32, #tpu.memory_space<vmem>>, vector<32x1024xf32>
      tpu.vector_store %arg16[%swap3A_176, %swap3A_177], %add3A_175 {strides = array<i32>} : memref<32x1024xf32, #tpu.memory_space<vmem>>, vector<32x1024xf32>,
    } else {
    }
    %eq3A_64 = arith.constant 12 : i32
    %eq3A_65 = arith.cmpi eq, %arg0, %eq3A_64 : i32
    %convert_element_type3A_66 = arith.extui %eq3A_65 : i1 to i32
    %cond3A_67 = arith.constant 0 : i32
    %cond3A_68 = arith.cmpi ne, %convert_element_type3A_66, %cond3A_67 : i32
    scf.if %cond3A_68 {
      %dma_start3A = arith.constant 0 : i32
      %dma_start3A_131 = arith.constant 0 : i32
      %dma_start3A_132 = tpu.memref_slice %arg19[%dma_start3A_131] : memref<2x!tpu.dma_semaphore, #tpu.memory_space<semaphore_mem>> -> memref<1x!tpu.dma_semaphore, #tpu.memory_space<semaphore_mem>>
      %dma_start3A_133 = tpu.memref_squeeze %dma_start3A_132 : memref<1x!tpu.dma_semaphore, #tpu.memory_space<semaphore_mem>> -> memref<!tpu.dma_semaphore, #tpu.memory_space<semaphore_mem>>
      %dma_start3A_134 = arith.constant 0 : i32
      %dma_start3A_135 = arith.constant 0 : i32
      %dma_start3A_136 = tpu.memref_slice %arg13[%dma_start3A, %dma_start3A_134, %dma_start3A_135] : memref<2x256x1024xf32, #tpu.memory_space<vmem>> -> memref<1x256x1024xf32, #tpu.memory_space<vmem>>
      %dma_start3A_137 = tpu.memref_squeeze %dma_start3A_136 : memref<1x256x1024xf32, #tpu.memory_space<vmem>> -> memref<256x1024xf32, #tpu.memory_space<vmem>>
      %dma_start3A_138 = arith.constant 2048 : i32
      %dma_start3A_139 = arith.constant 0 : i32
      %dma_start3A_140 = tpu.memref_slice %arg6[%dma_start3A_138, %dma_start3A_139] : memref<2816x1024xf32, #tpu.memory_space<any>> -> memref<256x1024xf32, #tpu.memory_space<any>>
      tpu.enqueue_dma source(%dma_start3A_140 : memref<256x1024xf32, #tpu.memory_space<any>>) target(%dma_start3A_137 : memref<256x1024xf32, #tpu.memory_space<vmem>>) target_semaphore(%dma_start3A_133 : memref<!tpu.dma_semaphore, #tpu.memory_space<semaphore_mem>>)
      %dma_wait3A = arith.constant 1 : i32
      %dma_wait3A_141 = arith.constant 1 : i32
      %dma_wait3A_142 = tpu.memref_slice %arg19[%dma_wait3A_141] : memref<2x!tpu.dma_semaphore, #tpu.memory_space<semaphore_mem>> -> memref<1x!tpu.dma_semaphore, #tpu.memory_space<semaphore_mem>>
      %dma_wait3A_143 = tpu.memref_squeeze %dma_wait3A_142 : memref<1x!tpu.dma_semaphore, #tpu.memory_space<semaphore_mem>> -> memref<!tpu.dma_semaphore, #tpu.memory_space<semaphore_mem>>
      %dma_wait3A_144 = arith.constant 0 : i32
      %dma_wait3A_145 = arith.constant 0 : i32
      %dma_wait3A_146 = tpu.memref_slice %arg13[%dma_wait3A, %dma_wait3A_144, %dma_wait3A_145] : memref<2x256x1024xf32, #tpu.memory_space<vmem>> -> memref<1x256x1024xf32, #tpu.memory_space<vmem>>
      %dma_wait3A_147 = tpu.memref_squeeze %dma_wait3A_146 : memref<1x256x1024xf32, #tpu.memory_space<vmem>> -> memref<256x1024xf32, #tpu.memory_space<vmem>>
      %dma_wait3A_148 = arith.constant 1792 : i32
      %dma_wait3A_149 = arith.constant 0 : i32
      %dma_wait3A_150 = tpu.memref_slice %arg6[%dma_wait3A_148, %dma_wait3A_149] : memref<2816x1024xf32, #tpu.memory_space<any>> -> memref<256x1024xf32, #tpu.memory_space<any>>
      tpu.wait_dma2 semaphore(%dma_wait3A_143 : memref<!tpu.dma_semaphore, #tpu.memory_space<semaphore_mem>>) src(%dma_wait3A_150 : memref<256x1024xf32, #tpu.memory_space<any>>) dst(%dma_wait3A_147 : memref<256x1024xf32, #tpu.memory_space<vmem>>)
      %get3A_151 = arith.constant 0 : index
      %get3A_152 = arith.constant 1792 : index
      %get3A_153 = vector.load %arg14[%get3A_151, %get3A_152] : memref<32x2816xf32, #tpu.memory_space<vmem>>, vector<32x256xf32>
      %get3A_154 = arith.constant 0 : index
      %get3A_155 = arith.constant 1792 : index
      %get3A_156 = vector.load %arg15[%get3A_154, %get3A_155] : memref<32x2816xf32, #tpu.memory_space<vmem>>, vector<32x256xf32>
      %logistic3A_157 = arith.negf %get3A_153 : vector<32x256xf32>
      %logistic3A_158 = math.exp %logistic3A_157 : vector<32x256xf32>
      %logistic3A_159 = arith.constant 1.000000e+00 : f32
      %logistic3A_160 = vector.broadcast %logistic3A_159 : f32 to vector<32x256xf32>
      %logistic3A_161 = arith.addf %logistic3A_160, %logistic3A_158 : vector<32x256xf32>
      %logistic3A_162 = arith.divf %logistic3A_160, %logistic3A_161 : vector<32x256xf32>
      %mul3A_163 = arith.mulf %get3A_153, %logistic3A_162 : vector<32x256xf32>
      %mul3A_164 = arith.mulf %mul3A_163, %get3A_156 : vector<32x256xf32>
      %get3A_165 = arith.constant 1 : index
      %get3A_166 = arith.constant 0 : index
      %get3A_167 = arith.constant 0 : index
      %get3A_168 = vector.load %arg13[%get3A_165, %get3A_166, %get3A_167] : memref<2x256x1024xf32, #tpu.memory_space<vmem>>, vector<1x256x1024xf32>
      %get3A_169 = vector.shape_cast %get3A_168 : vector<1x256x1024xf32> to vector<256x1024xf32>
      %dot_general3A_170 = arith.constant dense<0.000000e+00> : vector<32x1024xf32>
      %dot_general3A_171 = tpu.matmul %mul3A_164, %get3A_169, %dot_general3A_170 {dimension_numbers = #tpu.dot_dimension_numbers<[1], [0], [0], [1], [0, 0, 1, 1], [], []>, transpose_lhs_hint = false} : vector<32x256xf32>, vector<256x1024xf32>, vector<32x1024xf32> -> vector<32x1024xf32>
      %get3A_172 = arith.constant 0 : index
      %get3A_173 = arith.constant 0 : index
      %get3A_174 = vector.load %arg16[%get3A_172, %get3A_173] : memref<32x1024xf32, #tpu.memory_space<vmem>>, vector<32x1024xf32>
      %add3A_175 = arith.addf %get3A_174, %dot_general3A_171 : vector<32x1024xf32>
      %swap3A_176 = arith.constant 0 : index
      %swap3A_177 = arith.constant 0 : index
      %swap3A_178 = vector.load %arg16[%swap3A_176, %swap3A_177] : memref<32x1024xf32, #tpu.memory_space<vmem>>, vector<32x1024xf32>
      tpu.vector_store %arg16[%swap3A_176, %swap3A_177], %add3A_175 {strides = array<i32>} : memref<32x1024xf32, #tpu.memory_space<vmem>>, vector<32x1024xf32>,
    } else {
    }
    %eq3A_69 = arith.constant 13 : i32
    %eq3A_70 = arith.cmpi eq, %arg0, %eq3A_69 : i32
    %convert_element_type3A_71 = arith.extui %eq3A_70 : i1 to i32
    %cond3A_72 = arith.constant 0 : i32
    %cond3A_73 = arith.cmpi ne, %convert_element_type3A_71, %cond3A_72 : i32
    scf.if %cond3A_73 {
      %dma_start3A = arith.constant 1 : i32
      %dma_start3A_131 = arith.constant 1 : i32
      %dma_start3A_132 = tpu.memref_slice %arg19[%dma_start3A_131] : memref<2x!tpu.dma_semaphore, #tpu.memory_space<semaphore_mem>> -> memref<1x!tpu.dma_semaphore, #tpu.memory_space<semaphore_mem>>
      %dma_start3A_133 = tpu.memref_squeeze %dma_start3A_132 : memref<1x!tpu.dma_semaphore, #tpu.memory_space<semaphore_mem>> -> memref<!tpu.dma_semaphore, #tpu.memory_space<semaphore_mem>>
      %dma_start3A_134 = arith.constant 0 : i32
      %dma_start3A_135 = arith.constant 0 : i32
      %dma_start3A_136 = tpu.memref_slice %arg13[%dma_start3A, %dma_start3A_134, %dma_start3A_135] : memref<2x256x1024xf32, #tpu.memory_space<vmem>> -> memref<1x256x1024xf32, #tpu.memory_space<vmem>>
      %dma_start3A_137 = tpu.memref_squeeze %dma_start3A_136 : memref<1x256x1024xf32, #tpu.memory_space<vmem>> -> memref<256x1024xf32, #tpu.memory_space<vmem>>
      %dma_start3A_138 = arith.constant 2304 : i32
      %dma_start3A_139 = arith.constant 0 : i32
      %dma_start3A_140 = tpu.memref_slice %arg6[%dma_start3A_138, %dma_start3A_139] : memref<2816x1024xf32, #tpu.memory_space<any>> -> memref<256x1024xf32, #tpu.memory_space<any>>
      tpu.enqueue_dma source(%dma_start3A_140 : memref<256x1024xf32, #tpu.memory_space<any>>) target(%dma_start3A_137 : memref<256x1024xf32, #tpu.memory_space<vmem>>) target_semaphore(%dma_start3A_133 : memref<!tpu.dma_semaphore, #tpu.memory_space<semaphore_mem>>)
      %dma_wait3A = arith.constant 0 : i32
      %dma_wait3A_141 = arith.constant 0 : i32
      %dma_wait3A_142 = tpu.memref_slice %arg19[%dma_wait3A_141] : memref<2x!tpu.dma_semaphore, #tpu.memory_space<semaphore_mem>> -> memref<1x!tpu.dma_semaphore, #tpu.memory_space<semaphore_mem>>
      %dma_wait3A_143 = tpu.memref_squeeze %dma_wait3A_142 : memref<1x!tpu.dma_semaphore, #tpu.memory_space<semaphore_mem>> -> memref<!tpu.dma_semaphore, #tpu.memory_space<semaphore_mem>>
      %dma_wait3A_144 = arith.constant 0 : i32
      %dma_wait3A_145 = arith.constant 0 : i32
      %dma_wait3A_146 = tpu.memref_slice %arg13[%dma_wait3A, %dma_wait3A_144, %dma_wait3A_145] : memref<2x256x1024xf32, #tpu.memory_space<vmem>> -> memref<1x256x1024xf32, #tpu.memory_space<vmem>>
      %dma_wait3A_147 = tpu.memref_squeeze %dma_wait3A_146 : memref<1x256x1024xf32, #tpu.memory_space<vmem>> -> memref<256x1024xf32, #tpu.memory_space<vmem>>
      %dma_wait3A_148 = arith.constant 2048 : i32
      %dma_wait3A_149 = arith.constant 0 : i32
      %dma_wait3A_150 = tpu.memref_slice %arg6[%dma_wait3A_148, %dma_wait3A_149] : memref<2816x1024xf32, #tpu.memory_space<any>> -> memref<256x1024xf32, #tpu.memory_space<any>>
      tpu.wait_dma2 semaphore(%dma_wait3A_143 : memref<!tpu.dma_semaphore, #tpu.memory_space<semaphore_mem>>) src(%dma_wait3A_150 : memref<256x1024xf32, #tpu.memory_space<any>>) dst(%dma_wait3A_147 : memref<256x1024xf32, #tpu.memory_space<vmem>>)
      %get3A_151 = arith.constant 0 : index
      %get3A_152 = arith.constant 2048 : index
      %get3A_153 = vector.load %arg14[%get3A_151, %get3A_152] : memref<32x2816xf32, #tpu.memory_space<vmem>>, vector<32x256xf32>
      %get3A_154 = arith.constant 0 : index
      %get3A_155 = arith.constant 2048 : index
      %get3A_156 = vector.load %arg15[%get3A_154, %get3A_155] : memref<32x2816xf32, #tpu.memory_space<vmem>>, vector<32x256xf32>
      %logistic3A_157 = arith.negf %get3A_153 : vector<32x256xf32>
      %logistic3A_158 = math.exp %logistic3A_157 : vector<32x256xf32>
      %logistic3A_159 = arith.constant 1.000000e+00 : f32
      %logistic3A_160 = vector.broadcast %logistic3A_159 : f32 to vector<32x256xf32>
      %logistic3A_161 = arith.addf %logistic3A_160, %logistic3A_158 : vector<32x256xf32>
      %logistic3A_162 = arith.divf %logistic3A_160, %logistic3A_161 : vector<32x256xf32>
      %mul3A_163 = arith.mulf %get3A_153, %logistic3A_162 : vector<32x256xf32>
      %mul3A_164 = arith.mulf %mul3A_163, %get3A_156 : vector<32x256xf32>
      %get3A_165 = arith.constant 0 : index
      %get3A_166 = arith.constant 0 : index
      %get3A_167 = arith.constant 0 : index
      %get3A_168 = vector.load %arg13[%get3A_165, %get3A_166, %get3A_167] : memref<2x256x1024xf32, #tpu.memory_space<vmem>>, vector<1x256x1024xf32>
      %get3A_169 = vector.shape_cast %get3A_168 : vector<1x256x1024xf32> to vector<256x1024xf32>
      %dot_general3A_170 = arith.constant dense<0.000000e+00> : vector<32x1024xf32>
      %dot_general3A_171 = tpu.matmul %mul3A_164, %get3A_169, %dot_general3A_170 {dimension_numbers = #tpu.dot_dimension_numbers<[1], [0], [0], [1], [0, 0, 1, 1], [], []>, transpose_lhs_hint = false} : vector<32x256xf32>, vector<256x1024xf32>, vector<32x1024xf32> -> vector<32x1024xf32>
      %get3A_172 = arith.constant 0 : index
      %get3A_173 = arith.constant 0 : index
      %get3A_174 = vector.load %arg16[%get3A_172, %get3A_173] : memref<32x1024xf32, #tpu.memory_space<vmem>>, vector<32x1024xf32>
      %add3A_175 = arith.addf %get3A_174, %dot_general3A_171 : vector<32x1024xf32>
      %swap3A_176 = arith.constant 0 : index
      %swap3A_177 = arith.constant 0 : index
      %swap3A_178 = vector.load %arg16[%swap3A_176, %swap3A_177] : memref<32x1024xf32, #tpu.memory_space<vmem>>, vector<32x1024xf32>
      tpu.vector_store %arg16[%swap3A_176, %swap3A_177], %add3A_175 {strides = array<i32>} : memref<32x1024xf32, #tpu.memory_space<vmem>>, vector<32x1024xf32>,
    } else {
    }
    %eq3A_74 = arith.constant 14 : i32
    %eq3A_75 = arith.cmpi eq, %arg0, %eq3A_74 : i32
    %convert_element_type3A_76 = arith.extui %eq3A_75 : i1 to i32
    %cond3A_77 = arith.constant 0 : i32
    %cond3A_78 = arith.cmpi ne, %convert_element_type3A_76, %cond3A_77 : i32
    scf.if %cond3A_78 {
      %dma_start3A = arith.constant 0 : i32
      %dma_start3A_131 = arith.constant 0 : i32
      %dma_start3A_132 = tpu.memref_slice %arg19[%dma_start3A_131] : memref<2x!tpu.dma_semaphore, #tpu.memory_space<semaphore_mem>> -> memref<1x!tpu.dma_semaphore, #tpu.memory_space<semaphore_mem>>
      %dma_start3A_133 = tpu.memref_squeeze %dma_start3A_132 : memref<1x!tpu.dma_semaphore, #tpu.memory_space<semaphore_mem>> -> memref<!tpu.dma_semaphore, #tpu.memory_space<semaphore_mem>>
      %dma_start3A_134 = arith.constant 0 : i32
      %dma_start3A_135 = arith.constant 0 : i32
      %dma_start3A_136 = tpu.memref_slice %arg13[%dma_start3A, %dma_start3A_134, %dma_start3A_135] : memref<2x256x1024xf32, #tpu.memory_space<vmem>> -> memref<1x256x1024xf32, #tpu.memory_space<vmem>>
      %dma_start3A_137 = tpu.memref_squeeze %dma_start3A_136 : memref<1x256x1024xf32, #tpu.memory_space<vmem>> -> memref<256x1024xf32, #tpu.memory_space<vmem>>
      %dma_start3A_138 = arith.constant 2560 : i32
      %dma_start3A_139 = arith.constant 0 : i32
      %dma_start3A_140 = tpu.memref_slice %arg6[%dma_start3A_138, %dma_start3A_139] : memref<2816x1024xf32, #tpu.memory_space<any>> -> memref<256x1024xf32, #tpu.memory_space<any>>
      tpu.enqueue_dma source(%dma_start3A_140 : memref<256x1024xf32, #tpu.memory_space<any>>) target(%dma_start3A_137 : memref<256x1024xf32, #tpu.memory_space<vmem>>) target_semaphore(%dma_start3A_133 : memref<!tpu.dma_semaphore, #tpu.memory_space<semaphore_mem>>)
      %dma_wait3A = arith.constant 1 : i32
      %dma_wait3A_141 = arith.constant 1 : i32
      %dma_wait3A_142 = tpu.memref_slice %arg19[%dma_wait3A_141] : memref<2x!tpu.dma_semaphore, #tpu.memory_space<semaphore_mem>> -> memref<1x!tpu.dma_semaphore, #tpu.memory_space<semaphore_mem>>
      %dma_wait3A_143 = tpu.memref_squeeze %dma_wait3A_142 : memref<1x!tpu.dma_semaphore, #tpu.memory_space<semaphore_mem>> -> memref<!tpu.dma_semaphore, #tpu.memory_space<semaphore_mem>>
      %dma_wait3A_144 = arith.constant 0 : i32
      %dma_wait3A_145 = arith.constant 0 : i32
      %dma_wait3A_146 = tpu.memref_slice %arg13[%dma_wait3A, %dma_wait3A_144, %dma_wait3A_145] : memref<2x256x1024xf32, #tpu.memory_space<vmem>> -> memref<1x256x1024xf32, #tpu.memory_space<vmem>>
      %dma_wait3A_147 = tpu.memref_squeeze %dma_wait3A_146 : memref<1x256x1024xf32, #tpu.memory_space<vmem>> -> memref<256x1024xf32, #tpu.memory_space<vmem>>
      %dma_wait3A_148 = arith.constant 2304 : i32
      %dma_wait3A_149 = arith.constant 0 : i32
      %dma_wait3A_150 = tpu.memref_slice %arg6[%dma_wait3A_148, %dma_wait3A_149] : memref<2816x1024xf32, #tpu.memory_space<any>> -> memref<256x1024xf32, #tpu.memory_space<any>>
      tpu.wait_dma2 semaphore(%dma_wait3A_143 : memref<!tpu.dma_semaphore, #tpu.memory_space<semaphore_mem>>) src(%dma_wait3A_150 : memref<256x1024xf32, #tpu.memory_space<any>>) dst(%dma_wait3A_147 : memref<256x1024xf32, #tpu.memory_space<vmem>>)
      %get3A_151 = arith.constant 0 : index
      %get3A_152 = arith.constant 2304 : index
      %get3A_153 = vector.load %arg14[%get3A_151, %get3A_152] : memref<32x2816xf32, #tpu.memory_space<vmem>>, vector<32x256xf32>
      %get3A_154 = arith.constant 0 : index
      %get3A_155 = arith.constant 2304 : index
      %get3A_156 = vector.load %arg15[%get3A_154, %get3A_155] : memref<32x2816xf32, #tpu.memory_space<vmem>>, vector<32x256xf32>
      %logistic3A_157 = arith.negf %get3A_153 : vector<32x256xf32>
      %logistic3A_158 = math.exp %logistic3A_157 : vector<32x256xf32>
      %logistic3A_159 = arith.constant 1.000000e+00 : f32
      %logistic3A_160 = vector.broadcast %logistic3A_159 : f32 to vector<32x256xf32>
      %logistic3A_161 = arith.addf %logistic3A_160, %logistic3A_158 : vector<32x256xf32>
      %logistic3A_162 = arith.divf %logistic3A_160, %logistic3A_161 : vector<32x256xf32>
      %mul3A_163 = arith.mulf %get3A_153, %logistic3A_162 : vector<32x256xf32>
      %mul3A_164 = arith.mulf %mul3A_163, %get3A_156 : vector<32x256xf32>
      %get3A_165 = arith.constant 1 : index
      %get3A_166 = arith.constant 0 : index
      %get3A_167 = arith.constant 0 : index
      %get3A_168 = vector.load %arg13[%get3A_165, %get3A_166, %get3A_167] : memref<2x256x1024xf32, #tpu.memory_space<vmem>>, vector<1x256x1024xf32>
      %get3A_169 = vector.shape_cast %get3A_168 : vector<1x256x1024xf32> to vector<256x1024xf32>
      %dot_general3A_170 = arith.constant dense<0.000000e+00> : vector<32x1024xf32>
      %dot_general3A_171 = tpu.matmul %mul3A_164, %get3A_169, %dot_general3A_170 {dimension_numbers = #tpu.dot_dimension_numbers<[1], [0], [0], [1], [0, 0, 1, 1], [], []>, transpose_lhs_hint = false} : vector<32x256xf32>, vector<256x1024xf32>, vector<32x1024xf32> -> vector<32x1024xf32>
      %get3A_172 = arith.constant 0 : index
      %get3A_173 = arith.constant 0 : index
      %get3A_174 = vector.load %arg16[%get3A_172, %get3A_173] : memref<32x1024xf32, #tpu.memory_space<vmem>>, vector<32x1024xf32>
      %add3A_175 = arith.addf %get3A_174, %dot_general3A_171 : vector<32x1024xf32>
      %swap3A_176 = arith.constant 0 : index
      %swap3A_177 = arith.constant 0 : index
      %swap3A_178 = vector.load %arg16[%swap3A_176, %swap3A_177] : memref<32x1024xf32, #tpu.memory_space<vmem>>, vector<32x1024xf32>
      tpu.vector_store %arg16[%swap3A_176, %swap3A_177], %add3A_175 {strides = array<i32>} : memref<32x1024xf32, #tpu.memory_space<vmem>>, vector<32x1024xf32>,
    } else {
    }
    %eq3A_79 = arith.constant 15 : i32
    %eq3A_80 = arith.cmpi eq, %arg0, %eq3A_79 : i32
    %convert_element_type3A_81 = arith.extui %eq3A_80 : i1 to i32
    %cond3A_82 = arith.constant 0 : i32
    %cond3A_83 = arith.cmpi ne, %convert_element_type3A_81, %cond3A_82 : i32
    scf.if %cond3A_83 {
      %dma_wait3A = arith.constant 0 : i32
      %dma_wait3A_131 = arith.constant 0 : i32
      %dma_wait3A_132 = tpu.memref_slice %arg19[%dma_wait3A_131] : memref<2x!tpu.dma_semaphore, #tpu.memory_space<semaphore_mem>> -> memref<1x!tpu.dma_semaphore, #tpu.memory_space<semaphore_mem>>
      %dma_wait3A_133 = tpu.memref_squeeze %dma_wait3A_132 : memref<1x!tpu.dma_semaphore, #tpu.memory_space<semaphore_mem>> -> memref<!tpu.dma_semaphore, #tpu.memory_space<semaphore_mem>>
      %dma_wait3A_134 = arith.constant 0 : i32
      %dma_wait3A_135 = arith.constant 0 : i32
      %dma_wait3A_136 = tpu.memref_slice %arg13[%dma_wait3A, %dma_wait3A_134, %dma_wait3A_135] : memref<2x256x1024xf32, #tpu.memory_space<vmem>> -> memref<1x256x1024xf32, #tpu.memory_space<vmem>>
      %dma_wait3A_137 = tpu.memref_squeeze %dma_wait3A_136 : memref<1x256x1024xf32, #tpu.memory_space<vmem>> -> memref<256x1024xf32, #tpu.memory_space<vmem>>
      %dma_wait3A_138 = arith.constant 2560 : i32
      %dma_wait3A_139 = arith.constant 0 : i32
      %dma_wait3A_140 = tpu.memref_slice %arg6[%dma_wait3A_138, %dma_wait3A_139] : memref<2816x1024xf32, #tpu.memory_space<any>> -> memref<256x1024xf32, #tpu.memory_space<any>>
      tpu.wait_dma2 semaphore(%dma_wait3A_133 : memref<!tpu.dma_semaphore, #tpu.memory_space<semaphore_mem>>) src(%dma_wait3A_140 : memref<256x1024xf32, #tpu.memory_space<any>>) dst(%dma_wait3A_137 : memref<256x1024xf32, #tpu.memory_space<vmem>>)
      %get3A_141 = arith.constant 0 : index
      %get3A_142 = arith.constant 2560 : index
      %get3A_143 = vector.load %arg14[%get3A_141, %get3A_142] : memref<32x2816xf32, #tpu.memory_space<vmem>>, vector<32x256xf32>
      %get3A_144 = arith.constant 0 : index
      %get3A_145 = arith.constant 2560 : index
      %get3A_146 = vector.load %arg15[%get3A_144, %get3A_145] : memref<32x2816xf32, #tpu.memory_space<vmem>>, vector<32x256xf32>
      %logistic3A_147 = arith.negf %get3A_143 : vector<32x256xf32>
      %logistic3A_148 = math.exp %logistic3A_147 : vector<32x256xf32>
      %logistic3A_149 = arith.constant 1.000000e+00 : f32
      %logistic3A_150 = vector.broadcast %logistic3A_149 : f32 to vector<32x256xf32>
      %logistic3A_151 = arith.addf %logistic3A_150, %logistic3A_148 : vector<32x256xf32>
      %logistic3A_152 = arith.divf %logistic3A_150, %logistic3A_151 : vector<32x256xf32>
      %mul3A_153 = arith.mulf %get3A_143, %logistic3A_152 : vector<32x256xf32>
      %mul3A_154 = arith.mulf %mul3A_153, %get3A_146 : vector<32x256xf32>
      %get3A_155 = arith.constant 0 : index
      %get3A_156 = arith.constant 0 : index
      %get3A_157 = arith.constant 0 : index
      %get3A_158 = vector.load %arg13[%get3A_155, %get3A_156, %get3A_157] : memref<2x256x1024xf32, #tpu.memory_space<vmem>>, vector<1x256x1024xf32>
      %get3A_159 = vector.shape_cast %get3A_158 : vector<1x256x1024xf32> to vector<256x1024xf32>
      %dot_general3A_160 = arith.constant dense<0.000000e+00> : vector<32x1024xf32>
      %dot_general3A_161 = tpu.matmul %mul3A_154, %get3A_159, %dot_general3A_160 {dimension_numbers = #tpu.dot_dimension_numbers<[1], [0], [0], [1], [0, 0, 1, 1], [], []>, transpose_lhs_hint = false} : vector<32x256xf32>, vector<256x1024xf32>, vector<32x1024xf32> -> vector<32x1024xf32>
      %get3A_162 = arith.constant 0 : index
      %get3A_163 = arith.constant 0 : index
      %get3A_164 = vector.load %arg16[%get3A_162, %get3A_163] : memref<32x1024xf32, #tpu.memory_space<vmem>>, vector<32x1024xf32>
      %add3A_165 = arith.addf %get3A_164, %dot_general3A_161 : vector<32x1024xf32>
      %swap3A_166 = arith.constant 0 : index
      %swap3A_167 = arith.constant 0 : index
      %swap3A_168 = vector.load %arg16[%swap3A_166, %swap3A_167] : memref<32x1024xf32, #tpu.memory_space<vmem>>, vector<32x1024xf32>
      tpu.vector_store %arg16[%swap3A_166, %swap3A_167], %add3A_165 {strides = array<i32>} : memref<32x1024xf32, #tpu.memory_space<vmem>>, vector<32x1024xf32>,
    } else {
    }
    %eq3A_84 = arith.constant 17 : i32
    %eq3A_85 = arith.cmpi eq, %arg0, %eq3A_84 : i32
    %convert_element_type3A_86 = arith.extui %eq3A_85 : i1 to i32
    %cond3A_87 = arith.constant 0 : i32
    %cond3A_88 = arith.cmpi ne, %convert_element_type3A_86, %cond3A_87 : i32
    scf.if %cond3A_88 {
      %get3A_131 = arith.constant 0 : index
      %get3A_132 = arith.constant 0 : index
      %get3A_133 = vector.load %arg3[%get3A_131, %get3A_132] : memref<1024x1xf32, #tpu.memory_space<vmem>>, vector<1024x1xf32>
      %dot_general3A_134 = arith.constant dense<0.000000e+00> : vector<32x1xf32>
      %dot_general3A_135 = tpu.matmul %get3A_1, %get3A_133, %dot_general3A_134 {dimension_numbers = #tpu.dot_dimension_numbers<[1], [0], [0], [1], [0, 0, 1, 1], [], []>, transpose_lhs_hint = false} : vector<32x1024xf32>, vector<1024x1xf32>, vector<32x1xf32> -> vector<32x1xf32>
      %logistic3A_136 = arith.negf %dot_general3A_135 : vector<32x1xf32>
      %logistic3A_137 = math.exp %logistic3A_136 : vector<32x1xf32>
      %logistic3A_138 = arith.constant 1.000000e+00 : f32
      %logistic3A_139 = vector.broadcast %logistic3A_138 : f32 to vector<32x1xf32>
      %logistic3A_140 = arith.addf %logistic3A_139, %logistic3A_137 : vector<32x1xf32>
      %logistic3A_141 = arith.divf %logistic3A_139, %logistic3A_140 : vector<32x1xf32>
      %get3A_142 = arith.constant 0 : index
      %get3A_143 = arith.constant 0 : index
      %get3A_144 = vector.load %arg10[%get3A_142, %get3A_143] : memref<32x1024xf32, #tpu.memory_space<vmem>>, vector<32x1024xf32>
      %get3A_145 = arith.constant 0 : index
      %get3A_146 = arith.constant 0 : index
      %get3A_147 = vector.load %arg16[%get3A_145, %get3A_146] : memref<32x1024xf32, #tpu.memory_space<vmem>>, vector<32x1024xf32>
      %mul3A_148 = vector.broadcast %logistic3A_141 : vector<32x1xf32> to vector<32x1024xf32>
      %mul3A_149 = arith.mulf %get3A_147, %mul3A_148 : vector<32x1024xf32>
      %add3A_150 = arith.addf %get3A_144, %mul3A_149 : vector<32x1024xf32>
      %swap3A_151 = arith.constant 0 : index
      %swap3A_152 = arith.constant 0 : index
      %swap3A_153 = vector.load %arg10[%swap3A_151, %swap3A_152] : memref<32x1024xf32, #tpu.memory_space<vmem>>, vector<32x1024xf32>
      tpu.vector_store %arg10[%swap3A_151, %swap3A_152], %add3A_150 {strides = array<i32>} : memref<32x1024xf32, #tpu.memory_space<vmem>>, vector<32x1024xf32>,
    } else {
    }
    %get3A_89 = arith.constant 0 : index
    %get3A_90 = arith.constant 0 : index
    %get3A_91 = arith.constant 0 : index
    %get3A_92 = vector.load %arg7[%get3A_89, %get3A_90, %get3A_91] : memref<1x1024x512xf32, #tpu.memory_space<vmem>>, vector<1x1024x512xf32>
    %get3A_93 = vector.shape_cast %get3A_92 : vector<1x1024x512xf32> to vector<1024x512xf32>
    %dot_general3A = arith.constant dense<0.000000e+00> : vector<32x512xf32>
    %dot_general3A_94 = tpu.matmul %get3A_1, %get3A_93, %dot_general3A {dimension_numbers = #tpu.dot_dimension_numbers<[1], [0], [0], [1], [0, 0, 1, 1], [], []>, transpose_lhs_hint = false} : vector<32x1024xf32>, vector<1024x512xf32>, vector<32x512xf32> -> vector<32x512xf32>
    %get3A_95 = arith.constant 0 : index
    %get3A_96 = arith.constant 0 : index
    %get3A_97 = arith.constant 0 : index
    %get3A_98 = vector.load %arg8[%get3A_95, %get3A_96, %get3A_97] : memref<1x1024x512xf32, #tpu.memory_space<vmem>>, vector<1x1024x512xf32>
    %get3A_99 = vector.shape_cast %get3A_98 : vector<1x1024x512xf32> to vector<1024x512xf32>
    %dot_general3A_100 = arith.constant dense<0.000000e+00> : vector<32x512xf32>
    %dot_general3A_101 = tpu.matmul %get3A_1, %get3A_99, %dot_general3A_100 {dimension_numbers = #tpu.dot_dimension_numbers<[1], [0], [0], [1], [0, 0, 1, 1], [], []>, transpose_lhs_hint = false} : vector<32x1024xf32>, vector<1024x512xf32>, vector<32x512xf32> -> vector<32x512xf32>
    %logistic3A = arith.negf %dot_general3A_94 : vector<32x512xf32>
    %logistic3A_102 = math.exp %logistic3A : vector<32x512xf32>
    %logistic3A_103 = arith.constant 1.000000e+00 : f32
    %logistic3A_104 = vector.broadcast %logistic3A_103 : f32 to vector<32x512xf32>
    %logistic3A_105 = arith.addf %logistic3A_104, %logistic3A_102 : vector<32x512xf32>
    %logistic3A_106 = arith.divf %logistic3A_104, %logistic3A_105 : vector<32x512xf32>
    %mul3A = arith.mulf %dot_general3A_94, %logistic3A_106 : vector<32x512xf32>
    %mul3A_107 = arith.mulf %mul3A, %dot_general3A_101 : vector<32x512xf32>
    %iota3A = tpu.iota {dimensions = array<i32: 0>} : vector<64x1xi32>
    %eq3A_108 = vector.broadcast %arg0 : i32 to vector<64x1xi32>
    %eq3A_109 = arith.cmpi eq, %iota3A, %eq3A_108 : vector<64x1xi32>
    %convert_element_type3A_110 = arith.extui %eq3A_109 : vector<64x1xi1> to vector<64x1xi32>
    %convert_element_type3A_111 = arith.sitofp %convert_element_type3A_110 : vector<64x1xi32> to vector<64x1xf32>
    %get3A_112 = arith.constant 0 : index
    %get3A_113 = arith.constant 0 : index
    %get3A_114 = vector.load %arg2[%get3A_112, %get3A_113] : memref<32x64xf32, #tpu.memory_space<vmem>>, vector<32x64xf32>
    %dot_general3A_115 = arith.constant dense<0.000000e+00> : vector<32x1xf32>
    %dot_general3A_116 = tpu.matmul %get3A_114, %convert_element_type3A_111, %dot_general3A_115 {dimension_numbers = #tpu.dot_dimension_numbers<[1], [0], [0], [1], [0, 0, 1, 1], [], []>, transpose_lhs_hint = false} : vector<32x64xf32>, vector<64x1xf32>, vector<32x1xf32> -> vector<32x1xf32>
    %mul3A_117 = vector.broadcast %dot_general3A_116 : vector<32x1xf32> to vector<32x512xf32>
    %mul3A_118 = arith.mulf %mul3A_107, %mul3A_117 : vector<32x512xf32>
    %get3A_119 = arith.constant 0 : index
    %get3A_120 = arith.constant 0 : index
    %get3A_121 = vector.load %arg10[%get3A_119, %get3A_120] : memref<32x1024xf32, #tpu.memory_space<vmem>>, vector<32x1024xf32>
    %get3A_122 = arith.constant 0 : index
    %get3A_123 = arith.constant 0 : index
    %get3A_124 = arith.constant 0 : index
    %get3A_125 = vector.load %arg9[%get3A_122, %get3A_123, %get3A_124] : memref<1x512x1024xf32, #tpu.memory_space<vmem>>, vector<1x512x1024xf32>
    %get3A_126 = vector.shape_cast %get3A_125 : vector<1x512x1024xf32> to vector<512x1024xf32>
    %dot_general3A_127 = arith.constant dense<0.000000e+00> : vector<32x1024xf32>
    %dot_general3A_128 = tpu.matmul %mul3A_118, %get3A_126, %dot_general3A_127 {dimension_numbers = #tpu.dot_dimension_numbers<[1], [0], [0], [1], [0, 0, 1, 1], [], []>, transpose_lhs_hint = false} : vector<32x512xf32>, vector<512x1024xf32>, vector<32x1024xf32> -> vector<32x1024xf32>
    %add3A = arith.addf %get3A_121, %dot_general3A_128 : vector<32x1024xf32>
    %swap3A = arith.constant 0 : index
    %swap3A_129 = arith.constant 0 : index
    %swap3A_130 = vector.load %arg10[%swap3A, %swap3A_129] : memref<32x1024xf32, #tpu.memory_space<vmem>>, vector<32x1024xf32>
    tpu.vector_store %arg10[%swap3A, %swap3A_129], %add3A {strides = array<i32>} : memref<32x1024xf32, #tpu.memory_space<vmem>>, vector<32x1024xf32>,
    return
  }
  func.func @transform_0(%arg0: i32) -> (i32, i32) {
    %c0_i32 = arith.constant 0 : i32
    %c0_i32_0 = arith.constant 0 : i32
    %c0_i32_1 = arith.constant 0 : i32
    return %c0_i32, %c0_i32_0 : i32, i32
  }
  func.func @transform_1(%arg0: i32) -> (i32, i32) {
    %c0_i32 = arith.constant 0 : i32
    %c0_i32_0 = arith.constant 0 : i32
    %c0_i32_1 = arith.constant 0 : i32
    return %c0_i32, %c0_i32_0 : i32, i32
  }
  func.func @transform_2(%arg0: i32) -> (i32, i32) {
    %c0_i32 = arith.constant 0 : i32
    %c0_i32_0 = arith.constant 0 : i32
    %c0_i32_1 = arith.constant 0 : i32
    return %c0_i32, %c0_i32_0 : i32, i32
  }
  func.func @transform_6(%arg0: i32) -> (i32, i32, i32) {
    %c0_i32 = arith.constant 0 : i32
    %c0_i32_0 = arith.constant 0 : i32
    %c0_i32_1 = arith.constant 0 : i32
    return %arg0, %c0_i32, %c0_i32_0 : i32, i32, i32
  }
  func.func @transform_7(%arg0: i32) -> (i32, i32, i32) {
    %c0_i32 = arith.constant 0 : i32
    %c0_i32_0 = arith.constant 0 : i32
    %c0_i32_1 = arith.constant 0 : i32
    return %arg0, %c0_i32, %c0_i32_0 : i32, i32, i32
  }
  func.func @transform_8(%arg0: i32) -> (i32, i32, i32) {
    %c0_i32 = arith.constant 0 : i32
    %c0_i32_0 = arith.constant 0 : i32
    %c0_i32_1 = arith.constant 0 : i32
    return %arg0, %c0_i32, %c0_i32_0 : i32, i32, i32
  }
  func.func @transform_9(%arg0: i32) -> (i32, i32) {
    %c0_i32 = arith.constant 0 : i32
    %c0_i32_0 = arith.constant 0 : i32
    %c0_i32_1 = arith.constant 0 : i32
    return %c0_i32, %c0_i32_0 : i32, i32
  }
}

</mosaic_0001>

<sc_bundles>
// kernel: kernel.5.cloned.1.call-start
scs
__scs_entry_jumppad:
0x0: {  	(pc) =	sbr.rel $0x88, $3  }
0x1: {  	(tag) =	ssettag $0x0;
	lr =	simm.s32 $0x1  }
0x2: {  	[smem:$0x3F98] =	sst lr;
	_ =	strace $0xD0000000  }
0x3: {  	_ = 	snop  }
0x4: {  	_ = 	snop  }
0x5: {  	_ = 	snop  }
0x6: {  	_ = 	snop  }
0x7: {  	_ = 	snop  }
__scs_overlays_trampoline_lowered:
0x8: {  	[smem:$0x3FA7] =	sst s0  }
0x9: {  	[smem:$0x3FA8] =	sst s1  }
0xa: {  	[smem:$0x3FA9] =	sst s2  }
0xb: {  	[smem:$0x3FAA] =	sst s3  }
0xc: {  	[smem:$0x3FAB] =	sst s4  }
0xd: {  	[smem:$0x3FAC] =	sst s5  }
0xe: {  	[smem:$0x3FAD] =	sst s6  }
0xf: {  	[smem:$0x3FAE] =	sst s7  }
0x10: {  	[smem:$0x3FAF] =	sst s8  }
0x11: {  	[smem:$0x3FB0] =	sst s9;
	s0 =	simm.s32 @!p0 $0x0  }
0x12: {  	s1 =	sld [smem:$0x3F96];
	s0 =	simm.s32 @p0 $0x1  }
0x13: {  	[smem:$0x3FB1] =	sst s0;
	s0 =	simm.s32 @!p1 $0x0  }
0x14: {  	s2 =	sld [smem:$0x3F95];
	s0 =	simm.s32 @p1 $0x1  }
0x15: {  	[smem:$0x3FB2] =	sst s0;
	s0 =	simm.s32 @!p2 $0x0  }
0x16: {  	s3 =	sld [smem:$0x3FDB];
	s0 =	simm.s32 @p2 $0x1  }
0x17: {  	s4 =	simm.s32 $0x1BF5;
	[smem:$0x3FB4] =	sst s0  }
0x18: {  	s0 =	sld [smem:$0x3F97];
	_ =	swait.ge [sflag:s4], $0x0  }
0x19: {  	s7 =	sld [smem:$0x3F98]  }
0x1a: {  	s8 =	sadd.s32 $0xFFFFE003, lr  }
0x1b: {  	s9 =	sadd.s32 $0xFFFFFEF7, lr;
	s5 =	simm.s32 $0xFFFFFFFF;
	p2 =	slt.u32 s8, $0xFFFFF086  }
0x1c: {  	p1 =	slt.u32 s9, $0xF7A;
	s5 =	simm.s32 @!p2 $0x0  }
0x1d: {  	s5 =	simm.s32 @p1 $0x1;
	p0 =	seq.s32 s7, s2  }
0x1e: {  	s7 =	smul.u32 @!p0 $0xF7A, s2;
	p2 =	seq.s32 @!p0 s5, $0x0  }
0x1f: {  	s9 =	smul.u32 $0xF7A, s1;
	s8 =	simm.s32 @!p0 $0x1BF5;
	p2 =	por !p2, p0  }
0x20: {  	[sflag:s8] =	ssyncset.s32 @!p0 $0xFFFFF086;
	s6 =	sadd.s32 @!p0 s3, s7;
	s7 =	simm.s32 @!p0 $0x108  }
0x21: {  	s3 =	sadd.s32 s3, s9;
	s6 =	sadd.s32 @!p0 $0x88, s6;
	s7 =	simm.s32 @p2 $0x1082  }
0x22: {  	[simem:s7], [sflag:s8] =	dma.local @!p0 [hbm:s6], $0xF7A  }
0x23: {  	s9 =	sor.u32 $0xD0000000, s2;
	s6 =	simm.s32 $0x108;
	_ =	swait.ge @!p0 [sflag:s8], $0x0  }
0x24: {  	s3 =	sadd.s32 $0x88, s3;
	s6 =	simm.s32 @!p1 $0x1082;
	[sflag:s4] =	ssyncset.s32 $0xFFFFF086  }
0x25: {  	[simem:s6], [sflag:s4] =	dma.local [hbm:s3], $0xF7A  }
0x26: {  	[smem:$0x3F98] =	sst s1;
	(tag) =	ssettag s2;
	_ =	strace s9  }
0x27: {  	s1 =	sld [smem:$0x3FA8]  }
0x28: {  	s2 =	sld [smem:$0x3FA9]  }
0x29: {  	s4 =	sld [smem:$0x3FAB]  }
0x2a: {  	p0 =	seq.s32 s5, $0x0;
	s5 =	sld [smem:$0x3FAC]  }
0x2b: {  	s6 =	sld [smem:$0x3FAD]  }
0x2c: {  	s7 =	sld [smem:$0x3FAE]  }
0x2d: {  	s3 =	simm.s32 $0x108;
	s8 =	sld [smem:$0x3FAF]  }
0x2e: {  	s3 =	simm.s32 @!p0 $0x1082;
	s9 =	sld [smem:$0x3FB0]  }
0x2f: {  	lr =	sadd.s32 s0, s3;
	s0 =	sld [smem:$0x3FA7]  }
0x30: {  	s3 =	sld [smem:$0x3FAA]  }
0x31: {  	[smem:$0x3FB3] =	sst s10  }
0x32: {  	s10 =	sld [smem:$0x3FB1];
	_ =	sdelay $0x3  }
0x33: {  	p0 =	seq.s32 s10, $0x1;
	s10 =	sld [smem:$0x3FB3];
	_ =	sdelay $0x3  }
0x34: {  	[smem:$0x3FB3] =	sst s10  }
0x35: {  	s10 =	sld [smem:$0x3FB2];
	_ =	sdelay $0x3  }
0x36: {  	p1 =	seq.s32 s10, $0x1;
	s10 =	sld [smem:$0x3FB3];
	_ =	sdelay $0x3  }
0x37: {  	[smem:$0x3FB3] =	sst s10  }
0x38: {  	s10 =	sld [smem:$0x3FB4]  }
0x39: {  	_ = 	snop;
	(pc) =	sbr.ind lr, $3  }
0x3a: {  	_ = 	snop  }
0x3b: {  	_ = 	snop  }
0x3c: {  	p2 =	seq.s32 s10, $0x1;
	s10 =	sld [smem:$0x3FB3]  }
0x3d: {  	_ =	shalt  }
0x3e: {  	_ =	shalt  }
0x3f: {  	_ =	shalt  }
0x40: {  	_ =	shalt  }
0x41: {  	_ =	shalt  }
0x42: {  	_ =	shalt  }
0x43: {  	_ =	shalt  }
0x44: {  	_ =	shalt  }
0x45: {  	_ =	shalt  }
0x46: {  	_ =	shalt  }
0x47: {  	_ =	shalt  }
0x48: {  	_ =	shalt  }
0x49: {  	_ =	shalt  }
0x4a: {  	_ =	shalt  }
0x4b: {  	_ =	shalt  }
0x4c: {  	_ =	shalt  }
0x4d: {  	_ =	shalt  }
0x4e: {  	_ =	shalt  }
0x4f: {  	_ =	shalt  }
0x50: {  	_ =	shalt  }
0x51: {  	_ =	shalt  }
0x52: {  	_ =	shalt  }
0x53: {  	_ =	shalt  }
0x54: {  	_ =	shalt  }
0x55: {  	_ =	shalt  }
0x56: {  	_ =	shalt  }
0x57: {  	_ =	shalt  }
0x58: {  	_ =	shalt  }
0x59: {  	_ =	shalt  }
0x5a: {  	_ =	shalt  }
0x5b: {  	_ =	shalt  }
0x5c: {  	_ =	shalt  }
0x5d: {  	_ =	shalt  }
0x5e: {  	_ =	shalt  }
0x5f: {  	_ =	shalt  }
0x60: {  	_ =	shalt  }
0x61: {  	_ =	shalt  }
0x62: {  	_ =	shalt  }
0x63: {  	_ =	shalt  }
0x64: {  	_ =	shalt  }
0x65: {  	_ =	shalt  }
0x66: {  	_ =	shalt  }
0x67: {  	_ =	shalt  }
0x68: {  	_ =	shalt  }
0x69: {  	_ =	shalt  }
0x6a: {  	_ =	shalt  }
0x6b: {  	_ =	shalt  }
0x6c: {  	_ =	shalt  }
0x6d: {  	_ =	shalt  }
0x6e: {  	_ =	shalt  }
0x6f: {  	_ =	shalt  }
0x70: {  	_ =	shalt  }
0x71: {  	_ =	shalt  }
0x72: {  	_ =	shalt  }
0x73: {  	_ =	shalt  }
0x74: {  	_ =	shalt  }
0x75: {  	_ =	shalt  }
0x76: {  	_ =	shalt  }
0x77: {  	_ =	shalt  }
0x78: {  	_ =	shalt  }
0x79: {  	_ =	shalt  }
0x7a: {  	_ =	shalt  }
0x7b: {  	_ =	shalt  }
0x7c: {  	_ =	shalt  }
0x7d: {  	_ =	shalt  }
0x7e: {  	_ =	shalt  }
0x7f: {  	_ =	shalt  }
0x80: {  	_ =	shalt  }
0x81: {  	_ =	shalt  }
0x82: {  	_ =	shalt  }
0x83: {  	_ =	shalt  }
0x84: {  	_ =	shalt  }
0x85: {  	_ =	shalt  }
0x86: {  	_ =	shalt  }
0x87: {  	_ =	shalt  }
.Lfunc_end0:
.L_simem_size_0:
called_computation_lowered:
.L_overlay_start_0:
0x88: {  	s2 =	sld [smem:$0x3FD9]  }
0x89: {  	s3 =	sld [smem:$0x3FFE];
	_ =	sdelay $0x1  }
0x8a: {  	s1 =	srdreg.scid  }
0x8b: {  	s0 =	sand.u32 $0x1, s1  }
0x8c: {  	s15 =	sshll.u32 s0, $0xA;
	s2 =	sadd.s32 s3, s2  }
0x8d: {  	s2 =	sadd.s32 s2, s15  }
0x8e: {  	[smem:$0x3FBF] =	sst s2  }
0x8f: {  	_ = 	snop  }
0x90: {  	s2 =	sld [smem:$0x3FD0];
	_ =	sdelay $0x2  }
0x91: {  	s16 =	simm.s32 $0xA;
	s4 =	simm.s32 $0x10  }
0x92: {  	[smem:s4], [sflag:s16] =	dma.local [hbm:s2], $0x1  }
0x93: {  	_ =	swait.eq [sflag:s16], $0x1  }
0x94: {  	[sflag:s16] =	ssyncset.done $0x0  }
0x95: {  	s17 =	sld [smem:$0x10];
	[sflag:s16] =	ssyncadd.s32 $0xFFFFFFFF  }
0x96: {  	s18 =	sld [smem:$0x11];
	(tm) =	ssettm $0x1  }
0x97: {  	s19 =	sld [smem:$0x3FFB];
	_ =	sdelay $0x3  }
0x98: {  	_ =	strace s19  }
0x99: {  	s4 =	sld [smem:$0x3FFC];
	_ =	sdelay $0x3  }
0x9a: {  	_ =	strace s4  }
0x9b: {  	s4 =	sld [smem:$0x3FFD];
	_ =	sdelay $0x3  }
0x9c: {  	_ =	strace s4  }
0x9d: {  	_ =	strace $0x8FFFFFFF  }
0x9e: {  	s20 =	sld [smem:$0x3FDB];
	_ =	sdelay $0x1  }
0x9f: {  	s5 =	simm.s32 $_scs_section_size  }
0xa0: {  	s6 =	simm.s32 $_size__tile_overlayer_lowered;
	s7 =	simm.s32 $_tile_overlayer_lowered  }
0xa1: {  	s23 =	simm.s32 $0x1BFF;
	s22 =	sshll.u32 s7, $0x1;
	s4 =	sadd.s32 s5, s20  }
0xa2: {  	s8 =	simm.s32 $0x0;
	s21 =	sshll.u32 s6, $0x1;
	s6 =	sadd.s32 s22, s4  }
0xa3: {  	[timem:s8], [sflag:s23] =	dma.local [hbm:s6], s21  }
0xa4: {  	_ =	swait.ge [sflag:s23], s21  }
0xa5: {  	s5 =	ssub.s32 $0x0, s21;
	[sflag:s23] =	ssyncset.done $0x0  }
0xa6: {  	[sflag:s23] =	ssyncadd.s32 s5;
	_ =	sdelay $0x1  }
0xa7: {  	s24 =	simm.s32 $0x1B8B  }
0xa8: {  	_ =	swait.ge [sflag:s24], $0x1  }
0xa9: {  	[sflag:s24] =	ssyncset.done $0x0  }
0xaa: {  	s25 =	simm.s32 $0x1B8E;
	[sflag:s24] =	ssyncadd.s32 $0xFFFFFFFF  }
0xab: {  	s26 =	simm.s32 $execute0_lowered;
	[smem:$0x3FD2] =	sst s25  }
0xac: {  	s5 =	sshll.u32 s26, $0x1;
	_ =	strace $0x80000046;
	[dreg:$0x1] =	wrdreg $0xFFFFFFFF  }
0xad: {  	s28 =	simm.s32 $_size_execute0_lowered;
	s4 =	sadd.s32 s4, s5;
	[dreg:$0x0] =	wrdreg $0x0  }
0xae: {  	s5 =	sshll.u32 s28, $0x1;
	[dreg:$0x2] =	wrdreg s4  }
0xaf: {  	[dreg:$0x3] =	wrdreg s5  }
0xb0: {  	[dreg:$0x4] =	wrdreg $0xC0  }
0xb1: {  	_ =	task [dreg:s8], $0x5FFFF  }
0xb2: {  	[dreg:$0x1] =	wrdreg $0xFFFFFFFF  }
0xb3: {  	[dreg:$0x0] =	wrdreg $0x60  }
0xb4: {  	[dreg:$0x2] =	wrdreg s18  }
0xb5: {  	[dreg:$0x3] =	wrdreg s17  }
0xb6: {  	[dreg:$0x4] =	wrdreg $0x9  }
0xb7: {  	_ =	task.clear_ibuf [dreg:s8], $0x5FFFF;
	_ =	strace $0x90000046  }
0xb8: {  	s29 =	simm.s32 $0x9;
	_ =	strace $0x80000048  }
0xb9: {  	_ =	swait.ge [sflag:s29], $0x1  }
0xba: {  	[sflag:s29] =	ssyncadd.s32 $0xFFFFFFFF  }
0xbb: {  	_ =	strace $0x90000048  }
0xbc: {  	_ =	sfence  }
0xbd: {  	s30 =	sld [smem:$0x0];
	_ =	sdelay $0x2  }
0xbe: {  	s31 =	sshll.u32 s1, $0xD;
	s1 =	sshrl.u32 s1, $0x2  }
0xbf: {  	s3 =	sand.u32 $0x4000, s31;
	s1 =	sadd.s32 s1, s30  }
0xc0: {  	s0 =	sor.u32 s3, s0;
	s1 =	sshll.u32 s1, $0x11  }
0xc1: {  	s0 =	sor.u32 s1, s0  }
0xc2: {  	s0 =	sadd.s32 $0x8F2B, s0  }
0xc3: {  	[sflag:s0] =	ssyncadd.remote.s32 $0x1  }
0xc4: {  	_ =	sfence.sel $0xFFFF  }
0xc5: {  	[dreg:$0x0] =	wrdreg $0xFFFFFFFF;
	(pc) =	sbr.abs _section_cstart, $3  }
0xc6: {  	[dreg:$0x1] =	wrdreg $0xFFFFFFFF  }
0xc7: {  	_ =	task.clear_ibuf [dreg:s8], $0x2FFFF;
	_ =	strace $0x9FFFFFFF  }
0xc8: {  	(tm) =	ssettm $0x7FFFFFFF  }
0xc9: {  	_ =	shalt  }
tec
execute0_lowered:
.L_overlay_start_1:
0x0: {  	(tag) =	ssettag $0x1  }
0x1: {  	s3 =	rddreg [dreg:$0x0]  }
0x2: {  	s5 =	rddreg [dreg:$0x1];
	s2 =	srdreg.scid  }
0x3: {  	s0 =	rddreg [dreg:$0x2];
	s1 =	stileid.u32;
	s6 =	sand.u32 $0x1, s2  }
0x4: {  	s2 =	simm.s32 $0x0;
	s4 =	sshll.u32 s1, $0x5;
	s7 =	sshll.u32 s6, $0x4  }
0x5: {  	[smem:$0x7FF] =	sst s2;
	s7 =	sor.u32 s7, s4  }
0x6: {  	_ =	strace $0x80000047;
	s4 =	sadd.s32 s3, s7;
	s3 =	simm.s32 $0x1  }
0x7: {  	[tilespmem:s2], [sflag:$0x1] =	stream.linear.gather [hbm4b:s4+s2], $0x80, $0x38;
	[tilespmem:$0x100] =	vst v63  }
0x8: {  	_ =	swait.ge [sflag:s3], $0x80  }
0x9: {  	[sflag:s3] =	ssyncset.done $0x0  }
0xa: {  	[sflag:s3] =	ssyncadd.s32 $0xFFFFFF80  }
0xb: {  	v0 =	vimm.s32 $0xFEDCBA98;
	v1 =	vimm.s32 $0x76543210;
	v8 =	vld [tilespmem:$0x0]  }
0xc: {  	v2 =	vimm.s32 $0xBA98FEDC;
	v3 =	vimm.s32 $0x32107654;
	v0 =	vunpack.c.l.s4.s8 v0;
	v9 =	vld [tilespmem:$0x10]  }
0xd: {  	v1 =	vunpack.c.l.s4.s8 v1;
	v2 =	vunpack.c.l.s4.s8 v2;
	v3 =	vunpack.c.l.s4.s8 v3;
	v10 =	vld [tilespmem:$0x20]  }
0xe: {  	v0 =	vunpack.c.0.s8.s32 v0;
	v11 =	vld [tilespmem:$0x30]  }
0xf: {  	v1 =	vunpack.c.0.s8.s32 v1;
	v2 =	vunpack.c.0.s8.s32 v2;
	v3 =	vunpack.c.0.s8.s32 v3  }
0x10: {  	v0 =	vand.u32 $0xF, v0  }
0x11: {  	v0 =	vcombine.low v0, v1;
	v1 =	vcombine.low v3, v2;
	v3 =	vmax.f32 v8, v9  }
0x12: {  	v4 =	vimm.s32 $0x54761032;
	v2 =	vimm.s32 $0xDCFE98BA;
	v3 =	vmax.f32 v3, v10  }
0x13: {  	v4 =	vunpack.c.l.s4.s8 v4;
	v2 =	vunpack.c.l.s4.s8 v2;
	v3 =	vmax.f32 v3, v11  }
0x14: {  	v6 =	vimm.s32 $0xEFCDAB89;
	v7 =	vimm.s32 $0x67452301;
	v5 =	vperm.xlane v3, v0  }
0x15: {  	v6 =	vunpack.c.l.s4.s8 v6;
	v4 =	vunpack.c.0.s8.s32 v4;
	v2 =	vunpack.c.0.s8.s32 v2  }
0x16: {  	v7 =	vunpack.c.l.s4.s8 v7;
	v1 =	vand.u32 $0xF, v1;
	v3 =	vmax.f32 v3, v5  }
0x17: {  	v2 =	vcombine.low v4, v2;
	v4 =	vperm.xlane v3, v1  }
0x18: {  	v5 =	vunpack.c.0.s8.s32 v6;
	v6 =	vunpack.c.0.s8.s32 v7  }
0x19: {  	v2 =	vand.u32 $0xF, v2;
	v4 =	vmax.f32 v3, v4  }
0x1a: {  	v3 =	vcombine.low v6, v5;
	v5 =	vperm.xlane v4, v2;
	_ =	sdelay $0x1  }
0x1b: {  	v3 =	vand.u32 $0xF, v3;
	v5 =	vmax.f32 v4, v5  }
0x1c: {  	v6 =	vperm.xlane v5, v3;
	_ =	sdelay $0x1  }
0x1d: {  	v4 =	vlaneseq.u32;
	v12 =	vmax.f32 v5, v6  }
0x1e: {  	v5 =	vor.u32 $0x30, v4;
	vm0 =	veq.f32 v11, v12  }
0x1f: {  	v6 =	vor.u32 $0x20, v4;
	vm1 =	veq.f32 v10, v12;
	v13 =	vnsel vm0, $0x40000000, v5  }
0x20: {  	v7 =	vor.u32 $0x10, v4;
	vm13 =	veq.f32 v9, v12;
	v13 =	vsel vm1, v6, v13  }
0x21: {  	vm14 =	veq.f32 v8, v12;
	v13 =	vsel vm13, v7, v13  }
0x22: {  	v13 =	vsel vm14, v4, v13  }
0x23: {  	v14 =	vperm.xlane v13, v0;
	_ =	sdelay $0x1  }
0x24: {  	vm15 =	vlt.s32 v13, v14  }
0x25: {  	v13 =	vsel vm15, v13, v14  }
0x26: {  	v14 =	vperm.xlane v13, v1;
	_ =	sdelay $0x1  }
0x27: {  	vm0 =	vlt.s32 v13, v14  }
0x28: {  	v13 =	vsel vm0, v13, v14  }
0x29: {  	v14 =	vperm.xlane v13, v2;
	_ =	sdelay $0x1  }
0x2a: {  	vm0 =	vlt.s32 v13, v14  }
0x2b: {  	v13 =	vsel vm0, v13, v14  }
0x2c: {  	v14 =	vperm.xlane v13, v3;
	_ =	sdelay $0x1  }
0x2d: {  	vm0 =	vlt.s32 v13, v14  }
0x2e: {  	v13 =	vsel vm0, v13, v14  }
0x2f: {  	v14 =	vimm.s32 $0x0;
	vm0 =	veq.s32 v13, v4  }
0x30: {  	v16 =	vimm.s32 $0x0;
	v14 =	vsel vm0, $0xFFFFFFFF, v14  }
0x31: {  	vm4 =	veq.s32 v13, v7;
	vm5 =	veq.s32 v13, v6;
	[tilespmem:$0x1FF90] =	vst v14;
	v14 =	vimm.s32 $0x0  }
0x32: {  	vm6 =	veq.s32 v13, v5;
	v13 =	vimm.s32 $0x0;
	v14 =	vsel vm4, $0xFFFFFFFF, v14  }
0x33: {  	v15 =	vsel vm4, $0xFF61B1E6, v9;
	v13 =	vsel vm6, $0xFFFFFFFF, v13;
	[tilespmem:$0x1FFA0] =	vst v14;
	v14 =	vsel vm0, $0xFF61B1E6, v8  }
0x34: {  	v16 =	vsel vm5, $0xFFFFFFFF, v16;
	[tilespmem:$0x1FFF0] =	vst v13;
	v13 =	vsel vm5, $0xFF61B1E6, v10;
	v27 =	vmax.f32 v14, v15  }
0x35: {  	v17 =	vsel vm6, $0xFF61B1E6, v11;
	[tilespmem:$0x1FFB0] =	vst v16;
	v16 =	vmax.f32 v27, v13  }
0x36: {  	v16 =	vmax.f32 v16, v17  }
0x37: {  	v18 =	vperm.xlane v16, v0;
	_ =	sdelay $0x1  }
0x38: {  	v16 =	vmax.f32 v16, v18  }
0x39: {  	v18 =	vperm.xlane v16, v1;
	_ =	sdelay $0x1  }
0x3a: {  	v16 =	vmax.f32 v16, v18  }
0x3b: {  	v18 =	vperm.xlane v16, v2;
	_ =	sdelay $0x1  }
0x3c: {  	v16 =	vmax.f32 v16, v18  }
0x3d: {  	v18 =	vperm.xlane v16, v3;
	_ =	sdelay $0x1  }
0x3e: {  	v16 =	vmax.f32 v16, v18  }
0x3f: {  	vm0 =	veq.f32 v17, v16  }
0x40: {  	vm1 =	veq.f32 v13, v16;
	v28 =	vnsel vm0, $0x40000000, v5  }
0x41: {  	vm7 =	veq.f32 v15, v16;
	v18 =	vsel vm1, v6, v28  }
0x42: {  	vm8 =	veq.f32 v14, v16;
	v29 =	vsel vm7, v7, v18  }
0x43: {  	v16 =	vsel vm8, v4, v29  }
0x44: {  	v30 =	vperm.xlane v16, v0;
	_ =	sdelay $0x1  }
0x45: {  	vm9 =	vlt.s32 v16, v30  }
0x46: {  	v16 =	vsel vm9, v16, v30  }
0x47: {  	v18 =	vperm.xlane v16, v1;
	_ =	sdelay $0x1  }
0x48: {  	vm0 =	vlt.s32 v16, v18  }
0x49: {  	v16 =	vsel vm0, v16, v18  }
0x4a: {  	v18 =	vperm.xlane v16, v2;
	_ =	sdelay $0x1  }
0x4b: {  	vm0 =	vlt.s32 v16, v18  }
0x4c: {  	v16 =	vsel vm0, v16, v18  }
0x4d: {  	v18 =	vperm.xlane v16, v3;
	_ =	sdelay $0x1  }
0x4e: {  	vm0 =	vlt.s32 v16, v18  }
0x4f: {  	v34 =	vimm.s32 $0x0;
	v16 =	vsel vm0, v16, v18  }
0x50: {  	vm10 =	veq.s32 v16, v4;
	vm0 =	veq.s32 v16, v7;
	vm11 =	veq.s32 v16, v6  }
0x51: {  	vm12 =	veq.s32 v16, v5;
	v14 =	vsel vm10, $0xFF61B1E6, v14;
	v15 =	vsel vm0, $0xFF61B1E6, v15  }
0x52: {  	v16 =	vsel vm12, $0xFFFFFFFF, v34;
	v13 =	vsel vm11, $0xFF61B1E6, v13;
	v35 =	vmax.f32 v14, v15  }
0x53: {  	v17 =	vsel vm12, $0xFF61B1E6, v17;
	[tilespmem:$0x1FFE0] =	vst v16;
	v16 =	vmax.f32 v35, v13  }
0x54: {  	v31 =	vimm.s32 $0x0;
	v16 =	vmax.f32 v16, v17  }
0x55: {  	v32 =	vimm.s32 $0x0;
	v18 =	vsel vm10, $0xFFFFFFFF, v31;
	v36 =	vperm.xlane v16, v0  }
0x56: {  	v33 =	vimm.s32 $0x0;
	[tilespmem:$0x1FF60] =	vst v18;
	v18 =	vsel vm0, $0xFFFFFFFF, v32  }
0x57: {  	[tilespmem:$0x1FF70] =	vst v18;
	v18 =	vsel vm11, $0xFFFFFFFF, v33;
	v16 =	vmax.f32 v16, v36  }
0x58: {  	[tilespmem:$0x1FF80] =	vst v18;
	v18 =	vperm.xlane v16, v1;
	_ =	sdelay $0x1  }
0x59: {  	v16 =	vmax.f32 v16, v18  }
0x5a: {  	v18 =	vperm.xlane v16, v2;
	_ =	sdelay $0x1  }
0x5b: {  	v16 =	vmax.f32 v16, v18  }
0x5c: {  	v18 =	vperm.xlane v16, v3;
	_ =	sdelay $0x1  }
0x5d: {  	v16 =	vmax.f32 v16, v18  }
0x5e: {  	vm0 =	veq.f32 v17, v16  }
0x5f: {  	vm1 =	veq.f32 v13, v16;
	v37 =	vnsel vm0, $0x40000000, v5  }
0x60: {  	vm13 =	veq.f32 v15, v16;
	v18 =	vsel vm1, v6, v37  }
0x61: {  	vm14 =	veq.f32 v14, v16;
	v38 =	vsel vm13, v7, v18  }
0x62: {  	v16 =	vsel vm14, v4, v38  }
0x63: {  	v39 =	vperm.xlane v16, v0;
	_ =	sdelay $0x1  }
0x64: {  	vm15 =	vlt.s32 v16, v39  }
0x65: {  	v16 =	vsel vm15, v16, v39  }
0x66: {  	v18 =	vperm.xlane v16, v1;
	_ =	sdelay $0x1  }
0x67: {  	vm0 =	vlt.s32 v16, v18  }
0x68: {  	v16 =	vsel vm0, v16, v18  }
0x69: {  	v18 =	vperm.xlane v16, v2;
	_ =	sdelay $0x1  }
0x6a: {  	vm0 =	vlt.s32 v16, v18  }
0x6b: {  	v16 =	vsel vm0, v16, v18  }
0x6c: {  	v18 =	vperm.xlane v16, v3;
	_ =	sdelay $0x1  }
0x6d: {  	vm0 =	vlt.s32 v16, v18  }
0x6e: {  	v43 =	vimm.s32 $0x0;
	v16 =	vsel vm0, v16, v18  }
0x6f: {  	vm0 =	veq.s32 v16, v4;
	vm4 =	veq.s32 v16, v7;
	vm2 =	veq.s32 v16, v6  }
0x70: {  	vm5 =	veq.s32 v16, v5;
	v14 =	vsel vm0, $0xFF61B1E6, v14;
	v15 =	vsel vm4, $0xFF61B1E6, v15  }
0x71: {  	v16 =	vsel vm5, $0xFFFFFFFF, v43;
	v13 =	vsel vm2, $0xFF61B1E6, v13;
	v44 =	vmax.f32 v14, v15  }
0x72: {  	v17 =	vsel vm5, $0xFF61B1E6, v17;
	[tilespmem:$0x1FFD0] =	vst v16;
	v16 =	vmax.f32 v44, v13  }
0x73: {  	v40 =	vimm.s32 $0x0;
	v16 =	vmax.f32 v16, v17  }
0x74: {  	v41 =	vimm.s32 $0x0;
	v18 =	vsel vm0, $0xFFFFFFFF, v40;
	v45 =	vperm.xlane v16, v0  }
0x75: {  	v42 =	vimm.s32 $0x0;
	[tilespmem:$0x1FF30] =	vst v18;
	v18 =	vsel vm4, $0xFFFFFFFF, v41  }
0x76: {  	[tilespmem:$0x1FF40] =	vst v18;
	v18 =	vsel vm2, $0xFFFFFFFF, v42;
	v16 =	vmax.f32 v16, v45  }
0x77: {  	[tilespmem:$0x1FF50] =	vst v18;
	v18 =	vperm.xlane v16, v1;
	_ =	sdelay $0x1  }
0x78: {  	v16 =	vmax.f32 v16, v18  }
0x79: {  	v18 =	vperm.xlane v16, v2;
	_ =	sdelay $0x1  }
0x7a: {  	v16 =	vmax.f32 v16, v18  }
0x7b: {  	v18 =	vperm.xlane v16, v3;
	_ =	sdelay $0x1  }
0x7c: {  	v16 =	vmax.f32 v16, v18  }
0x7d: {  	vm0 =	veq.f32 v17, v16  }
0x7e: {  	vm6 =	veq.f32 v13, v16;
	v46 =	vnsel vm0, $0x40000000, v5  }
0x7f: {  	vm7 =	veq.f32 v15, v16;
	v18 =	vsel vm6, v6, v46  }
0x80: {  	vm8 =	veq.f32 v14, v16;
	v47 =	vsel vm7, v7, v18  }
0x81: {  	v16 =	vsel vm8, v4, v47  }
0x82: {  	v48 =	vperm.xlane v16, v0;
	_ =	sdelay $0x1  }
0x83: {  	vm9 =	vlt.s32 v16, v48  }
0x84: {  	v16 =	vsel vm9, v16, v48  }
0x85: {  	v18 =	vperm.xlane v16, v1;
	_ =	sdelay $0x1  }
0x86: {  	vm0 =	vlt.s32 v16, v18  }
0x87: {  	v16 =	vsel vm0, v16, v18  }
0x88: {  	v18 =	vperm.xlane v16, v2;
	_ =	sdelay $0x1  }
0x89: {  	vm0 =	vlt.s32 v16, v18  }
0x8a: {  	v16 =	vsel vm0, v16, v18  }
0x8b: {  	v18 =	vperm.xlane v16, v3;
	_ =	sdelay $0x1  }
0x8c: {  	vm0 =	vlt.s32 v16, v18  }
0x8d: {  	v49 =	vimm.s32 $0x0;
	v16 =	vsel vm0, v16, v18  }
0x8e: {  	vm13 =	veq.s32 v16, v4;
	vm14 =	veq.s32 v16, v7;
	vm15 =	veq.s32 v16, v6  }
0x8f: {  	vm0 =	veq.s32 v16, v5;
	v14 =	vsel vm13, $0xFF61B1E6, v14;
	v15 =	vsel vm14, $0xFF61B1E6, v15  }
0x90: {  	v16 =	vsel vm0, $0xFFFFFFFF, v49;
	v13 =	vsel vm15, $0xFF61B1E6, v13;
	v50 =	vmax.f32 v14, v15  }
0x91: {  	v17 =	vsel vm0, $0xFF61B1E6, v17;
	[tilespmem:$0x1FFC0] =	vst v16;
	v16 =	vmax.f32 v50, v13  }
0x92: {  	v16 =	vmax.f32 v16, v17  }
0x93: {  	v51 =	vperm.xlane v16, v0;
	_ =	sdelay $0x1  }
0x94: {  	v16 =	vmax.f32 v16, v51  }
0x95: {  	v18 =	vperm.xlane v16, v1;
	_ =	sdelay $0x1  }
0x96: {  	v16 =	vmax.f32 v16, v18  }
0x97: {  	v18 =	vperm.xlane v16, v2;
	_ =	sdelay $0x1  }
0x98: {  	v16 =	vmax.f32 v16, v18  }
0x99: {  	v18 =	vperm.xlane v16, v3;
	_ =	sdelay $0x1  }
0x9a: {  	v16 =	vmax.f32 v16, v18  }
0x9b: {  	vm0 =	veq.f32 v17, v16  }
0x9c: {  	vm10 =	veq.f32 v13, v16;
	v52 =	vnsel vm0, $0x40000000, v5  }
0x9d: {  	vm11 =	veq.f32 v15, v16;
	v18 =	vsel vm10, v6, v52  }
0x9e: {  	vm12 =	veq.f32 v14, v16;
	v18 =	vsel vm11, v7, v18  }
0x9f: {  	v16 =	vsel vm12, v4, v18  }
0xa0: {  	v18 =	vperm.xlane v16, v0;
	_ =	sdelay $0x1  }
0xa1: {  	vm0 =	vlt.s32 v16, v18  }
0xa2: {  	v16 =	vsel vm0, v16, v18  }
0xa3: {  	v18 =	vperm.xlane v16, v1;
	_ =	sdelay $0x1  }
0xa4: {  	vm0 =	vlt.s32 v16, v18  }
0xa5: {  	v16 =	vsel vm0, v16, v18  }
0xa6: {  	v18 =	vperm.xlane v16, v2;
	_ =	sdelay $0x1  }
0xa7: {  	vm0 =	vlt.s32 v16, v18  }
0xa8: {  	v16 =	vsel vm0, v16, v18  }
0xa9: {  	v18 =	vperm.xlane v16, v3;
	_ =	sdelay $0x1  }
0xaa: {  	vm0 =	vlt.s32 v16, v18  }
0xab: {  	v16 =	vsel vm0, v16, v18  }
0xac: {  	vm10 =	veq.s32 v16, v4;
	vm9 =	veq.s32 v16, v7  }
0xad: {  	vm8 =	veq.s32 v16, v6;
	v14 =	vsel vm10, $0xFF61B1E6, v14;
	v15 =	vsel vm9, $0xFF61B1E6, v15  }
0xae: {  	vm11 =	veq.s32 v16, v5;
	v13 =	vsel vm8, $0xFF61B1E6, v13;
	v53 =	vmax.f32 v14, v15  }
0xaf: {  	v16 =	vsel vm11, $0xFF61B1E6, v17;
	v54 =	vmax.f32 v53, v13  }
0xb0: {  	v17 =	vmax.f32 v54, v16  }
0xb1: {  	v55 =	vperm.xlane v17, v0;
	_ =	sdelay $0x1  }
0xb2: {  	v17 =	vmax.f32 v17, v55  }
0xb3: {  	v18 =	vperm.xlane v17, v1;
	_ =	sdelay $0x1  }
0xb4: {  	v17 =	vmax.f32 v17, v18  }
0xb5: {  	v18 =	vperm.xlane v17, v2;
	_ =	sdelay $0x1  }
0xb6: {  	v17 =	vmax.f32 v17, v18  }
0xb7: {  	v18 =	vperm.xlane v17, v3;
	_ =	sdelay $0x1  }
0xb8: {  	v17 =	vmax.f32 v17, v18  }
0xb9: {  	vm4 =	veq.f32 v16, v17  }
0xba: {  	vm5 =	veq.f32 v13, v17;
	v56 =	vnsel vm4, $0x40000000, v5  }
0xbb: {  	vm6 =	veq.f32 v15, v17;
	v18 =	vsel vm5, v6, v56  }
0xbc: {  	vm7 =	veq.f32 v14, v17;
	v18 =	vsel vm6, v7, v18  }
0xbd: {  	v17 =	vsel vm7, v4, v18  }
0xbe: {  	v18 =	vperm.xlane v17, v0;
	_ =	sdelay $0x1  }
0xbf: {  	vm0 =	vlt.s32 v17, v18  }
0xc0: {  	v17 =	vsel vm0, v17, v18  }
0xc1: {  	v18 =	vperm.xlane v17, v1;
	_ =	sdelay $0x1  }
0xc2: {  	vm0 =	vlt.s32 v17, v18  }
0xc3: {  	v17 =	vsel vm0, v17, v18  }
0xc4: {  	v18 =	vperm.xlane v17, v2;
	_ =	sdelay $0x1  }
0xc5: {  	vm0 =	vlt.s32 v17, v18  }
0xc6: {  	v17 =	vsel vm0, v17, v18  }
0xc7: {  	v18 =	vperm.xlane v17, v3;
	_ =	sdelay $0x1  }
0xc8: {  	vm0 =	vlt.s32 v17, v18  }
0xc9: {  	v17 =	vsel vm0, v17, v18  }
0xca: {  	vm6 =	veq.s32 v17, v4;
	vm5 =	veq.s32 v17, v7  }
0xcb: {  	vm4 =	veq.s32 v17, v6;
	v14 =	vsel vm6, $0xFF61B1E6, v14;
	v15 =	vsel vm5, $0xFF61B1E6, v15  }
0xcc: {  	vm7 =	veq.s32 v17, v5;
	v13 =	vsel vm4, $0xFF61B1E6, v13;
	v57 =	vmax.f32 v14, v15  }
0xcd: {  	v16 =	vsel vm7, $0xFF61B1E6, v16;
	v58 =	vmax.f32 v57, v13  }
0xce: {  	v17 =	vmax.f32 v58, v16  }
0xcf: {  	v59 =	vperm.xlane v17, v0;
	_ =	sdelay $0x1  }
0xd0: {  	v17 =	vmax.f32 v17, v59  }
0xd1: {  	v18 =	vperm.xlane v17, v1;
	_ =	sdelay $0x1  }
0xd2: {  	v17 =	vmax.f32 v17, v18  }
0xd3: {  	v18 =	vperm.xlane v17, v2;
	_ =	sdelay $0x1  }
0xd4: {  	v17 =	vmax.f32 v17, v18  }
0xd5: {  	v18 =	vperm.xlane v17, v3;
	_ =	sdelay $0x1  }
0xd6: {  	v17 =	vmax.f32 v17, v18  }
0xd7: {  	vm12 =	veq.f32 v16, v17  }
0xd8: {  	v60 =	vnsel vm12, $0x40000000, v5;
	vm12 =	veq.f32 v13, v17  }
0xd9: {  	v18 =	vsel vm12, v6, v60;
	vm12 =	veq.f32 v15, v17  }
0xda: {  	v18 =	vsel vm12, v7, v18;
	vm12 =	veq.f32 v14, v17  }
0xdb: {  	v17 =	vsel vm12, v4, v18  }
0xdc: {  	v18 =	vperm.xlane v17, v0;
	_ =	sdelay $0x1  }
0xdd: {  	vm0 =	vlt.s32 v17, v18  }
0xde: {  	v17 =	vsel vm0, v17, v18  }
0xdf: {  	v18 =	vperm.xlane v17, v1;
	_ =	sdelay $0x1  }
0xe0: {  	vm0 =	vlt.s32 v17, v18  }
0xe1: {  	v17 =	vsel vm0, v17, v18  }
0xe2: {  	v18 =	vperm.xlane v17, v2;
	_ =	sdelay $0x1  }
0xe3: {  	vm0 =	vlt.s32 v17, v18  }
0xe4: {  	v17 =	vsel vm0, v17, v18  }
0xe5: {  	v18 =	vperm.xlane v17, v3;
	_ =	sdelay $0x1  }
0xe6: {  	vm0 =	vlt.s32 v17, v18  }
0xe7: {  	v17 =	vsel vm0, v17, v18  }
0xe8: {  	vm0 =	veq.s32 v17, v4;
	vm2 =	veq.s32 v17, v7  }
0xe9: {  	vm1 =	veq.s32 v17, v6;
	v14 =	vsel vm0, $0xFF61B1E6, v14;
	v15 =	vsel vm2, $0xFF61B1E6, v15  }
0xea: {  	vm3 =	veq.s32 v17, v5;
	v13 =	vsel vm1, $0xFF61B1E6, v13;
	v61 =	vmax.f32 v14, v15  }
0xeb: {  	v16 =	vsel vm3, $0xFF61B1E6, v16;
	v62 =	vmax.f32 v61, v13  }
0xec: {  	v17 =	vmax.f32 v62, v16  }
0xed: {  	v63 =	vperm.xlane v17, v0;
	_ =	sdelay $0x1  }
0xee: {  	v17 =	vmax.f32 v17, v63  }
0xef: {  	v18 =	vperm.xlane v17, v1;
	_ =	sdelay $0x1  }
0xf0: {  	v17 =	vmax.f32 v17, v18  }
0xf1: {  	v18 =	vperm.xlane v17, v2;
	_ =	sdelay $0x1  }
0xf2: {  	v17 =	vmax.f32 v17, v18  }
0xf3: {  	v18 =	vperm.xlane v17, v3;
	_ =	sdelay $0x1  }
0xf4: {  	v17 =	vmax.f32 v17, v18  }
0xf5: {  	vm12 =	veq.f32 v16, v17  }
0xf6: {  	v16 =	vnsel vm12, $0x40000000, v5;
	vm12 =	veq.f32 v13, v17  }
0xf7: {  	v13 =	vsel vm12, v6, v16;
	vm12 =	veq.f32 v15, v17  }
0xf8: {  	v13 =	vsel vm12, v7, v13;
	vm12 =	veq.f32 v14, v17  }
0xf9: {  	v13 =	vsel vm12, v4, v13  }
0xfa: {  	v14 =	vperm.xlane v13, v0;
	_ =	sdelay $0x1  }
0xfb: {  	vm12 =	vlt.s32 v13, v14  }
0xfc: {  	v13 =	vsel vm12, v13, v14  }
0xfd: {  	v14 =	vperm.xlane v13, v1;
	_ =	sdelay $0x1  }
0xfe: {  	vm12 =	vlt.s32 v13, v14  }
0xff: {  	v13 =	vsel vm12, v13, v14  }
0x100: {  	v14 =	vperm.xlane v13, v2  }
0x101: {  	v11 =	vsub.f32 v11, v12  }
0x102: {  	v10 =	vsub.f32 v10, v12;
	vm12 =	vlt.s32 v13, v14  }
0x103: {  	v9 =	vsub.f32 v9, v12;
	v11 =	vmul.f32 $1.442695020e+00, v11;
	v13 =	vsel vm12, v13, v14  }
0x104: {  	v8 =	vsub.f32 v8, v12;
	v10 =	vmul.f32 $1.442695020e+00, v10;
	v14 =	vperm.xlane v13, v3  }
0x105: {  	v9 =	vmul.f32 $1.442695020e+00, v9;
	(erf) = vpow2.f32 v11  }
0x106: {  	v8 =	vmul.f32 $1.442695020e+00, v8;
	(erf) = vpow2.f32 v10;
	vm12 =	vlt.s32 v13, v14  }
0x107: {  	(erf) = vpow2.f32 v9;
	v12 =	vsel vm12, v13, v14  }
0x108: {  	(erf) = vpow2.f32 v8;
	v8 =	vld [tilespmem:$0x1FF30];
	vm12 =	veq.s32 v12, v4  }
0x109: {  	vm0 =	vmor vm12, vm0;
	vm12 =	veq.s32 v12, v7  }
0x10a: {  	vm2 =	vmor vm12, vm2;
	vm12 =	veq.s32 v12, v6  }
0x10b: {  	vm1 =	vmor vm12, vm1  }
0x10c: {  	vm1 =	vmor vm1, vm4  }
0x10d: {  	vm1 =	vmor vm1, vm8;
	vm8 =	vnez.u8 v8;
	v8 =	vld [tilespmem:$0x1FF40];
	_ =	sdelay $0x3  }
0x10e: {  	vm2 =	vmor vm2, vm5  }
0x10f: {  	vm2 =	vmor vm2, vm9;
	vm9 =	vnez.u8 v8;
	v8 =	vld [tilespmem:$0x1FF50];
	_ =	sdelay $0x3  }
0x110: {  	vm0 =	vmor vm0, vm6  }
0x111: {  	vm0 =	vmor vm0, vm10;
	vm10 =	vnez.u8 v8;
	v8 =	vld [tilespmem:$0x1FF60];
	_ =	sdelay $0x4  }
0x112: {  	vm12 =	vnez.u8 v8;
	v8 =	vld [tilespmem:$0x1FF70];
	_ =	sdelay $0x4  }
0x113: {  	vm2 =	vmor vm2, vm14;
	vm14 =	vnez.u8 v8;
	v8 =	vld [tilespmem:$0x1FF80];
	_ =	sdelay $0x4  }
0x114: {  	vm1 =	vmor vm1, vm15;
	vm15 =	vnez.u8 v8;
	v8 =	vld [tilespmem:$0x1FF90];
	_ =	sdelay $0x3  }
0x115: {  	vm0 =	vmor vm0, vm13  }
0x116: {  	vm0 =	vmor vm0, vm8;
	vm8 =	vnez.u8 v8;
	v8 =	vld [tilespmem:$0x1FFA0];
	_ =	sdelay $0x4  }
0x117: {  	vm2 =	vmor vm2, vm9;
	vm9 =	vnez.u8 v8;
	v8 =	vld [tilespmem:$0x1FFB0]  }
0x118: {  	v14 =	vld [tilespmem:$0x1FFC0];
	_ =	sdelay $0x1  }
0x119: {  	vm13 =	veq.s32 v12, v5;
	v12 =	vpop (erf)  }
0x11a: {  	v11 =	vpop (erf);
	vm1 =	vmor vm1, vm10;
	vm0 =	vmor vm0, vm12  }
0x11b: {  	v9 =	vpop (erf);
	vm0 =	vmor vm0, vm8;
	vm10 =	vnez.u8 v8;
	v8 =	vimm.f32 $0.0e+00  }
0x11c: {  	vm12 =	vnez.u8 v14;
	v14 =	vpop (erf);
	v10 =	vsel vm0, $0x3F800000, v8  }
0x11d: {  	v10 =	vmul.f32 v10, v14;
	v14 =	vld [tilespmem:$0x1FFE0];
	_ =	sdelay $0x1  }
0x11e: {  	v15 =	vld [tilespmem:$0x1FFD0];
	_ =	sdelay $0x2  }
0x11f: {  	vm3 =	vmor vm13, vm3;
	vm2 =	vmor vm2, vm14;
	vm14 =	vnez.u8 v14;
	v14 =	vld [tilespmem:$0x1FFF0]  }
0x120: {  	vm3 =	vmor vm3, vm7  }
0x121: {  	vm13 =	vnez.u8 v15;
	vm3 =	vmor vm3, vm11;
	vm2 =	vmor vm2, vm9  }
0x122: {  	vm1 =	vmor vm1, vm15;
	v13 =	vsel vm2, $0x3F800000, v8;
	vm0 =	vmor vm3, vm12  }
0x123: {  	vm1 =	vmor vm1, vm10;
	vm0 =	vmor vm0, vm13;
	v9 =	vmul.f32 v13, v9  }
0x124: {  	v13 =	vsel vm1, $0x3F800000, v8;
	vm0 =	vmor vm0, vm14;
	vm15 =	vnez.u8 v14  }
0x125: {  	v11 =	vmul.f32 v13, v11;
	v14 =	vadd.f32 v9, v10;
	vm0 =	vmor vm0, vm15  }
0x126: {  	v13 =	vsel vm0, $0x3F800000, v8  }
0x127: {  	v14 =	vadd.f32 v14, v11;
	v12 =	vmul.f32 v13, v12;
	_ =	sdelay $0x1  }
0x128: {  	v13 =	vadd.f32 v14, v12;
	_ =	sdelay $0x1  }
0x129: {  	v14 =	vperm.xlane v13, v0;
	_ =	sdelay $0x1  }
0x12a: {  	v13 =	vadd.f32 v13, v14;
	_ =	sdelay $0x1  }
0x12b: {  	v14 =	vperm.xlane v13, v1;
	_ =	sdelay $0x1  }
0x12c: {  	v13 =	vadd.f32 v13, v14;
	_ =	sdelay $0x1  }
0x12d: {  	v14 =	vperm.xlane v13, v2;
	_ =	sdelay $0x1  }
0x12e: {  	v13 =	vadd.f32 v13, v14;
	_ =	sdelay $0x1  }
0x12f: {  	v14 =	vperm.xlane v13, v3;
	_ =	sdelay $0x1  }
0x130: {  	v13 =	vadd.f32 v13, v14;
	_ =	sdelay $0x1  }
0x131: {  	s6 =	ssub.s32 $0x2, s6;
	(erf) = vrcp.f32 v13  }
0x132: {  	s8 =	sshrl.u32 s6, $0x1  }
0x133: {  	s6 =	ssub.s32 s6, s8  }
0x134: {  	s8 =	smax.u32 s6, $0x1  }
0x135: {  	p0 =	sne.s32 s8, $0x1  }
.Ltmp0:
0x136: {  	_ = 	snop;
	(pc) =	sbr.rel @!p0 .LBB2_2-.Ltmp0, $2  }
0x137: {  	_ =	sdelay $0x2  }
0x138: {  	s5 =	sadd.s32 s5, s7;
	s6 =	simm.s32 $0x80;
	s7 =	sadd.s32 $0xFFFFFFFF, s8;
	v13 =	vpop (erf)  }
.LBB2_1:
0x139: {  	v10 =	vmul.f32 v13, v10  }
0x13a: {  	v12 =	vmul.f32 v13, v12  }
0x13b: {  	v9 =	vmul.f32 v13, v9;
	[tilespmem:$0x80] =	vst v10  }
0x13c: {  	v11 =	vmul.f32 v13, v11;
	[tilespmem:$0xB0] =	vst v12  }
0x13d: {  	[tilespmem:$0x90] =	vst v9  }
0x13e: {  	[tilespmem:$0xA0] =	vst v11  }
0x13f: {  	[hbm4b:s5+s2] =	stream.linear.scatter [tilespmem:s6], [sflag:$0x1], $0x80, $0x38;
	[tilespmem:$0x100] =	vst v63  }
0x140: {  	_ =	swait.ge [sflag:s3], $0x80  }
0x141: {  	[sflag:s3] =	ssyncset.done $0x0  }
0x142: {  	[sflag:s3] =	ssyncadd.s32 $0xFFFFFF80  }
0x143: {  	[tilespmem:s2], [sflag:$0x1] =	stream.linear.gather [hbm4b:s4+s2], $0x80, $0x38;
	[tilespmem:$0x100] =	vst v63  }
0x144: {  	_ =	swait.ge [sflag:s3], $0x80  }
0x145: {  	[sflag:s3] =	ssyncset.done $0x0  }
0x146: {  	[sflag:s3] =	ssyncadd.s32 $0xFFFFFF80  }
0x147: {  	v13 =	vld [tilespmem:$0x0]  }
0x148: {  	v14 =	vld [tilespmem:$0x10]  }
0x149: {  	v15 =	vld [tilespmem:$0x20]  }
0x14a: {  	v16 =	vld [tilespmem:$0x30];
	_ =	sdelay $0x2  }
0x14b: {  	v9 =	vmax.f32 v13, v14  }
0x14c: {  	v9 =	vmax.f32 v9, v15  }
0x14d: {  	v9 =	vmax.f32 v9, v16  }
0x14e: {  	v10 =	vperm.xlane v9, v0;
	_ =	sdelay $0x1  }
0x14f: {  	v9 =	vmax.f32 v9, v10  }
0x150: {  	v10 =	vperm.xlane v9, v1;
	_ =	sdelay $0x1  }
0x151: {  	v9 =	vmax.f32 v9, v10  }
0x152: {  	v10 =	vperm.xlane v9, v2;
	_ =	sdelay $0x1  }
0x153: {  	v9 =	vmax.f32 v9, v10  }
0x154: {  	v10 =	vperm.xlane v9, v3;
	_ =	sdelay $0x1  }
0x155: {  	v10 =	vmax.f32 v9, v10  }
0x156: {  	vm2 =	veq.f32 v16, v10  }
0x157: {  	vm3 =	veq.f32 v15, v10;
	v9 =	vnsel vm2, $0x40000000, v5  }
0x158: {  	vm1 =	veq.f32 v14, v10;
	v9 =	vsel vm3, v6, v9  }
0x159: {  	vm0 =	veq.f32 v13, v10;
	v18 =	vsel vm1, v7, v9  }
0x15a: {  	v18 =	vsel vm0, v4, v18  }
0x15b: {  	v21 =	vperm.xlane v18, v0  }
0x15c: {  	v11 =	vsub.f32 v13, v10;
	v17 =	vsub.f32 v15, v10  }
0x15d: {  	vm0 =	vlt.s32 v18, v21  }
0x15e: {  	v9 =	vmul.f32 $1.442695020e+00, v11;
	v11 =	vmul.f32 $1.442695020e+00, v17;
	v17 =	vsel vm0, v18, v21  }
0x15f: {  	v18 =	vperm.xlane v17, v1;
	_ =	sdelay $0x1  }
0x160: {  	vm0 =	vlt.s32 v17, v18  }
0x161: {  	v17 =	vsel vm0, v17, v18  }
0x162: {  	v18 =	vperm.xlane v17, v2;
	_ =	sdelay $0x1  }
0x163: {  	vm0 =	vlt.s32 v17, v18  }
0x164: {  	v17 =	vsel vm0, v17, v18  }
0x165: {  	v18 =	vperm.xlane v17, v3;
	_ =	sdelay $0x1  }
0x166: {  	vm0 =	vlt.s32 v17, v18  }
0x167: {  	v25 =	vimm.s32 $0x0;
	v12 =	vsub.f32 v14, v10;
	v17 =	vsel vm0, v17, v18  }
0x168: {  	vm15 =	veq.s32 v17, v4;
	vm4 =	veq.s32 v17, v7;
	vm0 =	veq.s32 v17, v5  }
0x169: {  	vm5 =	veq.s32 v17, v6;
	v13 =	vsel vm15, $0xFF61B1E6, v13;
	v14 =	vsel vm4, $0xFF61B1E6, v14  }
0x16a: {  	v17 =	vsel vm5, $0xFFFFFFFF, v25;
	v15 =	vsel vm5, $0xFF61B1E6, v15;
	v26 =	vmax.f32 v13, v14  }
0x16b: {  	v19 =	vsub.f32 v16, v10;
	v16 =	vsel vm0, $0xFF61B1E6, v16;
	[tilespmem:$0x1FEE0] =	vst v17;
	v17 =	vmax.f32 v26, v15  }
0x16c: {  	v22 =	vimm.s32 $0x0;
	v17 =	vmax.f32 v17, v16  }
0x16d: {  	v23 =	vimm.s32 $0x0;
	v18 =	vsel vm15, $0xFFFFFFFF, v22;
	v27 =	vperm.xlane v17, v0  }
0x16e: {  	v24 =	vimm.s32 $0x0;
	[tilespmem:$0x1FEC0] =	vst v18;
	v18 =	vsel vm4, $0xFFFFFFFF, v23  }
0x16f: {  	[tilespmem:$0x1FED0] =	vst v18;
	v18 =	vsel vm0, $0xFFFFFFFF, v24;
	v17 =	vmax.f32 v17, v27  }
0x170: {  	[tilespmem:$0x1FF20] =	vst v18;
	v18 =	vperm.xlane v17, v1;
	_ =	sdelay $0x1  }
0x171: {  	v17 =	vmax.f32 v17, v18  }
0x172: {  	v18 =	vperm.xlane v17, v2;
	_ =	sdelay $0x1  }
0x173: {  	v17 =	vmax.f32 v17, v18  }
0x174: {  	v18 =	vperm.xlane v17, v3;
	_ =	sdelay $0x1  }
0x175: {  	v17 =	vmax.f32 v17, v18  }
0x176: {  	vm7 =	veq.f32 v16, v17  }
0x177: {  	vm1 =	veq.f32 v15, v17;
	v28 =	vnsel vm7, $0x40000000, v5  }
0x178: {  	vm6 =	veq.f32 v14, v17;
	vm8 =	veq.f32 v13, v17;
	v17 =	vsel vm1, v6, v28  }
0x179: {  	v17 =	vsel vm6, v7, v17  }
0x17a: {  	v17 =	vsel vm8, v4, v17  }
0x17b: {  	v29 =	vperm.xlane v17, v0;
	_ =	sdelay $0x1  }
0x17c: {  	vm9 =	vlt.s32 v17, v29  }
0x17d: {  	v17 =	vsel vm9, v17, v29  }
0x17e: {  	v18 =	vperm.xlane v17, v1;
	_ =	sdelay $0x1  }
0x17f: {  	vm0 =	vlt.s32 v17, v18  }
0x180: {  	v17 =	vsel vm0, v17, v18  }
0x181: {  	v18 =	vperm.xlane v17, v2;
	_ =	sdelay $0x1  }
0x182: {  	vm0 =	vlt.s32 v17, v18  }
0x183: {  	v17 =	vsel vm0, v17, v18  }
0x184: {  	v18 =	vperm.xlane v17, v3;
	_ =	sdelay $0x1  }
0x185: {  	vm0 =	vlt.s32 v17, v18  }
0x186: {  	v33 =	vimm.s32 $0x0;
	v17 =	vsel vm0, v17, v18  }
0x187: {  	vm10 =	veq.s32 v17, v4;
	vm11 =	veq.s32 v17, v7;
	vm0 =	veq.s32 v17, v5  }
0x188: {  	vm12 =	veq.s32 v17, v6;
	v13 =	vsel vm10, $0xFF61B1E6, v13;
	v14 =	vsel vm11, $0xFF61B1E6, v14  }
0x189: {  	v17 =	vsel vm12, $0xFFFFFFFF, v33;
	v15 =	vsel vm12, $0xFF61B1E6, v15;
	v34 =	vmax.f32 v13, v14  }
0x18a: {  	v16 =	vsel vm0, $0xFF61B1E6, v16;
	[tilespmem:$0x1FEB0] =	vst v17;
	v17 =	vmax.f32 v34, v15  }
0x18b: {  	v30 =	vimm.s32 $0x0;
	v17 =	vmax.f32 v17, v16  }
0x18c: {  	v31 =	vimm.s32 $0x0;
	v18 =	vsel vm10, $0xFFFFFFFF, v30;
	v35 =	vperm.xlane v17, v0  }
0x18d: {  	v32 =	vimm.s32 $0x0;
	[tilespmem:$0x1FE90] =	vst v18;
	v18 =	vsel vm11, $0xFFFFFFFF, v31  }
0x18e: {  	[tilespmem:$0x1FEA0] =	vst v18;
	v18 =	vsel vm0, $0xFFFFFFFF, v32;
	v17 =	vmax.f32 v17, v35  }
0x18f: {  	[tilespmem:$0x1FF10] =	vst v18;
	v18 =	vperm.xlane v17, v1;
	_ =	sdelay $0x1  }
0x190: {  	v17 =	vmax.f32 v17, v18  }
0x191: {  	v18 =	vperm.xlane v17, v2;
	_ =	sdelay $0x1  }
0x192: {  	v17 =	vmax.f32 v17, v18  }
0x193: {  	v18 =	vperm.xlane v17, v3;
	_ =	sdelay $0x1  }
0x194: {  	v17 =	vmax.f32 v17, v18  }
0x195: {  	vm14 =	veq.f32 v16, v17  }
0x196: {  	vm1 =	veq.f32 v15, v17;
	v36 =	vnsel vm14, $0x40000000, v5  }
0x197: {  	vm13 =	veq.f32 v14, v17;
	vm15 =	veq.f32 v13, v17;
	v17 =	vsel vm1, v6, v36  }
0x198: {  	v17 =	vsel vm13, v7, v17  }
0x199: {  	v17 =	vsel vm15, v4, v17  }
0x19a: {  	v37 =	vperm.xlane v17, v0;
	_ =	sdelay $0x1  }
0x19b: {  	vm4 =	vlt.s32 v17, v37  }
0x19c: {  	v17 =	vsel vm4, v17, v37  }
0x19d: {  	v18 =	vperm.xlane v17, v1;
	_ =	sdelay $0x1  }
0x19e: {  	vm0 =	vlt.s32 v17, v18  }
0x19f: {  	v17 =	vsel vm0, v17, v18  }
0x1a0: {  	v18 =	vperm.xlane v17, v2;
	_ =	sdelay $0x1  }
0x1a1: {  	vm0 =	vlt.s32 v17, v18  }
0x1a2: {  	v17 =	vsel vm0, v17, v18  }
0x1a3: {  	v18 =	vperm.xlane v17, v3;
	_ =	sdelay $0x1  }
0x1a4: {  	vm0 =	vlt.s32 v17, v18  }
0x1a5: {  	v41 =	vimm.s32 $0x0;
	v17 =	vsel vm0, v17, v18  }
0x1a6: {  	vm0 =	veq.s32 v17, v4;
	vm5 =	veq.s32 v17, v7;
	vm6 =	veq.s32 v17, v6  }
0x1a7: {  	vm7 =	veq.s32 v17, v5;
	v13 =	vsel vm0, $0xFF61B1E6, v13;
	v14 =	vsel vm5, $0xFF61B1E6, v14  }
0x1a8: {  	v17 =	vsel vm7, $0xFFFFFFFF, v41;
	v15 =	vsel vm6, $0xFF61B1E6, v15;
	v42 =	vmax.f32 v13, v14  }
0x1a9: {  	v16 =	vsel vm7, $0xFF61B1E6, v16;
	[tilespmem:$0x1FF00] =	vst v17;
	v17 =	vmax.f32 v42, v15  }
0x1aa: {  	v38 =	vimm.s32 $0x0;
	v17 =	vmax.f32 v17, v16  }
0x1ab: {  	v39 =	vimm.s32 $0x0;
	v18 =	vsel vm0, $0xFFFFFFFF, v38;
	v43 =	vperm.xlane v17, v0  }
0x1ac: {  	v40 =	vimm.s32 $0x0;
	[tilespmem:$0x1FE60] =	vst v18;
	v18 =	vsel vm5, $0xFFFFFFFF, v39  }
0x1ad: {  	[tilespmem:$0x1FE70] =	vst v18;
	v18 =	vsel vm6, $0xFFFFFFFF, v40;
	v17 =	vmax.f32 v17, v43  }
0x1ae: {  	[tilespmem:$0x1FE80] =	vst v18;
	v18 =	vperm.xlane v17, v1;
	_ =	sdelay $0x1  }
0x1af: {  	v17 =	vmax.f32 v17, v18  }
0x1b0: {  	v18 =	vperm.xlane v17, v2;
	_ =	sdelay $0x1  }
0x1b1: {  	v17 =	vmax.f32 v17, v18  }
0x1b2: {  	v18 =	vperm.xlane v17, v3;
	_ =	sdelay $0x1  }
0x1b3: {  	v17 =	vmax.f32 v17, v18  }
0x1b4: {  	vm9 =	veq.f32 v16, v17  }
0x1b5: {  	vm10 =	veq.f32 v15, v17;
	v44 =	vnsel vm9, $0x40000000, v5  }
0x1b6: {  	vm8 =	veq.f32 v13, v17;
	vm1 =	veq.f32 v14, v17;
	v17 =	vsel vm10, v6, v44  }
0x1b7: {  	v17 =	vsel vm1, v7, v17  }
0x1b8: {  	v17 =	vsel vm8, v4, v17  }
0x1b9: {  	v45 =	vperm.xlane v17, v0;
	_ =	sdelay $0x1  }
0x1ba: {  	vm0 =	vlt.s32 v17, v45  }
0x1bb: {  	v17 =	vsel vm0, v17, v45  }
0x1bc: {  	v18 =	vperm.xlane v17, v1;
	_ =	sdelay $0x1  }
0x1bd: {  	vm0 =	vlt.s32 v17, v18  }
0x1be: {  	v17 =	vsel vm0, v17, v18  }
0x1bf: {  	v18 =	vperm.xlane v17, v2;
	_ =	sdelay $0x1  }
0x1c0: {  	vm0 =	vlt.s32 v17, v18  }
0x1c1: {  	v17 =	vsel vm0, v17, v18  }
0x1c2: {  	v18 =	vperm.xlane v17, v3;
	_ =	sdelay $0x1  }
0x1c3: {  	vm0 =	vlt.s32 v17, v18  }
0x1c4: {  	v49 =	vimm.s32 $0x0;
	v17 =	vsel vm0, v17, v18  }
0x1c5: {  	vm11 =	veq.s32 v17, v4;
	vm12 =	veq.s32 v17, v7;
	vm0 =	veq.s32 v17, v5  }
0x1c6: {  	vm13 =	veq.s32 v17, v6;
	v13 =	vsel vm11, $0xFF61B1E6, v13;
	v14 =	vsel vm12, $0xFF61B1E6, v14  }
0x1c7: {  	v17 =	vsel vm13, $0xFFFFFFFF, v49;
	v15 =	vsel vm13, $0xFF61B1E6, v15;
	v50 =	vmax.f32 v13, v14  }
0x1c8: {  	v16 =	vsel vm0, $0xFF61B1E6, v16;
	[tilespmem:$0x1FE50] =	vst v17;
	v17 =	vmax.f32 v50, v15  }
0x1c9: {  	v46 =	vimm.s32 $0x0;
	v17 =	vmax.f32 v17, v16  }
0x1ca: {  	v47 =	vimm.s32 $0x0;
	v18 =	vsel vm11, $0xFFFFFFFF, v46;
	v51 =	vperm.xlane v17, v0  }
0x1cb: {  	v48 =	vimm.s32 $0x0;
	[tilespmem:$0x1FE30] =	vst v18;
	v18 =	vsel vm12, $0xFFFFFFFF, v47  }
0x1cc: {  	[tilespmem:$0x1FE40] =	vst v18;
	v18 =	vsel vm0, $0xFFFFFFFF, v48;
	v17 =	vmax.f32 v17, v51  }
0x1cd: {  	[tilespmem:$0x1FEF0] =	vst v18;
	v18 =	vperm.xlane v17, v1;
	_ =	sdelay $0x1  }
0x1ce: {  	v17 =	vmax.f32 v17, v18  }
0x1cf: {  	v18 =	vperm.xlane v17, v2;
	_ =	sdelay $0x1  }
0x1d0: {  	v17 =	vmax.f32 v17, v18  }
0x1d1: {  	v18 =	vperm.xlane v17, v3;
	_ =	sdelay $0x1  }
0x1d2: {  	v17 =	vmax.f32 v17, v18  }
0x1d3: {  	vm15 =	veq.f32 v16, v17  }
0x1d4: {  	vm1 =	veq.f32 v15, v17;
	v52 =	vnsel vm15, $0x40000000, v5  }
0x1d5: {  	vm14 =	veq.f32 v14, v17;
	vm6 =	veq.f32 v13, v17;
	v17 =	vsel vm1, v6, v52  }
0x1d6: {  	v17 =	vsel vm14, v7, v17  }
0x1d7: {  	v17 =	vsel vm6, v4, v17  }
0x1d8: {  	v53 =	vperm.xlane v17, v0;
	_ =	sdelay $0x1  }
0x1d9: {  	vm7 =	vlt.s32 v17, v53  }
0x1da: {  	v17 =	vsel vm7, v17, v53  }
0x1db: {  	v18 =	vperm.xlane v17, v1;
	_ =	sdelay $0x1  }
0x1dc: {  	vm0 =	vlt.s32 v17, v18  }
0x1dd: {  	v17 =	vsel vm0, v17, v18  }
0x1de: {  	v18 =	vperm.xlane v17, v2;
	_ =	sdelay $0x1  }
0x1df: {  	vm0 =	vlt.s32 v17, v18  }
0x1e0: {  	v17 =	vsel vm0, v17, v18  }
0x1e1: {  	v18 =	vperm.xlane v17, v3;
	_ =	sdelay $0x1  }
0x1e2: {  	vm0 =	vlt.s32 v17, v18  }
0x1e3: {  	v17 =	vsel vm0, v17, v18  }
0x1e4: {  	vm14 =	veq.s32 v17, v4;
	vm13 =	veq.s32 v17, v7  }
0x1e5: {  	vm12 =	veq.s32 v17, v6;
	v13 =	vsel vm14, $0xFF61B1E6, v13;
	v14 =	vsel vm13, $0xFF61B1E6, v14  }
0x1e6: {  	vm15 =	veq.s32 v17, v5;
	v15 =	vsel vm12, $0xFF61B1E6, v15;
	v54 =	vmax.f32 v13, v14  }
0x1e7: {  	v16 =	vsel vm15, $0xFF61B1E6, v16;
	v17 =	vmax.f32 v54, v15  }
0x1e8: {  	v17 =	vmax.f32 v17, v16  }
0x1e9: {  	v55 =	vperm.xlane v17, v0;
	_ =	sdelay $0x1  }
0x1ea: {  	v17 =	vmax.f32 v17, v55  }
0x1eb: {  	v18 =	vperm.xlane v17, v1;
	_ =	sdelay $0x1  }
0x1ec: {  	v17 =	vmax.f32 v17, v18  }
0x1ed: {  	v18 =	vperm.xlane v17, v2;
	_ =	sdelay $0x1  }
0x1ee: {  	v17 =	vmax.f32 v17, v18  }
0x1ef: {  	v18 =	vperm.xlane v17, v3;
	_ =	sdelay $0x1  }
0x1f0: {  	v17 =	vmax.f32 v17, v18  }
0x1f1: {  	vm10 =	veq.f32 v16, v17  }
0x1f2: {  	vm9 =	veq.f32 v15, v17;
	v56 =	vnsel vm10, $0x40000000, v5  }
0x1f3: {  	vm8 =	veq.f32 v14, v17;
	vm11 =	veq.f32 v13, v17;
	v17 =	vsel vm9, v6, v56  }
0x1f4: {  	v17 =	vsel vm8, v7, v17  }
0x1f5: {  	v17 =	vsel vm11, v4, v17  }
0x1f6: {  	v57 =	vperm.xlane v17, v0;
	_ =	sdelay $0x1  }
0x1f7: {  	vm6 =	vlt.s32 v17, v57  }
0x1f8: {  	v17 =	vsel vm6, v17, v57  }
0x1f9: {  	v18 =	vperm.xlane v17, v1;
	_ =	sdelay $0x1  }
0x1fa: {  	vm0 =	vlt.s32 v17, v18  }
0x1fb: {  	v17 =	vsel vm0, v17, v18  }
0x1fc: {  	v18 =	vperm.xlane v17, v2;
	_ =	sdelay $0x1  }
0x1fd: {  	vm0 =	vlt.s32 v17, v18  }
0x1fe: {  	v17 =	vsel vm0, v17, v18  }
0x1ff: {  	v18 =	vperm.xlane v17, v3;
	_ =	sdelay $0x1  }
0x200: {  	vm0 =	vlt.s32 v17, v18  }
0x201: {  	v17 =	vsel vm0, v17, v18  }
0x202: {  	vm9 =	veq.s32 v17, v4;
	vm10 =	veq.s32 v17, v7  }
0x203: {  	vm8 =	veq.s32 v17, v6;
	v13 =	vsel vm9, $0xFF61B1E6, v13;
	v14 =	vsel vm10, $0xFF61B1E6, v14  }
0x204: {  	vm11 =	veq.s32 v17, v5;
	v15 =	vsel vm8, $0xFF61B1E6, v15;
	v58 =	vmax.f32 v13, v14  }
0x205: {  	v16 =	vsel vm11, $0xFF61B1E6, v16;
	v17 =	vmax.f32 v58, v15  }
0x206: {  	v17 =	vmax.f32 v17, v16  }
0x207: {  	v59 =	vperm.xlane v17, v0;
	_ =	sdelay $0x1  }
0x208: {  	v17 =	vmax.f32 v17, v59  }
0x209: {  	v18 =	vperm.xlane v17, v1;
	_ =	sdelay $0x1  }
0x20a: {  	v17 =	vmax.f32 v17, v18  }
0x20b: {  	v18 =	vperm.xlane v17, v2;
	_ =	sdelay $0x1  }
0x20c: {  	v17 =	vmax.f32 v17, v18  }
0x20d: {  	v18 =	vperm.xlane v17, v3;
	_ =	sdelay $0x1  }
0x20e: {  	v17 =	vmax.f32 v17, v18  }
0x20f: {  	vm7 =	veq.f32 v16, v17  }
0x210: {  	vm1 =	veq.f32 v15, v17;
	v60 =	vnsel vm7, $0x40000000, v5  }
0x211: {  	vm0 =	veq.f32 v14, v17;
	vm6 =	veq.f32 v13, v17;
	v17 =	vsel vm1, v6, v60  }
0x212: {  	v17 =	vsel vm0, v7, v17  }
0x213: {  	v17 =	vsel vm6, v4, v17  }
0x214: {  	v61 =	vperm.xlane v17, v0;
	_ =	sdelay $0x1  }
0x215: {  	vm7 =	vlt.s32 v17, v61  }
0x216: {  	v17 =	vsel vm7, v17, v61  }
0x217: {  	v18 =	vperm.xlane v17, v1;
	_ =	sdelay $0x1  }
0x218: {  	vm0 =	vlt.s32 v17, v18  }
0x219: {  	v17 =	vsel vm0, v17, v18  }
0x21a: {  	v18 =	vperm.xlane v17, v2;
	_ =	sdelay $0x1  }
0x21b: {  	vm0 =	vlt.s32 v17, v18  }
0x21c: {  	v17 =	vsel vm0, v17, v18  }
0x21d: {  	v18 =	vperm.xlane v17, v3;
	_ =	sdelay $0x1  }
0x21e: {  	vm0 =	vlt.s32 v17, v18  }
0x21f: {  	v17 =	vsel vm0, v17, v18  }
0x220: {  	vm6 =	veq.s32 v17, v4;
	vm5 =	veq.s32 v17, v7  }
0x221: {  	vm4 =	veq.s32 v17, v6;
	v13 =	vsel vm6, $0xFF61B1E6, v13;
	v14 =	vsel vm5, $0xFF61B1E6, v14  }
0x222: {  	vm7 =	veq.s32 v17, v5;
	v15 =	vsel vm4, $0xFF61B1E6, v15;
	v62 =	vmax.f32 v13, v14  }
0x223: {  	v16 =	vsel vm7, $0xFF61B1E6, v16;
	v17 =	vmax.f32 v62, v15  }
0x224: {  	v17 =	vmax.f32 v17, v16  }
0x225: {  	v63 =	vperm.xlane v17, v0;
	_ =	sdelay $0x1  }
0x226: {  	v17 =	vmax.f32 v17, v63  }
0x227: {  	v18 =	vperm.xlane v17, v1;
	_ =	sdelay $0x1  }
0x228: {  	v17 =	vmax.f32 v17, v18  }
0x229: {  	v18 =	vperm.xlane v17, v2;
	_ =	sdelay $0x1  }
0x22a: {  	v17 =	vmax.f32 v17, v18  }
0x22b: {  	v18 =	vperm.xlane v17, v3;
	_ =	sdelay $0x1  }
0x22c: {  	v17 =	vmax.f32 v17, v18  }
0x22d: {  	vm0 =	veq.f32 v16, v17  }
0x22e: {  	vm1 =	veq.f32 v15, v17;
	vm2 =	veq.f32 v13, v17;
	v13 =	vnsel vm0, $0x40000000, v5  }
0x22f: {  	vm3 =	veq.f32 v14, v17;
	v13 =	vsel vm1, v6, v13  }
0x230: {  	v13 =	vsel vm3, v7, v13  }
0x231: {  	v13 =	vsel vm2, v4, v13  }
0x232: {  	v14 =	vperm.xlane v13, v0;
	_ =	sdelay $0x1  }
0x233: {  	vm0 =	vlt.s32 v13, v14  }
0x234: {  	v13 =	vsel vm0, v13, v14  }
0x235: {  	v14 =	vperm.xlane v13, v1;
	_ =	sdelay $0x1  }
0x236: {  	vm0 =	vlt.s32 v13, v14  }
0x237: {  	v13 =	vsel vm0, v13, v14  }
0x238: {  	v14 =	vperm.xlane v13, v2  }
0x239: {  	v10 =	vmul.f32 $1.442695020e+00, v12;
	v12 =	vmul.f32 $1.442695020e+00, v19  }
0x23a: {  	vm0 =	vlt.s32 v13, v14  }
0x23b: {  	(erf) = vpow2.f32 v12;
	v13 =	vsel vm0, v13, v14  }
0x23c: {  	(erf) = vpow2.f32 v11;
	v14 =	vperm.xlane v13, v3  }
0x23d: {  	(erf) = vpow2.f32 v10  }
0x23e: {  	(erf) = vpow2.f32 v9;
	v9 =	vld [tilespmem:$0x1FE30];
	vm0 =	vlt.s32 v13, v14  }
0x23f: {  	v10 =	vsel vm0, v13, v14  }
0x240: {  	vm1 =	veq.s32 v10, v7  }
0x241: {  	vm1 =	vmor vm1, vm5  }
0x242: {  	vm1 =	vmor vm1, vm10  }
0x243: {  	vm1 =	vmor vm1, vm13;
	vm13 =	vnez.u8 v9;
	v9 =	vld [tilespmem:$0x1FE40];
	_ =	sdelay $0x1  }
0x244: {  	vm0 =	veq.s32 v10, v4  }
0x245: {  	vm0 =	vmor vm0, vm6  }
0x246: {  	vm0 =	vmor vm0, vm9  }
0x247: {  	vm0 =	vmor vm0, vm14;
	vm14 =	vnez.u8 v9;
	v9 =	vld [tilespmem:$0x1FE50];
	_ =	sdelay $0x4  }
0x248: {  	vm6 =	vnez.u8 v9;
	v9 =	vld [tilespmem:$0x1FE60];
	_ =	sdelay $0x2  }
0x249: {  	vm2 =	veq.s32 v10, v6  }
0x24a: {  	vm2 =	vmor vm2, vm4  }
0x24b: {  	vm2 =	vmor vm2, vm8;
	vm8 =	vnez.u8 v9;
	v9 =	vld [tilespmem:$0x1FE70];
	_ =	sdelay $0x4  }
0x24c: {  	vm9 =	vnez.u8 v9;
	v9 =	vld [tilespmem:$0x1FE80];
	_ =	sdelay $0x4  }
0x24d: {  	vm10 =	vnez.u8 v9;
	v9 =	vld [tilespmem:$0x1FE90];
	_ =	sdelay $0x4  }
0x24e: {  	vm2 =	vmor vm2, vm12;
	vm12 =	vnez.u8 v9;
	v9 =	vld [tilespmem:$0x1FEA0];
	_ =	sdelay $0x4  }
0x24f: {  	vm0 =	vmor vm0, vm13;
	vm13 =	vnez.u8 v9;
	v9 =	vld [tilespmem:$0x1FEB0];
	_ =	sdelay $0x4  }
0x250: {  	vm1 =	vmor vm1, vm14;
	vm14 =	vnez.u8 v9;
	v9 =	vld [tilespmem:$0x1FEC0];
	_ =	sdelay $0x4  }
0x251: {  	vm2 =	vmor vm2, vm6;
	vm6 =	vnez.u8 v9;
	v9 =	vld [tilespmem:$0x1FED0];
	_ =	sdelay $0x4  }
0x252: {  	vm0 =	vmor vm0, vm8;
	vm8 =	vnez.u8 v9;
	v9 =	vld [tilespmem:$0x1FEE0];
	_ =	sdelay $0x2  }
0x253: {  	v12 =	vpop (erf)  }
0x254: {  	v11 =	vpop (erf);
	vm1 =	vmor vm1, vm9;
	vm2 =	vmor vm2, vm10;
	vm0 =	vmor vm0, vm12  }
0x255: {  	vm2 =	vmor vm2, vm14;
	vm0 =	vmor vm0, vm6;
	vm9 =	vnez.u8 v9;
	v9 =	vpop (erf)  }
0x256: {  	vm10 =	veq.s32 v10, v5;
	v13 =	vsel vm0, $0x3F800000, v8;
	vm2 =	vmor vm2, vm9;
	v10 =	vpop (erf)  }
0x257: {  	v10 =	vmul.f32 v13, v10;
	v13 =	vsel vm2, $0x3F800000, v8  }
0x258: {  	v11 =	vmul.f32 v13, v11;
	v13 =	vld [tilespmem:$0x1FEF0];
	_ =	sdelay $0x2  }
0x259: {  	vm1 =	vmor vm1, vm13  }
0x25a: {  	vm1 =	vmor vm1, vm8  }
0x25b: {  	v14 =	vsel vm1, $0x3F800000, v8;
	vm12 =	vnez.u8 v13;
	v13 =	vld [tilespmem:$0x1FF00]  }
0x25c: {  	v9 =	vmul.f32 v14, v9;
	_ =	sdelay $0x1  }
0x25d: {  	v14 =	vadd.f32 v9, v10;
	_ =	sdelay $0x1  }
0x25e: {  	vm13 =	vnez.u8 v13;
	v13 =	vadd.f32 v14, v11;
	v14 =	vld [tilespmem:$0x1FF10];
	_ =	sdelay $0x4  }
0x25f: {  	vm0 =	vmor vm10, vm7;
	vm14 =	vnez.u8 v14;
	v14 =	vld [tilespmem:$0x1FF20]  }
0x260: {  	vm0 =	vmor vm0, vm11  }
0x261: {  	vm0 =	vmor vm0, vm15  }
0x262: {  	vm0 =	vmor vm0, vm12  }
0x263: {  	vm0 =	vmor vm0, vm13  }
0x264: {  	vm0 =	vmor vm0, vm14;
	vm15 =	vnez.u8 v14  }
0x265: {  	vm0 =	vmor vm0, vm15  }
0x266: {  	v14 =	vsel vm0, $0x3F800000, v8  }
0x267: {  	v12 =	vmul.f32 v14, v12;
	_ =	sdelay $0x1  }
0x268: {  	v13 =	vadd.f32 v13, v12;
	_ =	sdelay $0x1  }
0x269: {  	v14 =	vperm.xlane v13, v0;
	_ =	sdelay $0x1  }
0x26a: {  	v13 =	vadd.f32 v13, v14;
	_ =	sdelay $0x1  }
0x26b: {  	v14 =	vperm.xlane v13, v1;
	_ =	sdelay $0x1  }
0x26c: {  	v13 =	vadd.f32 v13, v14;
	_ =	sdelay $0x1  }
0x26d: {  	v14 =	vperm.xlane v13, v2;
	_ =	sdelay $0x1  }
0x26e: {  	v13 =	vadd.f32 v13, v14;
	_ =	sdelay $0x1  }
0x26f: {  	v14 =	vperm.xlane v13, v3;
	_ =	sdelay $0x1  }
0x270: {  	v13 =	vadd.f32 v13, v14;
	_ =	sdelay $0x1  }
0x271: {  	(erf) = vrcp.f32 v13;
	_ =	sdelay $0x3  }
0x272: {  	p0 =	sne.s32 s7, $0x1  }
.Ltmp1:
0x273: {  	_ = 	snop;
	(pc) =	sbr.rel @p0 .LBB2_1-.Ltmp1, $2  }
0x274: {  	_ =	sdelay $0x2  }
0x275: {  	s7 =	sadd.s32 $0xFFFFFFFF, s7;
	v13 =	vpop (erf)  }
.LBB2_2:
0x276: {  	v0 =	vmul.f32 v13, v10  }
0x277: {  	v1 =	vmul.f32 v13, v12  }
0x278: {  	v2 =	vmul.f32 v13, v9;
	[tilespmem:$0x80] =	vst v0  }
0x279: {  	v63 =	vmul.f32 v13, v11;
	[tilespmem:$0xB0] =	vst v1  }
0x27a: {  	[tilespmem:$0x90] =	vst v2  }
0x27b: {  	[tilespmem:$0xA0] =	vst v63  }
0x27c: {  	[hbm4b:s5+s2] =	stream.linear.scatter [tilespmem:s6], [sflag:$0x1], $0x80, $0x38;
	[tilespmem:$0x100] =	vst v63  }
0x27d: {  	_ =	swait.ge [sflag:s3], $0x80  }
0x27e: {  	[sflag:s3] =	ssyncset.done $0x0  }
0x27f: {  	[sflag:s3] =	ssyncadd.s32 $0xFFFFFF80  }
0x280: {  	_ =	sfence.sel $0x180000  }
0x281: {  	[bflag:$0x0] =	sbarrier.arrive $0xFFFF  }
0x282: {  	p0 =	sne.s32 s1, $0x0;
	_ =	strace $0x90000047  }
0x283: {  	s0 =	sadd.s32 @!p0 $0x100000, s0;
	[bflag:$0x2] =	sbarrier.arrive $0xFFFF  }
0x284: {  	[sflag:s0] =	ssyncadd.tile.s32 @!p0 $0x1;
	_ =	shalt  }
.Lfunc_end2:
_tile_overlayer_lowered:
.L_overlay_start_2:
0x285: {  	(tag) =	ssettag $0x2  }
0x286: {  	s0 =	rddreg [dreg:$0x0];
	s2 =	stileid.u32  }
0x287: {  	s1 =	rddreg [dreg:$0x1];
	p0 =	sne.s32 s2, $0x0  }
0x288: {  	s3 =	rddreg [dreg:$0x2];
	[bflag:$0x3] =	sbarrier.arrive $0xFFFF;
	s2 =	simm.s32 @!p0 $0x1C01  }
0x289: {  	[timem:s3], [sflag:s2] =	dma.local @!p0 [hbm:s0], s1  }
0x28a: {  	s0 =	simm.s32 @!p0 $0x1  }
0x28b: {  	_ =	swait.ge @!p0 [sflag:s0], s1  }
0x28c: {  	s1 =	ssub.s32 @!p0 $0x0, s1;
	[sflag:s0] =	ssyncset.done @!p0 $0x0  }
0x28d: {  	[sflag:s0] =	ssyncadd.s32 @!p0 s1  }
0x28e: {  	[bflag:$0x3] =	sbarrier.arrive $0xFFFF  }
0x28f: {  	_ =	shalt  }

</sc_bundles>
